<compile_context>
chip_gen: v7x
topology: tpu7x:2x2x1
jax: 0.10.2.dev20260603
libtpu: 0.0.44.dev20260713+nightly
codegen_flags: <defaults>
</compile_context>

<pallas_src>
import functools

import jax
import jax.numpy as jnp
from jax import lax
from jax.experimental import pallas as pl
from jax.experimental.pallas import tpu as pltpu
from jax.experimental.pallas import tpu_sc as plsc

NC = 2
NS = 16
NW = NC * NS
CHUNK = 128
REAL = 125


def _mesh():
    return plsc.VectorSubcoreMesh(
        core_axis_name="c", subcore_axis_name="s",
        num_cores=NC, num_subcores=NS)


_SC_PARAMS = pltpu.CompilerParams(use_tc_tiling_on_sc=False,
                                  needs_layout_passes=False)




def _rsqrt16(x):
    i = plsc.bitcast(x, jnp.int32)
    y = plsc.bitcast(jnp.int32(0x5F3759DF) - (i >> 1), jnp.float32)
    for _ in range(3):
        y = y * (1.5 - 0.5 * x * y * y)
    return y


def _make_deg(E, n_pad):
    nit = E // NS // REAL
    nit_w = E // NW // REAL
    rps = n_pad // NS
    rph = n_pad // NW

    @functools.partial(
        pl.kernel,
        out_type=jax.ShapeDtypeStruct((n_pad, 16), jnp.float32),
        mesh=_mesh(),
        scratch_types=[
            pltpu.VMEM((nit, CHUNK), jnp.int32),
            pltpu.VMEM((-(-CHUNK // 16) * 16,), jnp.float32),
            pltpu.VMEM((rps,), jnp.float32),
            pltpu.VMEM((rph,), jnp.float32),
            pltpu.VMEM((rph, 16), jnp.float32),
            pltpu.VMEM_SHARED((n_pad,), jnp.float32),
            pltpu.SemaphoreType.DMA,
        ],
        compiler_params=_SC_PARAMS,
    )
    def deg_kernel(e4_hbm, out_hbm, didx, ones_v, stage, ybuf, rows_out,
                   acc, sem):
        cid = lax.axis_index("c")
        sid = lax.axis_index("s")

        def seto(j, carry):
            ones_v[pl.ds(j * 16, 16)] = jnp.ones((16,), jnp.float32)
            return carry
        lax.fori_loop(0, -(-CHUNK // 16), seto, None)

        def setz(j, carry):
            stage[pl.ds(j * 16, 16)] = jnp.zeros((16,), jnp.float32)
            return carry
        lax.fori_loop(0, rps // 16, setz, None)
        pltpu.sync_copy(stage, acc.at[pl.ds(sid * rps, rps)])
        for b in range(NC):
            pltpu.sync_copy(e4_hbm.at[1, NC * sid + b],
                            didx.at[pl.ds(b * nit_w, nit_w)])
        plsc.subcore_barrier()

        def step(i, carry):
            pltpu.async_copy(ones_v, acc.at[didx.at[i]], sem, add=True)
            return carry
        lax.fori_loop(0, nit, step, None)

        def drain(i, carry):
            pltpu.make_async_copy(ones_v, acc.at[didx.at[i]], sem).wait()
            return carry
        lax.fori_loop(0, nit, drain, None)
        plsc.subcore_barrier()

        nbase = cid * (n_pad // NC) + sid * rph
        pltpu.sync_copy(acc.at[pl.ds(nbase, rph)], ybuf)

        def rs(g, carry):
            v = ybuf[pl.ds(g * 16, 16)]
            ybuf[pl.ds(g * 16, 16)] = _rsqrt16(v + 1.0)
            return carry
        lax.fori_loop(0, rph // 16, rs, None)

        def splat(g, carry):
            v = ybuf[pl.ds(g * 16, 16)]
            for j in range(16):
                rows_out[g * 16 + j, :] = jnp.full((16,), v[j], jnp.float32)
            return carry
        lax.fori_loop(0, rph // 16, splat, None)
        pltpu.sync_copy(rows_out, out_hbm.at[pl.ds(nbase, rph)])

    return deg_kernel


def _make_agg(N, E, n_pad, D):
    nit = E // NW // REAL
    rps = n_pad // NS

    NB = 8
    AHEAD = 4
    assert nit % NB == 0 and nit >= 2 * NB

    @functools.partial(
        pl.kernel,
        out_type=jax.ShapeDtypeStruct((NC, n_pad, D), jnp.float32),
        mesh=_mesh(),
        scratch_types=[
            pltpu.VMEM((nit, CHUNK), jnp.int32),
            pltpu.VMEM((nit, CHUNK), jnp.int32),
            pltpu.VMEM((NB, CHUNK, D), jnp.float32),
            pltpu.VMEM((rps, D), jnp.float32),
            pltpu.VMEM_SHARED((n_pad, D), jnp.float32),
            pltpu.VMEM_SHARED((n_pad, D), jnp.float32),
            [pltpu.SemaphoreType.DMA] * NB,
            [pltpu.SemaphoreType.DMA] * NB,
        ],
        compiler_params=_SC_PARAMS,
    )
    def agg_kernel(table_hbm, e4_hbm, out_hbm,
                   sidx, didx, rows, stage, acc, table_sh, gsems, ssems):
        cid = lax.axis_index("c")
        sid = lax.axis_index("s")
        wid = sid * NC + cid
        rsl = pl.ds(sid * rps, rps)

        pltpu.async_copy(e4_hbm.at[0, wid], sidx, gsems[0])
        pltpu.async_copy(e4_hbm.at[1, wid], didx, gsems[1])
        pltpu.async_copy(table_hbm.at[rsl], table_sh.at[rsl], gsems[2])

        @pl.when(cid == 0)
        def _():
            pltpu.async_copy(table_hbm.at[rsl], acc.at[rsl], gsems[3])
            pltpu.make_async_copy(table_hbm.at[rsl], acc.at[rsl],
                                  gsems[3]).wait()

        @pl.when(cid == 1)
        def _():
            def setz(j, carry):
                stage[j, :] = jnp.zeros((D,), jnp.float32)
                return carry
            lax.fori_loop(0, rps, setz, None)
            pltpu.sync_copy(stage, acc.at[rsl])

        pltpu.make_async_copy(e4_hbm.at[0, wid], sidx, gsems[0]).wait()
        pltpu.make_async_copy(e4_hbm.at[1, wid], didx, gsems[1]).wait()
        pltpu.make_async_copy(table_hbm.at[rsl], table_sh.at[rsl],
                              gsems[2]).wait()
        plsc.subcore_barrier()

        def gstart(i, b):
            pltpu.async_copy(table_sh.at[sidx.at[i]], rows.at[b], gsems[b])

        def gwait(i, b):
            pltpu.make_async_copy(table_sh.at[sidx.at[i]], rows.at[b],
                                  gsems[b]).wait()

        def sstart(i, b):
            pltpu.async_copy(rows.at[b], acc.at[didx.at[i]], ssems[b],
                             add=True)

        def swait(i, b):
            pltpu.make_async_copy(rows.at[b], acc.at[didx.at[i]],
                                  ssems[b]).wait()

        for b in range(AHEAD):
            gstart(b, b)

        def round_(k, carry):
            base = NB * k
            for b in range(NB):
                i = base + b
                gwait(i, b)
                sstart(i, b)
                j = i + AHEAD
                bj = (b + AHEAD) % NB

                @pl.when(j < nit)
                def _():
                    @pl.when(j >= NB)
                    def _():
                        swait(j - NB, bj)
                    gstart(j, bj)
            return carry
        lax.fori_loop(0, nit // NB, round_, None)

        for w in range(nit - AHEAD, nit):
            swait(w, w % NB)
        plsc.subcore_barrier()

        pltpu.sync_copy(acc.at[rsl], stage)
        pltpu.sync_copy(stage, out_hbm.at[cid, rsl])

    return agg_kernel




def _mm_pack(x, W, n_pad):
    N, _ = x.shape
    M = W.shape[1]
    P8 = n_pad // 8

    def body(x_ref, w_ref, o_ref):
        w = w_ref[...]
        parts = []
        for i in range(8):
            r0 = P8 * i
            nrows = min(P8, N - r0)
            h = jnp.dot(x_ref[pl.ds(r0, nrows), :], w,
                        preferred_element_type=jnp.float32)
            if nrows < P8:
                h = jnp.concatenate(
                    [h, jnp.zeros((P8 - nrows, M), jnp.float32)], axis=0)
            parts.append(h)
        o_ref[...] = jnp.concatenate(parts, axis=1)

    return pl.pallas_call(
        body, out_shape=jax.ShapeDtypeStruct((P8, 8 * M), jnp.float32),
    )(x, W)


def _scale_mul(hp, dvp):

    def body(h_ref, dv_ref, o_ref):
        o_ref[...] = h_ref[...] * dv_ref[...]

    return pl.pallas_call(
        body, out_shape=jax.ShapeDtypeStruct(hp.shape, jnp.float32),
    )(hp, dvp)


def _mid_layer(pp, dvp, b1_tiled, N):
    _, P8, L = pp.shape
    D = L // 8
    g0 = N - 7 * P8

    def body(p_ref, dv_ref, b_ref, o_ref):
        dinv = dv_ref[...]
        s = p_ref[0] + p_ref[1]
        t = jnp.maximum(s * dinv + b_ref[...], 0.0)
        o_ref[...] = t * dinv
        o_ref[pl.ds(g0, P8 - g0), (L - D):] = jnp.zeros(
            (P8 - g0, D), jnp.float32)

    return pl.pallas_call(
        body, out_shape=jax.ShapeDtypeStruct((P8, L), jnp.float32),
    )(pp, dvp, b1_tiled)


def _out_layer(pp, dvp, W2, b2_row, N):
    _, P8, L = pp.shape
    D = L // 8
    M = W2.shape[1]

    def body(p_ref, dv_ref, w_ref, b_ref, o_ref):
        a = (p_ref[0] + p_ref[1]) * dv_ref[...]
        w = w_ref[...]
        b = b_ref[...]
        for i in range(8):
            r0 = P8 * i
            nrows = min(P8, N - r0)
            ai = a[:nrows, D * i:D * (i + 1)]
            o_ref[pl.ds(r0, nrows), :] = jnp.dot(
                ai, w, preferred_element_type=jnp.float32) + b

    return pl.pallas_call(
        body, out_shape=jax.ShapeDtypeStruct((N, M), jnp.float32),
    )(pp, dvp, W2, b2_row)




def kernel(x, edge_index, W1, b1, W2, b2):
    N, _ = x.shape
    E = edge_index.shape[1]
    D_H = W1.shape[1]
    D_OUT = W2.shape[1]
    n_pad = -(-N // (NS * 16)) * (NS * 16)

    P8 = n_pad // 8
    nwin = E // REAL
    g0 = N - 7 * P8
    ngh = P8 - g0
    er = edge_index.astype(jnp.int32)
    er = ((er % P8) * 8 + er // P8).reshape(2, nwin, REAL)
    w = jnp.arange(nwin, dtype=jnp.int32)
    pads = 8 * (g0 + ((w[:, None] * (CHUNK - REAL)
                       + jnp.arange(CHUNK - REAL, dtype=jnp.int32)) % ngh)) + 7
    pads = jnp.broadcast_to(pads[None], (2, nwin, CHUNK - REAL))
    e4 = jnp.concatenate([er, pads], axis=2).reshape(
        2, NW, nwin // NW, CHUNK)

    dinv16 = _make_deg(E, n_pad)(e4)
    dvp = dinv16.reshape(P8, 8 * 16)

    agg = _make_agg(N, E, n_pad, D_H)
    b1t = jnp.tile(b1, 8).reshape(1, 8 * D_H)

    hp1 = _mm_pack(x, W1, n_pad)
    hs1p = _scale_mul(hp1, dvp)
    p1p = agg(hs1p.reshape(n_pad, D_H), e4).reshape(NC, P8, 8 * D_H)
    hs2p = _mid_layer(p1p, dvp, b1t, N)
    p2p = agg(hs2p.reshape(n_pad, D_H), e4).reshape(NC, P8, 8 * D_H)
    return _out_layer(p2p, dvp, W2, b2.reshape(1, D_OUT), N)

# --- scband reference (transcript-rebuilt; emitter-appended) ---
"""Pipeline reference for scband-gcn-37426345017679 (READ-ONLY COPY).

The authoritative reference and input builder live on the scoring server;
editing this copy changes nothing except your own understanding.
"""

import jax, jax.numpy as jnp
import numpy as np

N = 10000
E = 320000
D_IN = 128
D_HID = 16
D_OUT = 128


def glorot(key, shape):
    fan_in, fan_out = shape[0], shape[1]
    scale = jnp.sqrt(6.0 / (fan_in + fan_out))
    return jax.random.uniform(key, shape, dtype=jnp.float32, minval=-scale, maxval=scale)


def setup_inputs(seed: int = 0) -> dict:
    key = jax.random.key(seed)
    k1, k2, k3, k4 = jax.random.split(key, 4)
    x = jax.random.normal(k1, (N, D_IN), dtype=jnp.float32)
    edge_index = jax.random.randint(k2, (2, E), 0, N)
    W1 = glorot(k3, (D_IN, D_HID))
    b1 = jnp.zeros((D_HID,), dtype=jnp.float32)
    W2 = glorot(k4, (D_HID, D_OUT))
    b2 = jnp.zeros((D_OUT,), dtype=jnp.float32)
    return {"x": x, "edge_index": edge_index, "W1": W1, "b1": b1, "W2": W2, "b2": b2}


def gcn_conv(x, edge_index, W, b):
    # GCNConv: linear transform, then symmetric-normalized aggregation with self-loops
    h = x @ W
    src = edge_index[0]
    dst = edge_index[1]
    loop = jnp.arange(N, dtype=src.dtype)
    src = jnp.concatenate([src, loop])
    dst = jnp.concatenate([dst, loop])
    ones = jnp.ones(src.shape[0], dtype=h.dtype)
    deg = jax.ops.segment_sum(ones, dst, num_segments=N)
    dinv = jnp.where(deg > 0, 1.0 / jnp.sqrt(deg), 0.0)
    norm = dinv[src] * dinv[dst]
    msgs = h[src] * norm[:, None]
    out = jax.ops.segment_sum(msgs, dst, num_segments=N)
    return out + b


def reference(x, edge_index, W1, b1, W2, b2):
    h = gcn_conv(x, edge_index, W1, b1)
    h = jax.nn.relu(h)
    out = gcn_conv(h, edge_index, W2, b2)
    return out

if __name__ == "__main__":
    import jax
    _d = setup_inputs()
    print(jax.jit(kernel)(*tuple(_d.values())))

</pallas_src>

<mosaic_0001>
#map = affine_map<(d0, d1) -> (0, 0)>
#map1 = affine_map<(d0, d1) -> (0, 0, 0, 0)>
#map2 = affine_map<(d0, d1) -> (0, 0, 0)>
module attributes {stable_mosaic.version = 14 : i64} {
  func.func @agg_kernel(%arg0: i32, %arg1: i32, %arg2: memref<10240x16xf32, #tpu.memory_space<hbm>>, %arg3: memref<2x32x80x128xi32, #tpu.memory_space<hbm>>, %arg4: memref<2x10240x16xf32, #tpu.memory_space<hbm>>, %arg5: memref<80x128xi32, #tpu.memory_space<vmem>>, %arg6: memref<80x128xi32, #tpu.memory_space<vmem>>, %arg7: memref<8x128x16xf32, #tpu.memory_space<vmem>>, %arg8: memref<640x16xf32, #tpu.memory_space<vmem>>, %arg9: memref<10240x16xf32, #tpu.memory_space<vmem_shared>>, %arg10: memref<10240x16xf32, #tpu.memory_space<vmem_shared>>, %arg11: memref<!tpu.dma_semaphore, #tpu.memory_space<semaphore_mem>>, %arg12: memref<!tpu.dma_semaphore, #tpu.memory_space<semaphore_mem>>, %arg13: memref<!tpu.dma_semaphore, #tpu.memory_space<semaphore_mem>>, %arg14: memref<!tpu.dma_semaphore, #tpu.memory_space<semaphore_mem>>, %arg15: memref<!tpu.dma_semaphore, #tpu.memory_space<semaphore_mem>>, %arg16: memref<!tpu.dma_semaphore, #tpu.memory_space<semaphore_mem>>, %arg17: memref<!tpu.dma_semaphore, #tpu.memory_space<semaphore_mem>>, %arg18: memref<!tpu.dma_semaphore, #tpu.memory_space<semaphore_mem>>, %arg19: memref<!tpu.dma_semaphore, #tpu.memory_space<semaphore_mem>>, %arg20: memref<!tpu.dma_semaphore, #tpu.memory_space<semaphore_mem>>, %arg21: memref<!tpu.dma_semaphore, #tpu.memory_space<semaphore_mem>>, %arg22: memref<!tpu.dma_semaphore, #tpu.memory_space<semaphore_mem>>, %arg23: memref<!tpu.dma_semaphore, #tpu.memory_space<semaphore_mem>>, %arg24: memref<!tpu.dma_semaphore, #tpu.memory_space<semaphore_mem>>, %arg25: memref<!tpu.dma_semaphore, #tpu.memory_space<semaphore_mem>>, %arg26: memref<!tpu.dma_semaphore, #tpu.memory_space<semaphore_mem>>) attributes {dimension_semantics = [#tpu.dimension_semantics<core_parallel>, #tpu.dimension_semantics<subcore_parallel>], iteration_bounds = array<i64: 2, 16>, scalar_prefetch = 0 : i64, scratch_operands = 22 : i64, tpu.core_type = #tpu.core_type<sc_vector_subcore>, window_params = [{transform_indices = #map}, {transform_indices = #map1}, {transform_indices = #map2}]} {
    %mul3A = arith.constant 2 : i32
    %mul3A_0 = arith.muli %arg1, %mul3A : i32
    %add3A = arith.addi %mul3A_0, %arg0 : i32
    %mul3A_1 = arith.constant 640 : i32
    %mul3A_2 = arith.muli %arg1, %mul3A_1 : i32
    %dma_start3A = arith.constant 0 : i32
    %dma_start3A_3 = arith.constant 0 : i32
    %dma_start3A_4 = arith.constant 0 : i32
    %dma_start3A_5 = tpu.memref_slice %arg3[%dma_start3A, %add3A, %dma_start3A_3, %dma_start3A_4] : memref<2x32x80x128xi32, #tpu.memory_space<hbm>> -> memref<1x1x80x128xi32, #tpu.memory_space<hbm>>
    %dma_start3A_6 = tpu.memref_squeeze %dma_start3A_5 : memref<1x1x80x128xi32, #tpu.memory_space<hbm>> -> memref<80x128xi32, #tpu.memory_space<hbm>>
    %dma_start3A_7 = arith.constant 0 : i32
    %dma_start3A_8 = arith.constant 0 : i32
    %dma_start3A_9 = tpu.memref_slice %arg3[%dma_start3A, %add3A, %dma_start3A_7, %dma_start3A_8] : memref<2x32x80x128xi32, #tpu.memory_space<hbm>> -> memref<1x1x80x128xi32, #tpu.memory_space<hbm>>
    %dma_start3A_10 = tpu.memref_squeeze %dma_start3A_9 : memref<1x1x80x128xi32, #tpu.memory_space<hbm>> -> memref<80x128xi32, #tpu.memory_space<hbm>>
    tpu.enqueue_dma source(%dma_start3A_10 : memref<80x128xi32, #tpu.memory_space<hbm>>) target(%arg5 : memref<80x128xi32, #tpu.memory_space<vmem>>) target_semaphore(%arg11 : memref<!tpu.dma_semaphore, #tpu.memory_space<semaphore_mem>>)
    %dma_start3A_11 = arith.constant 1 : i32
    %dma_start3A_12 = arith.constant 0 : i32
    %dma_start3A_13 = arith.constant 0 : i32
    %dma_start3A_14 = tpu.memref_slice %arg3[%dma_start3A_11, %add3A, %dma_start3A_12, %dma_start3A_13] : memref<2x32x80x128xi32, #tpu.memory_space<hbm>> -> memref<1x1x80x128xi32, #tpu.memory_space<hbm>>
    %dma_start3A_15 = tpu.memref_squeeze %dma_start3A_14 : memref<1x1x80x128xi32, #tpu.memory_space<hbm>> -> memref<80x128xi32, #tpu.memory_space<hbm>>
    %dma_start3A_16 = arith.constant 0 : i32
    %dma_start3A_17 = arith.constant 0 : i32
    %dma_start3A_18 = tpu.memref_slice %arg3[%dma_start3A_11, %add3A, %dma_start3A_16, %dma_start3A_17] : memref<2x32x80x128xi32, #tpu.memory_space<hbm>> -> memref<1x1x80x128xi32, #tpu.memory_space<hbm>>
    %dma_start3A_19 = tpu.memref_squeeze %dma_start3A_18 : memref<1x1x80x128xi32, #tpu.memory_space<hbm>> -> memref<80x128xi32, #tpu.memory_space<hbm>>
    tpu.enqueue_dma source(%dma_start3A_19 : memref<80x128xi32, #tpu.memory_space<hbm>>) target(%arg6 : memref<80x128xi32, #tpu.memory_space<vmem>>) target_semaphore(%arg12 : memref<!tpu.dma_semaphore, #tpu.memory_space<semaphore_mem>>)
    %dma_start3A_20 = arith.constant 0 : i32
    %dma_start3A_21 = tpu.memref_slice %arg10[%mul3A_2, %dma_start3A_20] : memref<10240x16xf32, #tpu.memory_space<vmem_shared>> -> memref<640x16xf32, #tpu.memory_space<vmem_shared>>
    %dma_start3A_22 = arith.constant 0 : i32
    %dma_start3A_23 = tpu.memref_slice %arg2[%mul3A_2, %dma_start3A_22] : memref<10240x16xf32, #tpu.memory_space<hbm>> -> memref<640x16xf32, #tpu.memory_space<hbm>>
    tpu.enqueue_dma source(%dma_start3A_23 : memref<640x16xf32, #tpu.memory_space<hbm>>) target(%dma_start3A_21 : memref<640x16xf32, #tpu.memory_space<vmem_shared>>) target_semaphore(%arg13 : memref<!tpu.dma_semaphore, #tpu.memory_space<semaphore_mem>>)
    %eq3A = arith.constant 0 : i32
    %eq3A_24 = arith.cmpi eq, %arg0, %eq3A : i32
    %convert_element_type3A = arith.extui %eq3A_24 : i1 to i32
    %cond3A = arith.constant 0 : i32
    %cond3A_25 = arith.cmpi ne, %convert_element_type3A, %cond3A : i32
    scf.if %cond3A_25 {
      %dma_start3A_153 = arith.constant 0 : i32
      %dma_start3A_154 = tpu.memref_slice %arg9[%mul3A_2, %dma_start3A_153] : memref<10240x16xf32, #tpu.memory_space<vmem_shared>> -> memref<640x16xf32, #tpu.memory_space<vmem_shared>>
      %dma_start3A_155 = arith.constant 0 : i32
      %dma_start3A_156 = tpu.memref_slice %arg2[%mul3A_2, %dma_start3A_155] : memref<10240x16xf32, #tpu.memory_space<hbm>> -> memref<640x16xf32, #tpu.memory_space<hbm>>
      tpu.enqueue_dma source(%dma_start3A_156 : memref<640x16xf32, #tpu.memory_space<hbm>>) target(%dma_start3A_154 : memref<640x16xf32, #tpu.memory_space<vmem_shared>>) target_semaphore(%arg14 : memref<!tpu.dma_semaphore, #tpu.memory_space<semaphore_mem>>)
      %dma_wait3A_157 = arith.constant 0 : i32
      %dma_wait3A_158 = tpu.memref_slice %arg9[%mul3A_2, %dma_wait3A_157] : memref<10240x16xf32, #tpu.memory_space<vmem_shared>> -> memref<640x16xf32, #tpu.memory_space<vmem_shared>>
      %dma_wait3A_159 = arith.constant 0 : i32
      %dma_wait3A_160 = tpu.memref_slice %arg2[%mul3A_2, %dma_wait3A_159] : memref<10240x16xf32, #tpu.memory_space<hbm>> -> memref<640x16xf32, #tpu.memory_space<hbm>>
      tpu.wait_dma2 semaphore(%arg14 : memref<!tpu.dma_semaphore, #tpu.memory_space<semaphore_mem>>) src(%dma_wait3A_160 : memref<640x16xf32, #tpu.memory_space<hbm>>) dst(%dma_wait3A_158 : memref<640x16xf32, #tpu.memory_space<vmem_shared>>)
    } else {
    }
    %eq3A_26 = arith.constant 1 : i32
    %eq3A_27 = arith.cmpi eq, %arg0, %eq3A_26 : i32
    %convert_element_type3A_28 = arith.extui %eq3A_27 : i1 to i32
    %cond3A_29 = arith.constant 0 : i32
    %cond3A_30 = arith.cmpi ne, %convert_element_type3A_28, %cond3A_29 : i32
    scf.if %cond3A_30 {
      %scan3A_153 = arith.constant 0 : i32
      %scan3A_154 = arith.constant 640 : i32
      %scan3A_155 = arith.addi %scan3A_153, %scan3A_154 : i32
      %scan3A_156 = arith.constant 1 : i32
      scf.for %scan3A_158 = %scan3A_153 to %scan3A_155 step %scan3A_156  : i32 {
        %broadcast_in_dim3A = arith.constant 0.000000e+00 : f32
        %broadcast_in_dim3A_159 = vector.broadcast %broadcast_in_dim3A : f32 to vector<16xf32>
        %swap3A = arith.index_cast %scan3A_158 : i32 to index
        %swap3A_160 = arith.constant 0 : index
        %swap3A_161 = tpu.vector_load %arg8[%swap3A, %swap3A_160] {strides = array<i32>} : memref<640x16xf32, #tpu.memory_space<vmem>>, vector<16xf32>,
        tpu.vector_store %arg8[%swap3A, %swap3A_160], %broadcast_in_dim3A_159 {strides = array<i32>} : memref<640x16xf32, #tpu.memory_space<vmem>>, vector<16xf32>,
      }
      %scan3A_157 = arith.constant 640 : i32
      "tpu.region"() ({
        %run_scoped3A = tpu.sem_alloc : memref<!tpu.dma_semaphore, #tpu.memory_space<semaphore_mem>>
        %dma_start3A_158 = arith.constant 0 : i32
        %dma_start3A_159 = tpu.memref_slice %arg9[%mul3A_2, %dma_start3A_158] : memref<10240x16xf32, #tpu.memory_space<vmem_shared>> -> memref<640x16xf32, #tpu.memory_space<vmem_shared>>
        %dma_start3A_160 = arith.constant 0 : i32
        %dma_start3A_161 = tpu.memref_slice %arg9[%mul3A_2, %dma_start3A_160] : memref<10240x16xf32, #tpu.memory_space<vmem_shared>> -> memref<640x16xf32, #tpu.memory_space<vmem_shared>>
        tpu.enqueue_dma source(%arg8 : memref<640x16xf32, #tpu.memory_space<vmem>>) target(%dma_start3A_161 : memref<640x16xf32, #tpu.memory_space<vmem_shared>>) target_semaphore(%run_scoped3A : memref<!tpu.dma_semaphore, #tpu.memory_space<semaphore_mem>>)
        %dma_wait3A_162 = arith.constant 0 : i32
        %dma_wait3A_163 = tpu.memref_slice %arg9[%mul3A_2, %dma_wait3A_162] : memref<10240x16xf32, #tpu.memory_space<vmem_shared>> -> memref<640x16xf32, #tpu.memory_space<vmem_shared>>
        %dma_wait3A_164 = arith.constant 0 : i32
        %dma_wait3A_165 = tpu.memref_slice %arg9[%mul3A_2, %dma_wait3A_164] : memref<10240x16xf32, #tpu.memory_space<vmem_shared>> -> memref<640x16xf32, #tpu.memory_space<vmem_shared>>
        tpu.wait_dma2 semaphore(%run_scoped3A : memref<!tpu.dma_semaphore, #tpu.memory_space<semaphore_mem>>) src(%arg8 : memref<640x16xf32, #tpu.memory_space<vmem>>) dst(%dma_wait3A_165 : memref<640x16xf32, #tpu.memory_space<vmem_shared>>)
        tpu.yield
      }) : () -> ()
    } else {
    }
    %dma_wait3A = arith.constant 0 : i32
    %dma_wait3A_31 = arith.constant 0 : i32
    %dma_wait3A_32 = arith.constant 0 : i32
    %dma_wait3A_33 = tpu.memref_slice %arg3[%dma_wait3A, %add3A, %dma_wait3A_31, %dma_wait3A_32] : memref<2x32x80x128xi32, #tpu.memory_space<hbm>> -> memref<1x1x80x128xi32, #tpu.memory_space<hbm>>
    %dma_wait3A_34 = tpu.memref_squeeze %dma_wait3A_33 : memref<1x1x80x128xi32, #tpu.memory_space<hbm>> -> memref<80x128xi32, #tpu.memory_space<hbm>>
    %dma_wait3A_35 = arith.constant 0 : i32
    %dma_wait3A_36 = arith.constant 0 : i32
    %dma_wait3A_37 = tpu.memref_slice %arg3[%dma_wait3A, %add3A, %dma_wait3A_35, %dma_wait3A_36] : memref<2x32x80x128xi32, #tpu.memory_space<hbm>> -> memref<1x1x80x128xi32, #tpu.memory_space<hbm>>
    %dma_wait3A_38 = tpu.memref_squeeze %dma_wait3A_37 : memref<1x1x80x128xi32, #tpu.memory_space<hbm>> -> memref<80x128xi32, #tpu.memory_space<hbm>>
    tpu.wait_dma2 semaphore(%arg11 : memref<!tpu.dma_semaphore, #tpu.memory_space<semaphore_mem>>) src(%dma_wait3A_38 : memref<80x128xi32, #tpu.memory_space<hbm>>) dst(%arg5 : memref<80x128xi32, #tpu.memory_space<vmem>>)
    %dma_wait3A_39 = arith.constant 1 : i32
    %dma_wait3A_40 = arith.constant 0 : i32
    %dma_wait3A_41 = arith.constant 0 : i32
    %dma_wait3A_42 = tpu.memref_slice %arg3[%dma_wait3A_39, %add3A, %dma_wait3A_40, %dma_wait3A_41] : memref<2x32x80x128xi32, #tpu.memory_space<hbm>> -> memref<1x1x80x128xi32, #tpu.memory_space<hbm>>
    %dma_wait3A_43 = tpu.memref_squeeze %dma_wait3A_42 : memref<1x1x80x128xi32, #tpu.memory_space<hbm>> -> memref<80x128xi32, #tpu.memory_space<hbm>>
    %dma_wait3A_44 = arith.constant 0 : i32
    %dma_wait3A_45 = arith.constant 0 : i32
    %dma_wait3A_46 = tpu.memref_slice %arg3[%dma_wait3A_39, %add3A, %dma_wait3A_44, %dma_wait3A_45] : memref<2x32x80x128xi32, #tpu.memory_space<hbm>> -> memref<1x1x80x128xi32, #tpu.memory_space<hbm>>
    %dma_wait3A_47 = tpu.memref_squeeze %dma_wait3A_46 : memref<1x1x80x128xi32, #tpu.memory_space<hbm>> -> memref<80x128xi32, #tpu.memory_space<hbm>>
    tpu.wait_dma2 semaphore(%arg12 : memref<!tpu.dma_semaphore, #tpu.memory_space<semaphore_mem>>) src(%dma_wait3A_47 : memref<80x128xi32, #tpu.memory_space<hbm>>) dst(%arg6 : memref<80x128xi32, #tpu.memory_space<vmem>>)
    %dma_wait3A_48 = arith.constant 0 : i32
    %dma_wait3A_49 = tpu.memref_slice %arg10[%mul3A_2, %dma_wait3A_48] : memref<10240x16xf32, #tpu.memory_space<vmem_shared>> -> memref<640x16xf32, #tpu.memory_space<vmem_shared>>
    %dma_wait3A_50 = arith.constant 0 : i32
    %dma_wait3A_51 = tpu.memref_slice %arg2[%mul3A_2, %dma_wait3A_50] : memref<10240x16xf32, #tpu.memory_space<hbm>> -> memref<640x16xf32, #tpu.memory_space<hbm>>
    tpu.wait_dma2 semaphore(%arg13 : memref<!tpu.dma_semaphore, #tpu.memory_space<semaphore_mem>>) src(%dma_wait3A_51 : memref<640x16xf32, #tpu.memory_space<hbm>>) dst(%dma_wait3A_49 : memref<640x16xf32, #tpu.memory_space<vmem_shared>>)
    %barrier3A = arith.constant 0 : index
    tpu.barrier barrier_id(%barrier3A)
    %dma_start3A_52 = arith.constant 0 : i32
    %dma_start3A_53 = arith.constant 0 : i32
    %dma_start3A_54 = arith.constant 0 : i32
    %dma_start3A_55 = arith.constant 0 : i32
    %dma_start3A_56 = tpu.memref_slice %arg7[%dma_start3A_53, %dma_start3A_54, %dma_start3A_55] : memref<8x128x16xf32, #tpu.memory_space<vmem>> -> memref<1x128x16xf32, #tpu.memory_space<vmem>>
    %dma_start3A_57 = tpu.memref_squeeze %dma_start3A_56 : memref<1x128x16xf32, #tpu.memory_space<vmem>> -> memref<128x16xf32, #tpu.memory_space<vmem>>
    %dma_start3A_58 = arith.constant 0 : i32
    %dma_start3A_59 = tpu.memref_slice %arg5[%dma_start3A_52, %dma_start3A_58] : memref<80x128xi32, #tpu.memory_space<vmem>> -> memref<1x128xi32, #tpu.memory_space<vmem>>
    %dma_start3A_60 = tpu.memref_squeeze %dma_start3A_59 : memref<1x128xi32, #tpu.memory_space<vmem>> -> memref<128xi32, #tpu.memory_space<vmem>>
    %dma_start3A_61 = arith.constant 0 : i32
    %dma_start3A_62 = arith.constant 0 : i32
    %dma_start3A_63 = tpu.memref_slice %arg10[%dma_start3A_61, %dma_start3A_62] : memref<10240x16xf32, #tpu.memory_space<vmem_shared>> -> memref<10240x16xf32, #tpu.memory_space<vmem_shared>>
    tpu.enqueue_indirect_dma source(%dma_start3A_63 : memref<10240x16xf32, #tpu.memory_space<vmem_shared>>) target(%dma_start3A_57 : memref<128x16xf32, #tpu.memory_space<vmem>>) offsets(%dma_start3A_60 : memref<128xi32, #tpu.memory_space<vmem>>) semaphore(%arg11 : memref<!tpu.dma_semaphore, #tpu.memory_space<semaphore_mem>>)
    %dma_start3A_64 = arith.constant 1 : i32
    %dma_start3A_65 = arith.constant 1 : i32
    %dma_start3A_66 = arith.constant 0 : i32
    %dma_start3A_67 = arith.constant 0 : i32
    %dma_start3A_68 = tpu.memref_slice %arg7[%dma_start3A_65, %dma_start3A_66, %dma_start3A_67] : memref<8x128x16xf32, #tpu.memory_space<vmem>> -> memref<1x128x16xf32, #tpu.memory_space<vmem>>
    %dma_start3A_69 = tpu.memref_squeeze %dma_start3A_68 : memref<1x128x16xf32, #tpu.memory_space<vmem>> -> memref<128x16xf32, #tpu.memory_space<vmem>>
    %dma_start3A_70 = arith.constant 0 : i32
    %dma_start3A_71 = tpu.memref_slice %arg5[%dma_start3A_64, %dma_start3A_70] : memref<80x128xi32, #tpu.memory_space<vmem>> -> memref<1x128xi32, #tpu.memory_space<vmem>>
    %dma_start3A_72 = tpu.memref_squeeze %dma_start3A_71 : memref<1x128xi32, #tpu.memory_space<vmem>> -> memref<128xi32, #tpu.memory_space<vmem>>
    %dma_start3A_73 = arith.constant 0 : i32
    %dma_start3A_74 = arith.constant 0 : i32
    %dma_start3A_75 = tpu.memref_slice %arg10[%dma_start3A_73, %dma_start3A_74] : memref<10240x16xf32, #tpu.memory_space<vmem_shared>> -> memref<10240x16xf32, #tpu.memory_space<vmem_shared>>
    tpu.enqueue_indirect_dma source(%dma_start3A_75 : memref<10240x16xf32, #tpu.memory_space<vmem_shared>>) target(%dma_start3A_69 : memref<128x16xf32, #tpu.memory_space<vmem>>) offsets(%dma_start3A_72 : memref<128xi32, #tpu.memory_space<vmem>>) semaphore(%arg12 : memref<!tpu.dma_semaphore, #tpu.memory_space<semaphore_mem>>)
    %dma_start3A_76 = arith.constant 2 : i32
    %dma_start3A_77 = arith.constant 2 : i32
    %dma_start3A_78 = arith.constant 0 : i32
    %dma_start3A_79 = arith.constant 0 : i32
    %dma_start3A_80 = tpu.memref_slice %arg7[%dma_start3A_77, %dma_start3A_78, %dma_start3A_79] : memref<8x128x16xf32, #tpu.memory_space<vmem>> -> memref<1x128x16xf32, #tpu.memory_space<vmem>>
    %dma_start3A_81 = tpu.memref_squeeze %dma_start3A_80 : memref<1x128x16xf32, #tpu.memory_space<vmem>> -> memref<128x16xf32, #tpu.memory_space<vmem>>
    %dma_start3A_82 = arith.constant 0 : i32
    %dma_start3A_83 = tpu.memref_slice %arg5[%dma_start3A_76, %dma_start3A_82] : memref<80x128xi32, #tpu.memory_space<vmem>> -> memref<1x128xi32, #tpu.memory_space<vmem>>
    %dma_start3A_84 = tpu.memref_squeeze %dma_start3A_83 : memref<1x128xi32, #tpu.memory_space<vmem>> -> memref<128xi32, #tpu.memory_space<vmem>>
    %dma_start3A_85 = arith.constant 0 : i32
    %dma_start3A_86 = arith.constant 0 : i32
    %dma_start3A_87 = tpu.memref_slice %arg10[%dma_start3A_85, %dma_start3A_86] : memref<10240x16xf32, #tpu.memory_space<vmem_shared>> -> memref<10240x16xf32, #tpu.memory_space<vmem_shared>>
    tpu.enqueue_indirect_dma source(%dma_start3A_87 : memref<10240x16xf32, #tpu.memory_space<vmem_shared>>) target(%dma_start3A_81 : memref<128x16xf32, #tpu.memory_space<vmem>>) offsets(%dma_start3A_84 : memref<128xi32, #tpu.memory_space<vmem>>) semaphore(%arg13 : memref<!tpu.dma_semaphore, #tpu.memory_space<semaphore_mem>>)
    %dma_start3A_88 = arith.constant 3 : i32
    %dma_start3A_89 = arith.constant 3 : i32
    %dma_start3A_90 = arith.constant 0 : i32
    %dma_start3A_91 = arith.constant 0 : i32
    %dma_start3A_92 = tpu.memref_slice %arg7[%dma_start3A_89, %dma_start3A_90, %dma_start3A_91] : memref<8x128x16xf32, #tpu.memory_space<vmem>> -> memref<1x128x16xf32, #tpu.memory_space<vmem>>
    %dma_start3A_93 = tpu.memref_squeeze %dma_start3A_92 : memref<1x128x16xf32, #tpu.memory_space<vmem>> -> memref<128x16xf32, #tpu.memory_space<vmem>>
    %dma_start3A_94 = arith.constant 0 : i32
    %dma_start3A_95 = tpu.memref_slice %arg5[%dma_start3A_88, %dma_start3A_94] : memref<80x128xi32, #tpu.memory_space<vmem>> -> memref<1x128xi32, #tpu.memory_space<vmem>>
    %dma_start3A_96 = tpu.memref_squeeze %dma_start3A_95 : memref<1x128xi32, #tpu.memory_space<vmem>> -> memref<128xi32, #tpu.memory_space<vmem>>
    %dma_start3A_97 = arith.constant 0 : i32
    %dma_start3A_98 = arith.constant 0 : i32
    %dma_start3A_99 = tpu.memref_slice %arg10[%dma_start3A_97, %dma_start3A_98] : memref<10240x16xf32, #tpu.memory_space<vmem_shared>> -> memref<10240x16xf32, #tpu.memory_space<vmem_shared>>
    tpu.enqueue_indirect_dma source(%dma_start3A_99 : memref<10240x16xf32, #tpu.memory_space<vmem_shared>>) target(%dma_start3A_93 : memref<128x16xf32, #tpu.memory_space<vmem>>) offsets(%dma_start3A_96 : memref<128xi32, #tpu.memory_space<vmem>>) semaphore(%arg14 : memref<!tpu.dma_semaphore, #tpu.memory_space<semaphore_mem>>)
    %scan3A = arith.constant 0 : i32
    %scan3A_100 = arith.constant 10 : i32
    %scan3A_101 = arith.addi %scan3A, %scan3A_100 : i32
    %scan3A_102 = arith.constant 1 : i32
    scf.for %scan3A_153 = %scan3A to %scan3A_101 step %scan3A_102  : i32 {
      %mul3A_154 = arith.constant 8 : i32
      %mul3A_155 = arith.muli %mul3A_154, %scan3A_153 : i32
      %add3A_156 = arith.constant 0 : i32
      %add3A_157 = arith.addi %mul3A_155, %add3A_156 : i32
      %dma_wait3A_158 = arith.constant 0 : i32
      %dma_wait3A_159 = arith.constant 0 : i32
      %dma_wait3A_160 = arith.constant 0 : i32
      %dma_wait3A_161 = tpu.memref_slice %arg7[%dma_wait3A_158, %dma_wait3A_159, %dma_wait3A_160] : memref<8x128x16xf32, #tpu.memory_space<vmem>> -> memref<1x128x16xf32, #tpu.memory_space<vmem>>
      %dma_wait3A_162 = tpu.memref_squeeze %dma_wait3A_161 : memref<1x128x16xf32, #tpu.memory_space<vmem>> -> memref<128x16xf32, #tpu.memory_space<vmem>>
      %dma_wait3A_163 = arith.constant 0 : i32
      %dma_wait3A_164 = tpu.memref_slice %arg5[%add3A_157, %dma_wait3A_163] : memref<80x128xi32, #tpu.memory_space<vmem>> -> memref<1x128xi32, #tpu.memory_space<vmem>>
      %dma_wait3A_165 = tpu.memref_squeeze %dma_wait3A_164 : memref<1x128xi32, #tpu.memory_space<vmem>> -> memref<128xi32, #tpu.memory_space<vmem>>
      %dma_wait3A_166 = arith.constant 0 : i32
      %dma_wait3A_167 = arith.constant 0 : i32
      %dma_wait3A_168 = tpu.memref_slice %arg10[%dma_wait3A_166, %dma_wait3A_167] : memref<10240x16xf32, #tpu.memory_space<vmem_shared>> -> memref<10240x16xf32, #tpu.memory_space<vmem_shared>>
      tpu.wait_indirect_dma semaphore(%arg11 : memref<!tpu.dma_semaphore, #tpu.memory_space<semaphore_mem>>) src(%dma_wait3A_168 : memref<10240x16xf32, #tpu.memory_space<vmem_shared>>) dst(%dma_wait3A_162 : memref<128x16xf32, #tpu.memory_space<vmem>>)
      %dma_start3A_169 = arith.constant 0 : i32
      %dma_start3A_170 = arith.constant 0 : i32
      %dma_start3A_171 = arith.constant 0 : i32
      %dma_start3A_172 = tpu.memref_slice %arg7[%dma_start3A_169, %dma_start3A_170, %dma_start3A_171] : memref<8x128x16xf32, #tpu.memory_space<vmem>> -> memref<1x128x16xf32, #tpu.memory_space<vmem>>
      %dma_start3A_173 = tpu.memref_squeeze %dma_start3A_172 : memref<1x128x16xf32, #tpu.memory_space<vmem>> -> memref<128x16xf32, #tpu.memory_space<vmem>>
      %dma_start3A_174 = arith.constant 0 : i32
      %dma_start3A_175 = tpu.memref_slice %arg6[%add3A_157, %dma_start3A_174] : memref<80x128xi32, #tpu.memory_space<vmem>> -> memref<1x128xi32, #tpu.memory_space<vmem>>
      %dma_start3A_176 = tpu.memref_squeeze %dma_start3A_175 : memref<1x128xi32, #tpu.memory_space<vmem>> -> memref<128xi32, #tpu.memory_space<vmem>>
      %dma_start3A_177 = arith.constant 0 : i32
      %dma_start3A_178 = arith.constant 0 : i32
      %dma_start3A_179 = tpu.memref_slice %arg9[%dma_start3A_177, %dma_start3A_178] : memref<10240x16xf32, #tpu.memory_space<vmem_shared>> -> memref<10240x16xf32, #tpu.memory_space<vmem_shared>>
      tpu.enqueue_indirect_dma source(%dma_start3A_173 : memref<128x16xf32, #tpu.memory_space<vmem>>) target(%dma_start3A_179 : memref<10240x16xf32, #tpu.memory_space<vmem_shared>>) offsets(%dma_start3A_176 : memref<128xi32, #tpu.memory_space<vmem>>) semaphore(%arg19 : memref<!tpu.dma_semaphore, #tpu.memory_space<semaphore_mem>>) {add = true}
      %add3A_180 = arith.constant 4 : i32
      %add3A_181 = arith.addi %add3A_157, %add3A_180 : i32
      %lt3A = arith.constant 80 : i32
      %lt3A_182 = arith.cmpi slt, %add3A_181, %lt3A : i32
      %convert_element_type3A_183 = arith.extui %lt3A_182 : i1 to i32
      %cond3A_184 = arith.constant 0 : i32
      %cond3A_185 = arith.cmpi ne, %convert_element_type3A_183, %cond3A_184 : i32
      scf.if %cond3A_185 {
        %ge3A = arith.constant 8 : i32
        %ge3A_403 = arith.cmpi sge, %add3A_181, %ge3A : i32
        %convert_element_type3A_404 = arith.extui %ge3A_403 : i1 to i32
        %cond3A_405 = arith.constant 0 : i32
        %cond3A_406 = arith.cmpi ne, %convert_element_type3A_404, %cond3A_405 : i32
        scf.if %cond3A_406 {
          %sub3A = arith.constant 8 : i32
          %sub3A_418 = arith.subi %add3A_181, %sub3A : i32
          %dma_wait3A_419 = arith.constant 4 : i32
          %dma_wait3A_420 = arith.constant 0 : i32
          %dma_wait3A_421 = arith.constant 0 : i32
          %dma_wait3A_422 = tpu.memref_slice %arg7[%dma_wait3A_419, %dma_wait3A_420, %dma_wait3A_421] : memref<8x128x16xf32, #tpu.memory_space<vmem>> -> memref<1x128x16xf32, #tpu.memory_space<vmem>>
          %dma_wait3A_423 = tpu.memref_squeeze %dma_wait3A_422 : memref<1x128x16xf32, #tpu.memory_space<vmem>> -> memref<128x16xf32, #tpu.memory_space<vmem>>
          %dma_wait3A_424 = arith.constant 0 : i32
          %dma_wait3A_425 = tpu.memref_slice %arg6[%sub3A_418, %dma_wait3A_424] : memref<80x128xi32, #tpu.memory_space<vmem>> -> memref<1x128xi32, #tpu.memory_space<vmem>>
          %dma_wait3A_426 = tpu.memref_squeeze %dma_wait3A_425 : memref<1x128xi32, #tpu.memory_space<vmem>> -> memref<128xi32, #tpu.memory_space<vmem>>
          %dma_wait3A_427 = arith.constant 0 : i32
          %dma_wait3A_428 = arith.constant 0 : i32
          %dma_wait3A_429 = tpu.memref_slice %arg9[%dma_wait3A_427, %dma_wait3A_428] : memref<10240x16xf32, #tpu.memory_space<vmem_shared>> -> memref<10240x16xf32, #tpu.memory_space<vmem_shared>>
          tpu.wait_indirect_dma semaphore(%arg23 : memref<!tpu.dma_semaphore, #tpu.memory_space<semaphore_mem>>) src(%dma_wait3A_423 : memref<128x16xf32, #tpu.memory_space<vmem>>) dst(%dma_wait3A_429 : memref<10240x16xf32, #tpu.memory_space<vmem_shared>>)
        } else {
        }
        %dma_start3A_407 = arith.constant 4 : i32
        %dma_start3A_408 = arith.constant 0 : i32
        %dma_start3A_409 = arith.constant 0 : i32
        %dma_start3A_410 = tpu.memref_slice %arg7[%dma_start3A_407, %dma_start3A_408, %dma_start3A_409] : memref<8x128x16xf32, #tpu.memory_space<vmem>> -> memref<1x128x16xf32, #tpu.memory_space<vmem>>
        %dma_start3A_411 = tpu.memref_squeeze %dma_start3A_410 : memref<1x128x16xf32, #tpu.memory_space<vmem>> -> memref<128x16xf32, #tpu.memory_space<vmem>>
        %dma_start3A_412 = arith.constant 0 : i32
        %dma_start3A_413 = tpu.memref_slice %arg5[%add3A_181, %dma_start3A_412] : memref<80x128xi32, #tpu.memory_space<vmem>> -> memref<1x128xi32, #tpu.memory_space<vmem>>
        %dma_start3A_414 = tpu.memref_squeeze %dma_start3A_413 : memref<1x128xi32, #tpu.memory_space<vmem>> -> memref<128xi32, #tpu.memory_space<vmem>>
        %dma_start3A_415 = arith.constant 0 : i32
        %dma_start3A_416 = arith.constant 0 : i32
        %dma_start3A_417 = tpu.memref_slice %arg10[%dma_start3A_415, %dma_start3A_416] : memref<10240x16xf32, #tpu.memory_space<vmem_shared>> -> memref<10240x16xf32, #tpu.memory_space<vmem_shared>>
        tpu.enqueue_indirect_dma source(%dma_start3A_417 : memref<10240x16xf32, #tpu.memory_space<vmem_shared>>) target(%dma_start3A_411 : memref<128x16xf32, #tpu.memory_space<vmem>>) offsets(%dma_start3A_414 : memref<128xi32, #tpu.memory_space<vmem>>) semaphore(%arg15 : memref<!tpu.dma_semaphore, #tpu.memory_space<semaphore_mem>>)
      } else {
      }
      %add3A_186 = arith.constant 1 : i32
      %add3A_187 = arith.addi %mul3A_155, %add3A_186 : i32
      %dma_wait3A_188 = arith.constant 1 : i32
      %dma_wait3A_189 = arith.constant 0 : i32
      %dma_wait3A_190 = arith.constant 0 : i32
      %dma_wait3A_191 = tpu.memref_slice %arg7[%dma_wait3A_188, %dma_wait3A_189, %dma_wait3A_190] : memref<8x128x16xf32, #tpu.memory_space<vmem>> -> memref<1x128x16xf32, #tpu.memory_space<vmem>>
      %dma_wait3A_192 = tpu.memref_squeeze %dma_wait3A_191 : memref<1x128x16xf32, #tpu.memory_space<vmem>> -> memref<128x16xf32, #tpu.memory_space<vmem>>
      %dma_wait3A_193 = arith.constant 0 : i32
      %dma_wait3A_194 = tpu.memref_slice %arg5[%add3A_187, %dma_wait3A_193] : memref<80x128xi32, #tpu.memory_space<vmem>> -> memref<1x128xi32, #tpu.memory_space<vmem>>
      %dma_wait3A_195 = tpu.memref_squeeze %dma_wait3A_194 : memref<1x128xi32, #tpu.memory_space<vmem>> -> memref<128xi32, #tpu.memory_space<vmem>>
      %dma_wait3A_196 = arith.constant 0 : i32
      %dma_wait3A_197 = arith.constant 0 : i32
      %dma_wait3A_198 = tpu.memref_slice %arg10[%dma_wait3A_196, %dma_wait3A_197] : memref<10240x16xf32, #tpu.memory_space<vmem_shared>> -> memref<10240x16xf32, #tpu.memory_space<vmem_shared>>
      tpu.wait_indirect_dma semaphore(%arg12 : memref<!tpu.dma_semaphore, #tpu.memory_space<semaphore_mem>>) src(%dma_wait3A_198 : memref<10240x16xf32, #tpu.memory_space<vmem_shared>>) dst(%dma_wait3A_192 : memref<128x16xf32, #tpu.memory_space<vmem>>)
      %dma_start3A_199 = arith.constant 1 : i32
      %dma_start3A_200 = arith.constant 0 : i32
      %dma_start3A_201 = arith.constant 0 : i32
      %dma_start3A_202 = tpu.memref_slice %arg7[%dma_start3A_199, %dma_start3A_200, %dma_start3A_201] : memref<8x128x16xf32, #tpu.memory_space<vmem>> -> memref<1x128x16xf32, #tpu.memory_space<vmem>>
      %dma_start3A_203 = tpu.memref_squeeze %dma_start3A_202 : memref<1x128x16xf32, #tpu.memory_space<vmem>> -> memref<128x16xf32, #tpu.memory_space<vmem>>
      %dma_start3A_204 = arith.constant 0 : i32
      %dma_start3A_205 = tpu.memref_slice %arg6[%add3A_187, %dma_start3A_204] : memref<80x128xi32, #tpu.memory_space<vmem>> -> memref<1x128xi32, #tpu.memory_space<vmem>>
      %dma_start3A_206 = tpu.memref_squeeze %dma_start3A_205 : memref<1x128xi32, #tpu.memory_space<vmem>> -> memref<128xi32, #tpu.memory_space<vmem>>
      %dma_start3A_207 = arith.constant 0 : i32
      %dma_start3A_208 = arith.constant 0 : i32
      %dma_start3A_209 = tpu.memref_slice %arg9[%dma_start3A_207, %dma_start3A_208] : memref<10240x16xf32, #tpu.memory_space<vmem_shared>> -> memref<10240x16xf32, #tpu.memory_space<vmem_shared>>
      tpu.enqueue_indirect_dma source(%dma_start3A_203 : memref<128x16xf32, #tpu.memory_space<vmem>>) target(%dma_start3A_209 : memref<10240x16xf32, #tpu.memory_space<vmem_shared>>) offsets(%dma_start3A_206 : memref<128xi32, #tpu.memory_space<vmem>>) semaphore(%arg20 : memref<!tpu.dma_semaphore, #tpu.memory_space<semaphore_mem>>) {add = true}
      %add3A_210 = arith.constant 4 : i32
      %add3A_211 = arith.addi %add3A_187, %add3A_210 : i32
      %lt3A_212 = arith.constant 80 : i32
      %lt3A_213 = arith.cmpi slt, %add3A_211, %lt3A_212 : i32
      %convert_element_type3A_214 = arith.extui %lt3A_213 : i1 to i32
      %cond3A_215 = arith.constant 0 : i32
      %cond3A_216 = arith.cmpi ne, %convert_element_type3A_214, %cond3A_215 : i32
      scf.if %cond3A_216 {
        %ge3A = arith.constant 8 : i32
        %ge3A_403 = arith.cmpi sge, %add3A_211, %ge3A : i32
        %convert_element_type3A_404 = arith.extui %ge3A_403 : i1 to i32
        %cond3A_405 = arith.constant 0 : i32
        %cond3A_406 = arith.cmpi ne, %convert_element_type3A_404, %cond3A_405 : i32
        scf.if %cond3A_406 {
          %sub3A = arith.constant 8 : i32
          %sub3A_418 = arith.subi %add3A_211, %sub3A : i32
          %dma_wait3A_419 = arith.constant 5 : i32
          %dma_wait3A_420 = arith.constant 0 : i32
          %dma_wait3A_421 = arith.constant 0 : i32
          %dma_wait3A_422 = tpu.memref_slice %arg7[%dma_wait3A_419, %dma_wait3A_420, %dma_wait3A_421] : memref<8x128x16xf32, #tpu.memory_space<vmem>> -> memref<1x128x16xf32, #tpu.memory_space<vmem>>
          %dma_wait3A_423 = tpu.memref_squeeze %dma_wait3A_422 : memref<1x128x16xf32, #tpu.memory_space<vmem>> -> memref<128x16xf32, #tpu.memory_space<vmem>>
          %dma_wait3A_424 = arith.constant 0 : i32
          %dma_wait3A_425 = tpu.memref_slice %arg6[%sub3A_418, %dma_wait3A_424] : memref<80x128xi32, #tpu.memory_space<vmem>> -> memref<1x128xi32, #tpu.memory_space<vmem>>
          %dma_wait3A_426 = tpu.memref_squeeze %dma_wait3A_425 : memref<1x128xi32, #tpu.memory_space<vmem>> -> memref<128xi32, #tpu.memory_space<vmem>>
          %dma_wait3A_427 = arith.constant 0 : i32
          %dma_wait3A_428 = arith.constant 0 : i32
          %dma_wait3A_429 = tpu.memref_slice %arg9[%dma_wait3A_427, %dma_wait3A_428] : memref<10240x16xf32, #tpu.memory_space<vmem_shared>> -> memref<10240x16xf32, #tpu.memory_space<vmem_shared>>
          tpu.wait_indirect_dma semaphore(%arg24 : memref<!tpu.dma_semaphore, #tpu.memory_space<semaphore_mem>>) src(%dma_wait3A_423 : memref<128x16xf32, #tpu.memory_space<vmem>>) dst(%dma_wait3A_429 : memref<10240x16xf32, #tpu.memory_space<vmem_shared>>)
        } else {
        }
        %dma_start3A_407 = arith.constant 5 : i32
        %dma_start3A_408 = arith.constant 0 : i32
        %dma_start3A_409 = arith.constant 0 : i32
        %dma_start3A_410 = tpu.memref_slice %arg7[%dma_start3A_407, %dma_start3A_408, %dma_start3A_409] : memref<8x128x16xf32, #tpu.memory_space<vmem>> -> memref<1x128x16xf32, #tpu.memory_space<vmem>>
        %dma_start3A_411 = tpu.memref_squeeze %dma_start3A_410 : memref<1x128x16xf32, #tpu.memory_space<vmem>> -> memref<128x16xf32, #tpu.memory_space<vmem>>
        %dma_start3A_412 = arith.constant 0 : i32
        %dma_start3A_413 = tpu.memref_slice %arg5[%add3A_211, %dma_start3A_412] : memref<80x128xi32, #tpu.memory_space<vmem>> -> memref<1x128xi32, #tpu.memory_space<vmem>>
        %dma_start3A_414 = tpu.memref_squeeze %dma_start3A_413 : memref<1x128xi32, #tpu.memory_space<vmem>> -> memref<128xi32, #tpu.memory_space<vmem>>
        %dma_start3A_415 = arith.constant 0 : i32
        %dma_start3A_416 = arith.constant 0 : i32
        %dma_start3A_417 = tpu.memref_slice %arg10[%dma_start3A_415, %dma_start3A_416] : memref<10240x16xf32, #tpu.memory_space<vmem_shared>> -> memref<10240x16xf32, #tpu.memory_space<vmem_shared>>
        tpu.enqueue_indirect_dma source(%dma_start3A_417 : memref<10240x16xf32, #tpu.memory_space<vmem_shared>>) target(%dma_start3A_411 : memref<128x16xf32, #tpu.memory_space<vmem>>) offsets(%dma_start3A_414 : memref<128xi32, #tpu.memory_space<vmem>>) semaphore(%arg16 : memref<!tpu.dma_semaphore, #tpu.memory_space<semaphore_mem>>)
      } else {
      }
      %add3A_217 = arith.constant 2 : i32
      %add3A_218 = arith.addi %mul3A_155, %add3A_217 : i32
      %dma_wait3A_219 = arith.constant 2 : i32
      %dma_wait3A_220 = arith.constant 0 : i32
      %dma_wait3A_221 = arith.constant 0 : i32
      %dma_wait3A_222 = tpu.memref_slice %arg7[%dma_wait3A_219, %dma_wait3A_220, %dma_wait3A_221] : memref<8x128x16xf32, #tpu.memory_space<vmem>> -> memref<1x128x16xf32, #tpu.memory_space<vmem>>
      %dma_wait3A_223 = tpu.memref_squeeze %dma_wait3A_222 : memref<1x128x16xf32, #tpu.memory_space<vmem>> -> memref<128x16xf32, #tpu.memory_space<vmem>>
      %dma_wait3A_224 = arith.constant 0 : i32
      %dma_wait3A_225 = tpu.memref_slice %arg5[%add3A_218, %dma_wait3A_224] : memref<80x128xi32, #tpu.memory_space<vmem>> -> memref<1x128xi32, #tpu.memory_space<vmem>>
      %dma_wait3A_226 = tpu.memref_squeeze %dma_wait3A_225 : memref<1x128xi32, #tpu.memory_space<vmem>> -> memref<128xi32, #tpu.memory_space<vmem>>
      %dma_wait3A_227 = arith.constant 0 : i32
      %dma_wait3A_228 = arith.constant 0 : i32
      %dma_wait3A_229 = tpu.memref_slice %arg10[%dma_wait3A_227, %dma_wait3A_228] : memref<10240x16xf32, #tpu.memory_space<vmem_shared>> -> memref<10240x16xf32, #tpu.memory_space<vmem_shared>>
      tpu.wait_indirect_dma semaphore(%arg13 : memref<!tpu.dma_semaphore, #tpu.memory_space<semaphore_mem>>) src(%dma_wait3A_229 : memref<10240x16xf32, #tpu.memory_space<vmem_shared>>) dst(%dma_wait3A_223 : memref<128x16xf32, #tpu.memory_space<vmem>>)
      %dma_start3A_230 = arith.constant 2 : i32
      %dma_start3A_231 = arith.constant 0 : i32
      %dma_start3A_232 = arith.constant 0 : i32
      %dma_start3A_233 = tpu.memref_slice %arg7[%dma_start3A_230, %dma_start3A_231, %dma_start3A_232] : memref<8x128x16xf32, #tpu.memory_space<vmem>> -> memref<1x128x16xf32, #tpu.memory_space<vmem>>
      %dma_start3A_234 = tpu.memref_squeeze %dma_start3A_233 : memref<1x128x16xf32, #tpu.memory_space<vmem>> -> memref<128x16xf32, #tpu.memory_space<vmem>>
      %dma_start3A_235 = arith.constant 0 : i32
      %dma_start3A_236 = tpu.memref_slice %arg6[%add3A_218, %dma_start3A_235] : memref<80x128xi32, #tpu.memory_space<vmem>> -> memref<1x128xi32, #tpu.memory_space<vmem>>
      %dma_start3A_237 = tpu.memref_squeeze %dma_start3A_236 : memref<1x128xi32, #tpu.memory_space<vmem>> -> memref<128xi32, #tpu.memory_space<vmem>>
      %dma_start3A_238 = arith.constant 0 : i32
      %dma_start3A_239 = arith.constant 0 : i32
      %dma_start3A_240 = tpu.memref_slice %arg9[%dma_start3A_238, %dma_start3A_239] : memref<10240x16xf32, #tpu.memory_space<vmem_shared>> -> memref<10240x16xf32, #tpu.memory_space<vmem_shared>>
      tpu.enqueue_indirect_dma source(%dma_start3A_234 : memref<128x16xf32, #tpu.memory_space<vmem>>) target(%dma_start3A_240 : memref<10240x16xf32, #tpu.memory_space<vmem_shared>>) offsets(%dma_start3A_237 : memref<128xi32, #tpu.memory_space<vmem>>) semaphore(%arg21 : memref<!tpu.dma_semaphore, #tpu.memory_space<semaphore_mem>>) {add = true}
      %add3A_241 = arith.constant 4 : i32
      %add3A_242 = arith.addi %add3A_218, %add3A_241 : i32
      %lt3A_243 = arith.constant 80 : i32
      %lt3A_244 = arith.cmpi slt, %add3A_242, %lt3A_243 : i32
      %convert_element_type3A_245 = arith.extui %lt3A_244 : i1 to i32
      %cond3A_246 = arith.constant 0 : i32
      %cond3A_247 = arith.cmpi ne, %convert_element_type3A_245, %cond3A_246 : i32
      scf.if %cond3A_247 {
        %ge3A = arith.constant 8 : i32
        %ge3A_403 = arith.cmpi sge, %add3A_242, %ge3A : i32
        %convert_element_type3A_404 = arith.extui %ge3A_403 : i1 to i32
        %cond3A_405 = arith.constant 0 : i32
        %cond3A_406 = arith.cmpi ne, %convert_element_type3A_404, %cond3A_405 : i32
        scf.if %cond3A_406 {
          %sub3A = arith.constant 8 : i32
          %sub3A_418 = arith.subi %add3A_242, %sub3A : i32
          %dma_wait3A_419 = arith.constant 6 : i32
          %dma_wait3A_420 = arith.constant 0 : i32
          %dma_wait3A_421 = arith.constant 0 : i32
          %dma_wait3A_422 = tpu.memref_slice %arg7[%dma_wait3A_419, %dma_wait3A_420, %dma_wait3A_421] : memref<8x128x16xf32, #tpu.memory_space<vmem>> -> memref<1x128x16xf32, #tpu.memory_space<vmem>>
          %dma_wait3A_423 = tpu.memref_squeeze %dma_wait3A_422 : memref<1x128x16xf32, #tpu.memory_space<vmem>> -> memref<128x16xf32, #tpu.memory_space<vmem>>
          %dma_wait3A_424 = arith.constant 0 : i32
          %dma_wait3A_425 = tpu.memref_slice %arg6[%sub3A_418, %dma_wait3A_424] : memref<80x128xi32, #tpu.memory_space<vmem>> -> memref<1x128xi32, #tpu.memory_space<vmem>>
          %dma_wait3A_426 = tpu.memref_squeeze %dma_wait3A_425 : memref<1x128xi32, #tpu.memory_space<vmem>> -> memref<128xi32, #tpu.memory_space<vmem>>
          %dma_wait3A_427 = arith.constant 0 : i32
          %dma_wait3A_428 = arith.constant 0 : i32
          %dma_wait3A_429 = tpu.memref_slice %arg9[%dma_wait3A_427, %dma_wait3A_428] : memref<10240x16xf32, #tpu.memory_space<vmem_shared>> -> memref<10240x16xf32, #tpu.memory_space<vmem_shared>>
          tpu.wait_indirect_dma semaphore(%arg25 : memref<!tpu.dma_semaphore, #tpu.memory_space<semaphore_mem>>) src(%dma_wait3A_423 : memref<128x16xf32, #tpu.memory_space<vmem>>) dst(%dma_wait3A_429 : memref<10240x16xf32, #tpu.memory_space<vmem_shared>>)
        } else {
        }
        %dma_start3A_407 = arith.constant 6 : i32
        %dma_start3A_408 = arith.constant 0 : i32
        %dma_start3A_409 = arith.constant 0 : i32
        %dma_start3A_410 = tpu.memref_slice %arg7[%dma_start3A_407, %dma_start3A_408, %dma_start3A_409] : memref<8x128x16xf32, #tpu.memory_space<vmem>> -> memref<1x128x16xf32, #tpu.memory_space<vmem>>
        %dma_start3A_411 = tpu.memref_squeeze %dma_start3A_410 : memref<1x128x16xf32, #tpu.memory_space<vmem>> -> memref<128x16xf32, #tpu.memory_space<vmem>>
        %dma_start3A_412 = arith.constant 0 : i32
        %dma_start3A_413 = tpu.memref_slice %arg5[%add3A_242, %dma_start3A_412] : memref<80x128xi32, #tpu.memory_space<vmem>> -> memref<1x128xi32, #tpu.memory_space<vmem>>
        %dma_start3A_414 = tpu.memref_squeeze %dma_start3A_413 : memref<1x128xi32, #tpu.memory_space<vmem>> -> memref<128xi32, #tpu.memory_space<vmem>>
        %dma_start3A_415 = arith.constant 0 : i32
        %dma_start3A_416 = arith.constant 0 : i32
        %dma_start3A_417 = tpu.memref_slice %arg10[%dma_start3A_415, %dma_start3A_416] : memref<10240x16xf32, #tpu.memory_space<vmem_shared>> -> memref<10240x16xf32, #tpu.memory_space<vmem_shared>>
        tpu.enqueue_indirect_dma source(%dma_start3A_417 : memref<10240x16xf32, #tpu.memory_space<vmem_shared>>) target(%dma_start3A_411 : memref<128x16xf32, #tpu.memory_space<vmem>>) offsets(%dma_start3A_414 : memref<128xi32, #tpu.memory_space<vmem>>) semaphore(%arg17 : memref<!tpu.dma_semaphore, #tpu.memory_space<semaphore_mem>>)
      } else {
      }
      %add3A_248 = arith.constant 3 : i32
      %add3A_249 = arith.addi %mul3A_155, %add3A_248 : i32
      %dma_wait3A_250 = arith.constant 3 : i32
      %dma_wait3A_251 = arith.constant 0 : i32
      %dma_wait3A_252 = arith.constant 0 : i32
      %dma_wait3A_253 = tpu.memref_slice %arg7[%dma_wait3A_250, %dma_wait3A_251, %dma_wait3A_252] : memref<8x128x16xf32, #tpu.memory_space<vmem>> -> memref<1x128x16xf32, #tpu.memory_space<vmem>>
      %dma_wait3A_254 = tpu.memref_squeeze %dma_wait3A_253 : memref<1x128x16xf32, #tpu.memory_space<vmem>> -> memref<128x16xf32, #tpu.memory_space<vmem>>
      %dma_wait3A_255 = arith.constant 0 : i32
      %dma_wait3A_256 = tpu.memref_slice %arg5[%add3A_249, %dma_wait3A_255] : memref<80x128xi32, #tpu.memory_space<vmem>> -> memref<1x128xi32, #tpu.memory_space<vmem>>
      %dma_wait3A_257 = tpu.memref_squeeze %dma_wait3A_256 : memref<1x128xi32, #tpu.memory_space<vmem>> -> memref<128xi32, #tpu.memory_space<vmem>>
      %dma_wait3A_258 = arith.constant 0 : i32
      %dma_wait3A_259 = arith.constant 0 : i32
      %dma_wait3A_260 = tpu.memref_slice %arg10[%dma_wait3A_258, %dma_wait3A_259] : memref<10240x16xf32, #tpu.memory_space<vmem_shared>> -> memref<10240x16xf32, #tpu.memory_space<vmem_shared>>
      tpu.wait_indirect_dma semaphore(%arg14 : memref<!tpu.dma_semaphore, #tpu.memory_space<semaphore_mem>>) src(%dma_wait3A_260 : memref<10240x16xf32, #tpu.memory_space<vmem_shared>>) dst(%dma_wait3A_254 : memref<128x16xf32, #tpu.memory_space<vmem>>)
      %dma_start3A_261 = arith.constant 3 : i32
      %dma_start3A_262 = arith.constant 0 : i32
      %dma_start3A_263 = arith.constant 0 : i32
      %dma_start3A_264 = tpu.memref_slice %arg7[%dma_start3A_261, %dma_start3A_262, %dma_start3A_263] : memref<8x128x16xf32, #tpu.memory_space<vmem>> -> memref<1x128x16xf32, #tpu.memory_space<vmem>>
      %dma_start3A_265 = tpu.memref_squeeze %dma_start3A_264 : memref<1x128x16xf32, #tpu.memory_space<vmem>> -> memref<128x16xf32, #tpu.memory_space<vmem>>
      %dma_start3A_266 = arith.constant 0 : i32
      %dma_start3A_267 = tpu.memref_slice %arg6[%add3A_249, %dma_start3A_266] : memref<80x128xi32, #tpu.memory_space<vmem>> -> memref<1x128xi32, #tpu.memory_space<vmem>>
      %dma_start3A_268 = tpu.memref_squeeze %dma_start3A_267 : memref<1x128xi32, #tpu.memory_space<vmem>> -> memref<128xi32, #tpu.memory_space<vmem>>
      %dma_start3A_269 = arith.constant 0 : i32
      %dma_start3A_270 = arith.constant 0 : i32
      %dma_start3A_271 = tpu.memref_slice %arg9[%dma_start3A_269, %dma_start3A_270] : memref<10240x16xf32, #tpu.memory_space<vmem_shared>> -> memref<10240x16xf32, #tpu.memory_space<vmem_shared>>
      tpu.enqueue_indirect_dma source(%dma_start3A_265 : memref<128x16xf32, #tpu.memory_space<vmem>>) target(%dma_start3A_271 : memref<10240x16xf32, #tpu.memory_space<vmem_shared>>) offsets(%dma_start3A_268 : memref<128xi32, #tpu.memory_space<vmem>>) semaphore(%arg22 : memref<!tpu.dma_semaphore, #tpu.memory_space<semaphore_mem>>) {add = true}
      %add3A_272 = arith.constant 4 : i32
      %add3A_273 = arith.addi %add3A_249, %add3A_272 : i32
      %lt3A_274 = arith.constant 80 : i32
      %lt3A_275 = arith.cmpi slt, %add3A_273, %lt3A_274 : i32
      %convert_element_type3A_276 = arith.extui %lt3A_275 : i1 to i32
      %cond3A_277 = arith.constant 0 : i32
      %cond3A_278 = arith.cmpi ne, %convert_element_type3A_276, %cond3A_277 : i32
      scf.if %cond3A_278 {
        %ge3A = arith.constant 8 : i32
        %ge3A_403 = arith.cmpi sge, %add3A_273, %ge3A : i32
        %convert_element_type3A_404 = arith.extui %ge3A_403 : i1 to i32
        %cond3A_405 = arith.constant 0 : i32
        %cond3A_406 = arith.cmpi ne, %convert_element_type3A_404, %cond3A_405 : i32
        scf.if %cond3A_406 {
          %sub3A = arith.constant 8 : i32
          %sub3A_418 = arith.subi %add3A_273, %sub3A : i32
          %dma_wait3A_419 = arith.constant 7 : i32
          %dma_wait3A_420 = arith.constant 0 : i32
          %dma_wait3A_421 = arith.constant 0 : i32
          %dma_wait3A_422 = tpu.memref_slice %arg7[%dma_wait3A_419, %dma_wait3A_420, %dma_wait3A_421] : memref<8x128x16xf32, #tpu.memory_space<vmem>> -> memref<1x128x16xf32, #tpu.memory_space<vmem>>
          %dma_wait3A_423 = tpu.memref_squeeze %dma_wait3A_422 : memref<1x128x16xf32, #tpu.memory_space<vmem>> -> memref<128x16xf32, #tpu.memory_space<vmem>>
          %dma_wait3A_424 = arith.constant 0 : i32
          %dma_wait3A_425 = tpu.memref_slice %arg6[%sub3A_418, %dma_wait3A_424] : memref<80x128xi32, #tpu.memory_space<vmem>> -> memref<1x128xi32, #tpu.memory_space<vmem>>
          %dma_wait3A_426 = tpu.memref_squeeze %dma_wait3A_425 : memref<1x128xi32, #tpu.memory_space<vmem>> -> memref<128xi32, #tpu.memory_space<vmem>>
          %dma_wait3A_427 = arith.constant 0 : i32
          %dma_wait3A_428 = arith.constant 0 : i32
          %dma_wait3A_429 = tpu.memref_slice %arg9[%dma_wait3A_427, %dma_wait3A_428] : memref<10240x16xf32, #tpu.memory_space<vmem_shared>> -> memref<10240x16xf32, #tpu.memory_space<vmem_shared>>
          tpu.wait_indirect_dma semaphore(%arg26 : memref<!tpu.dma_semaphore, #tpu.memory_space<semaphore_mem>>) src(%dma_wait3A_423 : memref<128x16xf32, #tpu.memory_space<vmem>>) dst(%dma_wait3A_429 : memref<10240x16xf32, #tpu.memory_space<vmem_shared>>)
        } else {
        }
        %dma_start3A_407 = arith.constant 7 : i32
        %dma_start3A_408 = arith.constant 0 : i32
        %dma_start3A_409 = arith.constant 0 : i32
        %dma_start3A_410 = tpu.memref_slice %arg7[%dma_start3A_407, %dma_start3A_408, %dma_start3A_409] : memref<8x128x16xf32, #tpu.memory_space<vmem>> -> memref<1x128x16xf32, #tpu.memory_space<vmem>>
        %dma_start3A_411 = tpu.memref_squeeze %dma_start3A_410 : memref<1x128x16xf32, #tpu.memory_space<vmem>> -> memref<128x16xf32, #tpu.memory_space<vmem>>
        %dma_start3A_412 = arith.constant 0 : i32
        %dma_start3A_413 = tpu.memref_slice %arg5[%add3A_273, %dma_start3A_412] : memref<80x128xi32, #tpu.memory_space<vmem>> -> memref<1x128xi32, #tpu.memory_space<vmem>>
        %dma_start3A_414 = tpu.memref_squeeze %dma_start3A_413 : memref<1x128xi32, #tpu.memory_space<vmem>> -> memref<128xi32, #tpu.memory_space<vmem>>
        %dma_start3A_415 = arith.constant 0 : i32
        %dma_start3A_416 = arith.constant 0 : i32
        %dma_start3A_417 = tpu.memref_slice %arg10[%dma_start3A_415, %dma_start3A_416] : memref<10240x16xf32, #tpu.memory_space<vmem_shared>> -> memref<10240x16xf32, #tpu.memory_space<vmem_shared>>
        tpu.enqueue_indirect_dma source(%dma_start3A_417 : memref<10240x16xf32, #tpu.memory_space<vmem_shared>>) target(%dma_start3A_411 : memref<128x16xf32, #tpu.memory_space<vmem>>) offsets(%dma_start3A_414 : memref<128xi32, #tpu.memory_space<vmem>>) semaphore(%arg18 : memref<!tpu.dma_semaphore, #tpu.memory_space<semaphore_mem>>)
      } else {
      }
      %add3A_279 = arith.constant 4 : i32
      %add3A_280 = arith.addi %mul3A_155, %add3A_279 : i32
      %dma_wait3A_281 = arith.constant 4 : i32
      %dma_wait3A_282 = arith.constant 0 : i32
      %dma_wait3A_283 = arith.constant 0 : i32
      %dma_wait3A_284 = tpu.memref_slice %arg7[%dma_wait3A_281, %dma_wait3A_282, %dma_wait3A_283] : memref<8x128x16xf32, #tpu.memory_space<vmem>> -> memref<1x128x16xf32, #tpu.memory_space<vmem>>
      %dma_wait3A_285 = tpu.memref_squeeze %dma_wait3A_284 : memref<1x128x16xf32, #tpu.memory_space<vmem>> -> memref<128x16xf32, #tpu.memory_space<vmem>>
      %dma_wait3A_286 = arith.constant 0 : i32
      %dma_wait3A_287 = tpu.memref_slice %arg5[%add3A_280, %dma_wait3A_286] : memref<80x128xi32, #tpu.memory_space<vmem>> -> memref<1x128xi32, #tpu.memory_space<vmem>>
      %dma_wait3A_288 = tpu.memref_squeeze %dma_wait3A_287 : memref<1x128xi32, #tpu.memory_space<vmem>> -> memref<128xi32, #tpu.memory_space<vmem>>
      %dma_wait3A_289 = arith.constant 0 : i32
      %dma_wait3A_290 = arith.constant 0 : i32
      %dma_wait3A_291 = tpu.memref_slice %arg10[%dma_wait3A_289, %dma_wait3A_290] : memref<10240x16xf32, #tpu.memory_space<vmem_shared>> -> memref<10240x16xf32, #tpu.memory_space<vmem_shared>>
      tpu.wait_indirect_dma semaphore(%arg15 : memref<!tpu.dma_semaphore, #tpu.memory_space<semaphore_mem>>) src(%dma_wait3A_291 : memref<10240x16xf32, #tpu.memory_space<vmem_shared>>) dst(%dma_wait3A_285 : memref<128x16xf32, #tpu.memory_space<vmem>>)
      %dma_start3A_292 = arith.constant 4 : i32
      %dma_start3A_293 = arith.constant 0 : i32
      %dma_start3A_294 = arith.constant 0 : i32
      %dma_start3A_295 = tpu.memref_slice %arg7[%dma_start3A_292, %dma_start3A_293, %dma_start3A_294] : memref<8x128x16xf32, #tpu.memory_space<vmem>> -> memref<1x128x16xf32, #tpu.memory_space<vmem>>
      %dma_start3A_296 = tpu.memref_squeeze %dma_start3A_295 : memref<1x128x16xf32, #tpu.memory_space<vmem>> -> memref<128x16xf32, #tpu.memory_space<vmem>>
      %dma_start3A_297 = arith.constant 0 : i32
      %dma_start3A_298 = tpu.memref_slice %arg6[%add3A_280, %dma_start3A_297] : memref<80x128xi32, #tpu.memory_space<vmem>> -> memref<1x128xi32, #tpu.memory_space<vmem>>
      %dma_start3A_299 = tpu.memref_squeeze %dma_start3A_298 : memref<1x128xi32, #tpu.memory_space<vmem>> -> memref<128xi32, #tpu.memory_space<vmem>>
      %dma_start3A_300 = arith.constant 0 : i32
      %dma_start3A_301 = arith.constant 0 : i32
      %dma_start3A_302 = tpu.memref_slice %arg9[%dma_start3A_300, %dma_start3A_301] : memref<10240x16xf32, #tpu.memory_space<vmem_shared>> -> memref<10240x16xf32, #tpu.memory_space<vmem_shared>>
      tpu.enqueue_indirect_dma source(%dma_start3A_296 : memref<128x16xf32, #tpu.memory_space<vmem>>) target(%dma_start3A_302 : memref<10240x16xf32, #tpu.memory_space<vmem_shared>>) offsets(%dma_start3A_299 : memref<128xi32, #tpu.memory_space<vmem>>) semaphore(%arg23 : memref<!tpu.dma_semaphore, #tpu.memory_space<semaphore_mem>>) {add = true}
      %add3A_303 = arith.constant 4 : i32
      %add3A_304 = arith.addi %add3A_280, %add3A_303 : i32
      %lt3A_305 = arith.constant 80 : i32
      %lt3A_306 = arith.cmpi slt, %add3A_304, %lt3A_305 : i32
      %convert_element_type3A_307 = arith.extui %lt3A_306 : i1 to i32
      %cond3A_308 = arith.constant 0 : i32
      %cond3A_309 = arith.cmpi ne, %convert_element_type3A_307, %cond3A_308 : i32
      scf.if %cond3A_309 {
        %ge3A = arith.constant 8 : i32
        %ge3A_403 = arith.cmpi sge, %add3A_304, %ge3A : i32
        %convert_element_type3A_404 = arith.extui %ge3A_403 : i1 to i32
        %cond3A_405 = arith.constant 0 : i32
        %cond3A_406 = arith.cmpi ne, %convert_element_type3A_404, %cond3A_405 : i32
        scf.if %cond3A_406 {
          %sub3A = arith.constant 8 : i32
          %sub3A_418 = arith.subi %add3A_304, %sub3A : i32
          %dma_wait3A_419 = arith.constant 0 : i32
          %dma_wait3A_420 = arith.constant 0 : i32
          %dma_wait3A_421 = arith.constant 0 : i32
          %dma_wait3A_422 = tpu.memref_slice %arg7[%dma_wait3A_419, %dma_wait3A_420, %dma_wait3A_421] : memref<8x128x16xf32, #tpu.memory_space<vmem>> -> memref<1x128x16xf32, #tpu.memory_space<vmem>>
          %dma_wait3A_423 = tpu.memref_squeeze %dma_wait3A_422 : memref<1x128x16xf32, #tpu.memory_space<vmem>> -> memref<128x16xf32, #tpu.memory_space<vmem>>
          %dma_wait3A_424 = arith.constant 0 : i32
          %dma_wait3A_425 = tpu.memref_slice %arg6[%sub3A_418, %dma_wait3A_424] : memref<80x128xi32, #tpu.memory_space<vmem>> -> memref<1x128xi32, #tpu.memory_space<vmem>>
          %dma_wait3A_426 = tpu.memref_squeeze %dma_wait3A_425 : memref<1x128xi32, #tpu.memory_space<vmem>> -> memref<128xi32, #tpu.memory_space<vmem>>
          %dma_wait3A_427 = arith.constant 0 : i32
          %dma_wait3A_428 = arith.constant 0 : i32
          %dma_wait3A_429 = tpu.memref_slice %arg9[%dma_wait3A_427, %dma_wait3A_428] : memref<10240x16xf32, #tpu.memory_space<vmem_shared>> -> memref<10240x16xf32, #tpu.memory_space<vmem_shared>>
          tpu.wait_indirect_dma semaphore(%arg19 : memref<!tpu.dma_semaphore, #tpu.memory_space<semaphore_mem>>) src(%dma_wait3A_423 : memref<128x16xf32, #tpu.memory_space<vmem>>) dst(%dma_wait3A_429 : memref<10240x16xf32, #tpu.memory_space<vmem_shared>>)
        } else {
        }
        %dma_start3A_407 = arith.constant 0 : i32
        %dma_start3A_408 = arith.constant 0 : i32
        %dma_start3A_409 = arith.constant 0 : i32
        %dma_start3A_410 = tpu.memref_slice %arg7[%dma_start3A_407, %dma_start3A_408, %dma_start3A_409] : memref<8x128x16xf32, #tpu.memory_space<vmem>> -> memref<1x128x16xf32, #tpu.memory_space<vmem>>
        %dma_start3A_411 = tpu.memref_squeeze %dma_start3A_410 : memref<1x128x16xf32, #tpu.memory_space<vmem>> -> memref<128x16xf32, #tpu.memory_space<vmem>>
        %dma_start3A_412 = arith.constant 0 : i32
        %dma_start3A_413 = tpu.memref_slice %arg5[%add3A_304, %dma_start3A_412] : memref<80x128xi32, #tpu.memory_space<vmem>> -> memref<1x128xi32, #tpu.memory_space<vmem>>
        %dma_start3A_414 = tpu.memref_squeeze %dma_start3A_413 : memref<1x128xi32, #tpu.memory_space<vmem>> -> memref<128xi32, #tpu.memory_space<vmem>>
        %dma_start3A_415 = arith.constant 0 : i32
        %dma_start3A_416 = arith.constant 0 : i32
        %dma_start3A_417 = tpu.memref_slice %arg10[%dma_start3A_415, %dma_start3A_416] : memref<10240x16xf32, #tpu.memory_space<vmem_shared>> -> memref<10240x16xf32, #tpu.memory_space<vmem_shared>>
        tpu.enqueue_indirect_dma source(%dma_start3A_417 : memref<10240x16xf32, #tpu.memory_space<vmem_shared>>) target(%dma_start3A_411 : memref<128x16xf32, #tpu.memory_space<vmem>>) offsets(%dma_start3A_414 : memref<128xi32, #tpu.memory_space<vmem>>) semaphore(%arg11 : memref<!tpu.dma_semaphore, #tpu.memory_space<semaphore_mem>>)
      } else {
      }
      %add3A_310 = arith.constant 5 : i32
      %add3A_311 = arith.addi %mul3A_155, %add3A_310 : i32
      %dma_wait3A_312 = arith.constant 5 : i32
      %dma_wait3A_313 = arith.constant 0 : i32
      %dma_wait3A_314 = arith.constant 0 : i32
      %dma_wait3A_315 = tpu.memref_slice %arg7[%dma_wait3A_312, %dma_wait3A_313, %dma_wait3A_314] : memref<8x128x16xf32, #tpu.memory_space<vmem>> -> memref<1x128x16xf32, #tpu.memory_space<vmem>>
      %dma_wait3A_316 = tpu.memref_squeeze %dma_wait3A_315 : memref<1x128x16xf32, #tpu.memory_space<vmem>> -> memref<128x16xf32, #tpu.memory_space<vmem>>
      %dma_wait3A_317 = arith.constant 0 : i32
      %dma_wait3A_318 = tpu.memref_slice %arg5[%add3A_311, %dma_wait3A_317] : memref<80x128xi32, #tpu.memory_space<vmem>> -> memref<1x128xi32, #tpu.memory_space<vmem>>
      %dma_wait3A_319 = tpu.memref_squeeze %dma_wait3A_318 : memref<1x128xi32, #tpu.memory_space<vmem>> -> memref<128xi32, #tpu.memory_space<vmem>>
      %dma_wait3A_320 = arith.constant 0 : i32
      %dma_wait3A_321 = arith.constant 0 : i32
      %dma_wait3A_322 = tpu.memref_slice %arg10[%dma_wait3A_320, %dma_wait3A_321] : memref<10240x16xf32, #tpu.memory_space<vmem_shared>> -> memref<10240x16xf32, #tpu.memory_space<vmem_shared>>
      tpu.wait_indirect_dma semaphore(%arg16 : memref<!tpu.dma_semaphore, #tpu.memory_space<semaphore_mem>>) src(%dma_wait3A_322 : memref<10240x16xf32, #tpu.memory_space<vmem_shared>>) dst(%dma_wait3A_316 : memref<128x16xf32, #tpu.memory_space<vmem>>)
      %dma_start3A_323 = arith.constant 5 : i32
      %dma_start3A_324 = arith.constant 0 : i32
      %dma_start3A_325 = arith.constant 0 : i32
      %dma_start3A_326 = tpu.memref_slice %arg7[%dma_start3A_323, %dma_start3A_324, %dma_start3A_325] : memref<8x128x16xf32, #tpu.memory_space<vmem>> -> memref<1x128x16xf32, #tpu.memory_space<vmem>>
      %dma_start3A_327 = tpu.memref_squeeze %dma_start3A_326 : memref<1x128x16xf32, #tpu.memory_space<vmem>> -> memref<128x16xf32, #tpu.memory_space<vmem>>
      %dma_start3A_328 = arith.constant 0 : i32
      %dma_start3A_329 = tpu.memref_slice %arg6[%add3A_311, %dma_start3A_328] : memref<80x128xi32, #tpu.memory_space<vmem>> -> memref<1x128xi32, #tpu.memory_space<vmem>>
      %dma_start3A_330 = tpu.memref_squeeze %dma_start3A_329 : memref<1x128xi32, #tpu.memory_space<vmem>> -> memref<128xi32, #tpu.memory_space<vmem>>
      %dma_start3A_331 = arith.constant 0 : i32
      %dma_start3A_332 = arith.constant 0 : i32
      %dma_start3A_333 = tpu.memref_slice %arg9[%dma_start3A_331, %dma_start3A_332] : memref<10240x16xf32, #tpu.memory_space<vmem_shared>> -> memref<10240x16xf32, #tpu.memory_space<vmem_shared>>
      tpu.enqueue_indirect_dma source(%dma_start3A_327 : memref<128x16xf32, #tpu.memory_space<vmem>>) target(%dma_start3A_333 : memref<10240x16xf32, #tpu.memory_space<vmem_shared>>) offsets(%dma_start3A_330 : memref<128xi32, #tpu.memory_space<vmem>>) semaphore(%arg24 : memref<!tpu.dma_semaphore, #tpu.memory_space<semaphore_mem>>) {add = true}
      %add3A_334 = arith.constant 4 : i32
      %add3A_335 = arith.addi %add3A_311, %add3A_334 : i32
      %lt3A_336 = arith.constant 80 : i32
      %lt3A_337 = arith.cmpi slt, %add3A_335, %lt3A_336 : i32
      %convert_element_type3A_338 = arith.extui %lt3A_337 : i1 to i32
      %cond3A_339 = arith.constant 0 : i32
      %cond3A_340 = arith.cmpi ne, %convert_element_type3A_338, %cond3A_339 : i32
      scf.if %cond3A_340 {
        %ge3A = arith.constant 8 : i32
        %ge3A_403 = arith.cmpi sge, %add3A_335, %ge3A : i32
        %convert_element_type3A_404 = arith.extui %ge3A_403 : i1 to i32
        %cond3A_405 = arith.constant 0 : i32
        %cond3A_406 = arith.cmpi ne, %convert_element_type3A_404, %cond3A_405 : i32
        scf.if %cond3A_406 {
          %sub3A = arith.constant 8 : i32
          %sub3A_418 = arith.subi %add3A_335, %sub3A : i32
          %dma_wait3A_419 = arith.constant 1 : i32
          %dma_wait3A_420 = arith.constant 0 : i32
          %dma_wait3A_421 = arith.constant 0 : i32
          %dma_wait3A_422 = tpu.memref_slice %arg7[%dma_wait3A_419, %dma_wait3A_420, %dma_wait3A_421] : memref<8x128x16xf32, #tpu.memory_space<vmem>> -> memref<1x128x16xf32, #tpu.memory_space<vmem>>
          %dma_wait3A_423 = tpu.memref_squeeze %dma_wait3A_422 : memref<1x128x16xf32, #tpu.memory_space<vmem>> -> memref<128x16xf32, #tpu.memory_space<vmem>>
          %dma_wait3A_424 = arith.constant 0 : i32
          %dma_wait3A_425 = tpu.memref_slice %arg6[%sub3A_418, %dma_wait3A_424] : memref<80x128xi32, #tpu.memory_space<vmem>> -> memref<1x128xi32, #tpu.memory_space<vmem>>
          %dma_wait3A_426 = tpu.memref_squeeze %dma_wait3A_425 : memref<1x128xi32, #tpu.memory_space<vmem>> -> memref<128xi32, #tpu.memory_space<vmem>>
          %dma_wait3A_427 = arith.constant 0 : i32
          %dma_wait3A_428 = arith.constant 0 : i32
          %dma_wait3A_429 = tpu.memref_slice %arg9[%dma_wait3A_427, %dma_wait3A_428] : memref<10240x16xf32, #tpu.memory_space<vmem_shared>> -> memref<10240x16xf32, #tpu.memory_space<vmem_shared>>
          tpu.wait_indirect_dma semaphore(%arg20 : memref<!tpu.dma_semaphore, #tpu.memory_space<semaphore_mem>>) src(%dma_wait3A_423 : memref<128x16xf32, #tpu.memory_space<vmem>>) dst(%dma_wait3A_429 : memref<10240x16xf32, #tpu.memory_space<vmem_shared>>)
        } else {
        }
        %dma_start3A_407 = arith.constant 1 : i32
        %dma_start3A_408 = arith.constant 0 : i32
        %dma_start3A_409 = arith.constant 0 : i32
        %dma_start3A_410 = tpu.memref_slice %arg7[%dma_start3A_407, %dma_start3A_408, %dma_start3A_409] : memref<8x128x16xf32, #tpu.memory_space<vmem>> -> memref<1x128x16xf32, #tpu.memory_space<vmem>>
        %dma_start3A_411 = tpu.memref_squeeze %dma_start3A_410 : memref<1x128x16xf32, #tpu.memory_space<vmem>> -> memref<128x16xf32, #tpu.memory_space<vmem>>
        %dma_start3A_412 = arith.constant 0 : i32
        %dma_start3A_413 = tpu.memref_slice %arg5[%add3A_335, %dma_start3A_412] : memref<80x128xi32, #tpu.memory_space<vmem>> -> memref<1x128xi32, #tpu.memory_space<vmem>>
        %dma_start3A_414 = tpu.memref_squeeze %dma_start3A_413 : memref<1x128xi32, #tpu.memory_space<vmem>> -> memref<128xi32, #tpu.memory_space<vmem>>
        %dma_start3A_415 = arith.constant 0 : i32
        %dma_start3A_416 = arith.constant 0 : i32
        %dma_start3A_417 = tpu.memref_slice %arg10[%dma_start3A_415, %dma_start3A_416] : memref<10240x16xf32, #tpu.memory_space<vmem_shared>> -> memref<10240x16xf32, #tpu.memory_space<vmem_shared>>
        tpu.enqueue_indirect_dma source(%dma_start3A_417 : memref<10240x16xf32, #tpu.memory_space<vmem_shared>>) target(%dma_start3A_411 : memref<128x16xf32, #tpu.memory_space<vmem>>) offsets(%dma_start3A_414 : memref<128xi32, #tpu.memory_space<vmem>>) semaphore(%arg12 : memref<!tpu.dma_semaphore, #tpu.memory_space<semaphore_mem>>)
      } else {
      }
      %add3A_341 = arith.constant 6 : i32
      %add3A_342 = arith.addi %mul3A_155, %add3A_341 : i32
      %dma_wait3A_343 = arith.constant 6 : i32
      %dma_wait3A_344 = arith.constant 0 : i32
      %dma_wait3A_345 = arith.constant 0 : i32
      %dma_wait3A_346 = tpu.memref_slice %arg7[%dma_wait3A_343, %dma_wait3A_344, %dma_wait3A_345] : memref<8x128x16xf32, #tpu.memory_space<vmem>> -> memref<1x128x16xf32, #tpu.memory_space<vmem>>
      %dma_wait3A_347 = tpu.memref_squeeze %dma_wait3A_346 : memref<1x128x16xf32, #tpu.memory_space<vmem>> -> memref<128x16xf32, #tpu.memory_space<vmem>>
      %dma_wait3A_348 = arith.constant 0 : i32
      %dma_wait3A_349 = tpu.memref_slice %arg5[%add3A_342, %dma_wait3A_348] : memref<80x128xi32, #tpu.memory_space<vmem>> -> memref<1x128xi32, #tpu.memory_space<vmem>>
      %dma_wait3A_350 = tpu.memref_squeeze %dma_wait3A_349 : memref<1x128xi32, #tpu.memory_space<vmem>> -> memref<128xi32, #tpu.memory_space<vmem>>
      %dma_wait3A_351 = arith.constant 0 : i32
      %dma_wait3A_352 = arith.constant 0 : i32
      %dma_wait3A_353 = tpu.memref_slice %arg10[%dma_wait3A_351, %dma_wait3A_352] : memref<10240x16xf32, #tpu.memory_space<vmem_shared>> -> memref<10240x16xf32, #tpu.memory_space<vmem_shared>>
      tpu.wait_indirect_dma semaphore(%arg17 : memref<!tpu.dma_semaphore, #tpu.memory_space<semaphore_mem>>) src(%dma_wait3A_353 : memref<10240x16xf32, #tpu.memory_space<vmem_shared>>) dst(%dma_wait3A_347 : memref<128x16xf32, #tpu.memory_space<vmem>>)
      %dma_start3A_354 = arith.constant 6 : i32
      %dma_start3A_355 = arith.constant 0 : i32
      %dma_start3A_356 = arith.constant 0 : i32
      %dma_start3A_357 = tpu.memref_slice %arg7[%dma_start3A_354, %dma_start3A_355, %dma_start3A_356] : memref<8x128x16xf32, #tpu.memory_space<vmem>> -> memref<1x128x16xf32, #tpu.memory_space<vmem>>
      %dma_start3A_358 = tpu.memref_squeeze %dma_start3A_357 : memref<1x128x16xf32, #tpu.memory_space<vmem>> -> memref<128x16xf32, #tpu.memory_space<vmem>>
      %dma_start3A_359 = arith.constant 0 : i32
      %dma_start3A_360 = tpu.memref_slice %arg6[%add3A_342, %dma_start3A_359] : memref<80x128xi32, #tpu.memory_space<vmem>> -> memref<1x128xi32, #tpu.memory_space<vmem>>
      %dma_start3A_361 = tpu.memref_squeeze %dma_start3A_360 : memref<1x128xi32, #tpu.memory_space<vmem>> -> memref<128xi32, #tpu.memory_space<vmem>>
      %dma_start3A_362 = arith.constant 0 : i32
      %dma_start3A_363 = arith.constant 0 : i32
      %dma_start3A_364 = tpu.memref_slice %arg9[%dma_start3A_362, %dma_start3A_363] : memref<10240x16xf32, #tpu.memory_space<vmem_shared>> -> memref<10240x16xf32, #tpu.memory_space<vmem_shared>>
      tpu.enqueue_indirect_dma source(%dma_start3A_358 : memref<128x16xf32, #tpu.memory_space<vmem>>) target(%dma_start3A_364 : memref<10240x16xf32, #tpu.memory_space<vmem_shared>>) offsets(%dma_start3A_361 : memref<128xi32, #tpu.memory_space<vmem>>) semaphore(%arg25 : memref<!tpu.dma_semaphore, #tpu.memory_space<semaphore_mem>>) {add = true}
      %add3A_365 = arith.constant 4 : i32
      %add3A_366 = arith.addi %add3A_342, %add3A_365 : i32
      %lt3A_367 = arith.constant 80 : i32
      %lt3A_368 = arith.cmpi slt, %add3A_366, %lt3A_367 : i32
      %convert_element_type3A_369 = arith.extui %lt3A_368 : i1 to i32
      %cond3A_370 = arith.constant 0 : i32
      %cond3A_371 = arith.cmpi ne, %convert_element_type3A_369, %cond3A_370 : i32
      scf.if %cond3A_371 {
        %ge3A = arith.constant 8 : i32
        %ge3A_403 = arith.cmpi sge, %add3A_366, %ge3A : i32
        %convert_element_type3A_404 = arith.extui %ge3A_403 : i1 to i32
        %cond3A_405 = arith.constant 0 : i32
        %cond3A_406 = arith.cmpi ne, %convert_element_type3A_404, %cond3A_405 : i32
        scf.if %cond3A_406 {
          %sub3A = arith.constant 8 : i32
          %sub3A_418 = arith.subi %add3A_366, %sub3A : i32
          %dma_wait3A_419 = arith.constant 2 : i32
          %dma_wait3A_420 = arith.constant 0 : i32
          %dma_wait3A_421 = arith.constant 0 : i32
          %dma_wait3A_422 = tpu.memref_slice %arg7[%dma_wait3A_419, %dma_wait3A_420, %dma_wait3A_421] : memref<8x128x16xf32, #tpu.memory_space<vmem>> -> memref<1x128x16xf32, #tpu.memory_space<vmem>>
          %dma_wait3A_423 = tpu.memref_squeeze %dma_wait3A_422 : memref<1x128x16xf32, #tpu.memory_space<vmem>> -> memref<128x16xf32, #tpu.memory_space<vmem>>
          %dma_wait3A_424 = arith.constant 0 : i32
          %dma_wait3A_425 = tpu.memref_slice %arg6[%sub3A_418, %dma_wait3A_424] : memref<80x128xi32, #tpu.memory_space<vmem>> -> memref<1x128xi32, #tpu.memory_space<vmem>>
          %dma_wait3A_426 = tpu.memref_squeeze %dma_wait3A_425 : memref<1x128xi32, #tpu.memory_space<vmem>> -> memref<128xi32, #tpu.memory_space<vmem>>
          %dma_wait3A_427 = arith.constant 0 : i32
          %dma_wait3A_428 = arith.constant 0 : i32
          %dma_wait3A_429 = tpu.memref_slice %arg9[%dma_wait3A_427, %dma_wait3A_428] : memref<10240x16xf32, #tpu.memory_space<vmem_shared>> -> memref<10240x16xf32, #tpu.memory_space<vmem_shared>>
          tpu.wait_indirect_dma semaphore(%arg21 : memref<!tpu.dma_semaphore, #tpu.memory_space<semaphore_mem>>) src(%dma_wait3A_423 : memref<128x16xf32, #tpu.memory_space<vmem>>) dst(%dma_wait3A_429 : memref<10240x16xf32, #tpu.memory_space<vmem_shared>>)
        } else {
        }
        %dma_start3A_407 = arith.constant 2 : i32
        %dma_start3A_408 = arith.constant 0 : i32
        %dma_start3A_409 = arith.constant 0 : i32
        %dma_start3A_410 = tpu.memref_slice %arg7[%dma_start3A_407, %dma_start3A_408, %dma_start3A_409] : memref<8x128x16xf32, #tpu.memory_space<vmem>> -> memref<1x128x16xf32, #tpu.memory_space<vmem>>
        %dma_start3A_411 = tpu.memref_squeeze %dma_start3A_410 : memref<1x128x16xf32, #tpu.memory_space<vmem>> -> memref<128x16xf32, #tpu.memory_space<vmem>>
        %dma_start3A_412 = arith.constant 0 : i32
        %dma_start3A_413 = tpu.memref_slice %arg5[%add3A_366, %dma_start3A_412] : memref<80x128xi32, #tpu.memory_space<vmem>> -> memref<1x128xi32, #tpu.memory_space<vmem>>
        %dma_start3A_414 = tpu.memref_squeeze %dma_start3A_413 : memref<1x128xi32, #tpu.memory_space<vmem>> -> memref<128xi32, #tpu.memory_space<vmem>>
        %dma_start3A_415 = arith.constant 0 : i32
        %dma_start3A_416 = arith.constant 0 : i32
        %dma_start3A_417 = tpu.memref_slice %arg10[%dma_start3A_415, %dma_start3A_416] : memref<10240x16xf32, #tpu.memory_space<vmem_shared>> -> memref<10240x16xf32, #tpu.memory_space<vmem_shared>>
        tpu.enqueue_indirect_dma source(%dma_start3A_417 : memref<10240x16xf32, #tpu.memory_space<vmem_shared>>) target(%dma_start3A_411 : memref<128x16xf32, #tpu.memory_space<vmem>>) offsets(%dma_start3A_414 : memref<128xi32, #tpu.memory_space<vmem>>) semaphore(%arg13 : memref<!tpu.dma_semaphore, #tpu.memory_space<semaphore_mem>>)
      } else {
      }
      %add3A_372 = arith.constant 7 : i32
      %add3A_373 = arith.addi %mul3A_155, %add3A_372 : i32
      %dma_wait3A_374 = arith.constant 7 : i32
      %dma_wait3A_375 = arith.constant 0 : i32
      %dma_wait3A_376 = arith.constant 0 : i32
      %dma_wait3A_377 = tpu.memref_slice %arg7[%dma_wait3A_374, %dma_wait3A_375, %dma_wait3A_376] : memref<8x128x16xf32, #tpu.memory_space<vmem>> -> memref<1x128x16xf32, #tpu.memory_space<vmem>>
      %dma_wait3A_378 = tpu.memref_squeeze %dma_wait3A_377 : memref<1x128x16xf32, #tpu.memory_space<vmem>> -> memref<128x16xf32, #tpu.memory_space<vmem>>
      %dma_wait3A_379 = arith.constant 0 : i32
      %dma_wait3A_380 = tpu.memref_slice %arg5[%add3A_373, %dma_wait3A_379] : memref<80x128xi32, #tpu.memory_space<vmem>> -> memref<1x128xi32, #tpu.memory_space<vmem>>
      %dma_wait3A_381 = tpu.memref_squeeze %dma_wait3A_380 : memref<1x128xi32, #tpu.memory_space<vmem>> -> memref<128xi32, #tpu.memory_space<vmem>>
      %dma_wait3A_382 = arith.constant 0 : i32
      %dma_wait3A_383 = arith.constant 0 : i32
      %dma_wait3A_384 = tpu.memref_slice %arg10[%dma_wait3A_382, %dma_wait3A_383] : memref<10240x16xf32, #tpu.memory_space<vmem_shared>> -> memref<10240x16xf32, #tpu.memory_space<vmem_shared>>
      tpu.wait_indirect_dma semaphore(%arg18 : memref<!tpu.dma_semaphore, #tpu.memory_space<semaphore_mem>>) src(%dma_wait3A_384 : memref<10240x16xf32, #tpu.memory_space<vmem_shared>>) dst(%dma_wait3A_378 : memref<128x16xf32, #tpu.memory_space<vmem>>)
      %dma_start3A_385 = arith.constant 7 : i32
      %dma_start3A_386 = arith.constant 0 : i32
      %dma_start3A_387 = arith.constant 0 : i32
      %dma_start3A_388 = tpu.memref_slice %arg7[%dma_start3A_385, %dma_start3A_386, %dma_start3A_387] : memref<8x128x16xf32, #tpu.memory_space<vmem>> -> memref<1x128x16xf32, #tpu.memory_space<vmem>>
      %dma_start3A_389 = tpu.memref_squeeze %dma_start3A_388 : memref<1x128x16xf32, #tpu.memory_space<vmem>> -> memref<128x16xf32, #tpu.memory_space<vmem>>
      %dma_start3A_390 = arith.constant 0 : i32
      %dma_start3A_391 = tpu.memref_slice %arg6[%add3A_373, %dma_start3A_390] : memref<80x128xi32, #tpu.memory_space<vmem>> -> memref<1x128xi32, #tpu.memory_space<vmem>>
      %dma_start3A_392 = tpu.memref_squeeze %dma_start3A_391 : memref<1x128xi32, #tpu.memory_space<vmem>> -> memref<128xi32, #tpu.memory_space<vmem>>
      %dma_start3A_393 = arith.constant 0 : i32
      %dma_start3A_394 = arith.constant 0 : i32
      %dma_start3A_395 = tpu.memref_slice %arg9[%dma_start3A_393, %dma_start3A_394] : memref<10240x16xf32, #tpu.memory_space<vmem_shared>> -> memref<10240x16xf32, #tpu.memory_space<vmem_shared>>
      tpu.enqueue_indirect_dma source(%dma_start3A_389 : memref<128x16xf32, #tpu.memory_space<vmem>>) target(%dma_start3A_395 : memref<10240x16xf32, #tpu.memory_space<vmem_shared>>) offsets(%dma_start3A_392 : memref<128xi32, #tpu.memory_space<vmem>>) semaphore(%arg26 : memref<!tpu.dma_semaphore, #tpu.memory_space<semaphore_mem>>) {add = true}
      %add3A_396 = arith.constant 4 : i32
      %add3A_397 = arith.addi %add3A_373, %add3A_396 : i32
      %lt3A_398 = arith.constant 80 : i32
      %lt3A_399 = arith.cmpi slt, %add3A_397, %lt3A_398 : i32
      %convert_element_type3A_400 = arith.extui %lt3A_399 : i1 to i32
      %cond3A_401 = arith.constant 0 : i32
      %cond3A_402 = arith.cmpi ne, %convert_element_type3A_400, %cond3A_401 : i32
      scf.if %cond3A_402 {
        %ge3A = arith.constant 8 : i32
        %ge3A_403 = arith.cmpi sge, %add3A_397, %ge3A : i32
        %convert_element_type3A_404 = arith.extui %ge3A_403 : i1 to i32
        %cond3A_405 = arith.constant 0 : i32
        %cond3A_406 = arith.cmpi ne, %convert_element_type3A_404, %cond3A_405 : i32
        scf.if %cond3A_406 {
          %sub3A = arith.constant 8 : i32
          %sub3A_418 = arith.subi %add3A_397, %sub3A : i32
          %dma_wait3A_419 = arith.constant 3 : i32
          %dma_wait3A_420 = arith.constant 0 : i32
          %dma_wait3A_421 = arith.constant 0 : i32
          %dma_wait3A_422 = tpu.memref_slice %arg7[%dma_wait3A_419, %dma_wait3A_420, %dma_wait3A_421] : memref<8x128x16xf32, #tpu.memory_space<vmem>> -> memref<1x128x16xf32, #tpu.memory_space<vmem>>
          %dma_wait3A_423 = tpu.memref_squeeze %dma_wait3A_422 : memref<1x128x16xf32, #tpu.memory_space<vmem>> -> memref<128x16xf32, #tpu.memory_space<vmem>>
          %dma_wait3A_424 = arith.constant 0 : i32
          %dma_wait3A_425 = tpu.memref_slice %arg6[%sub3A_418, %dma_wait3A_424] : memref<80x128xi32, #tpu.memory_space<vmem>> -> memref<1x128xi32, #tpu.memory_space<vmem>>
          %dma_wait3A_426 = tpu.memref_squeeze %dma_wait3A_425 : memref<1x128xi32, #tpu.memory_space<vmem>> -> memref<128xi32, #tpu.memory_space<vmem>>
          %dma_wait3A_427 = arith.constant 0 : i32
          %dma_wait3A_428 = arith.constant 0 : i32
          %dma_wait3A_429 = tpu.memref_slice %arg9[%dma_wait3A_427, %dma_wait3A_428] : memref<10240x16xf32, #tpu.memory_space<vmem_shared>> -> memref<10240x16xf32, #tpu.memory_space<vmem_shared>>
          tpu.wait_indirect_dma semaphore(%arg22 : memref<!tpu.dma_semaphore, #tpu.memory_space<semaphore_mem>>) src(%dma_wait3A_423 : memref<128x16xf32, #tpu.memory_space<vmem>>) dst(%dma_wait3A_429 : memref<10240x16xf32, #tpu.memory_space<vmem_shared>>)
        } else {
        }
        %dma_start3A_407 = arith.constant 3 : i32
        %dma_start3A_408 = arith.constant 0 : i32
        %dma_start3A_409 = arith.constant 0 : i32
        %dma_start3A_410 = tpu.memref_slice %arg7[%dma_start3A_407, %dma_start3A_408, %dma_start3A_409] : memref<8x128x16xf32, #tpu.memory_space<vmem>> -> memref<1x128x16xf32, #tpu.memory_space<vmem>>
        %dma_start3A_411 = tpu.memref_squeeze %dma_start3A_410 : memref<1x128x16xf32, #tpu.memory_space<vmem>> -> memref<128x16xf32, #tpu.memory_space<vmem>>
        %dma_start3A_412 = arith.constant 0 : i32
        %dma_start3A_413 = tpu.memref_slice %arg5[%add3A_397, %dma_start3A_412] : memref<80x128xi32, #tpu.memory_space<vmem>> -> memref<1x128xi32, #tpu.memory_space<vmem>>
        %dma_start3A_414 = tpu.memref_squeeze %dma_start3A_413 : memref<1x128xi32, #tpu.memory_space<vmem>> -> memref<128xi32, #tpu.memory_space<vmem>>
        %dma_start3A_415 = arith.constant 0 : i32
        %dma_start3A_416 = arith.constant 0 : i32
        %dma_start3A_417 = tpu.memref_slice %arg10[%dma_start3A_415, %dma_start3A_416] : memref<10240x16xf32, #tpu.memory_space<vmem_shared>> -> memref<10240x16xf32, #tpu.memory_space<vmem_shared>>
        tpu.enqueue_indirect_dma source(%dma_start3A_417 : memref<10240x16xf32, #tpu.memory_space<vmem_shared>>) target(%dma_start3A_411 : memref<128x16xf32, #tpu.memory_space<vmem>>) offsets(%dma_start3A_414 : memref<128xi32, #tpu.memory_space<vmem>>) semaphore(%arg14 : memref<!tpu.dma_semaphore, #tpu.memory_space<semaphore_mem>>)
      } else {
      }
    }
    %scan3A_103 = arith.constant 10 : i32
    %dma_wait3A_104 = arith.constant 4 : i32
    %dma_wait3A_105 = arith.constant 76 : i32
    %dma_wait3A_106 = arith.constant 0 : i32
    %dma_wait3A_107 = arith.constant 0 : i32
    %dma_wait3A_108 = tpu.memref_slice %arg7[%dma_wait3A_104, %dma_wait3A_106, %dma_wait3A_107] : memref<8x128x16xf32, #tpu.memory_space<vmem>> -> memref<1x128x16xf32, #tpu.memory_space<vmem>>
    %dma_wait3A_109 = tpu.memref_squeeze %dma_wait3A_108 : memref<1x128x16xf32, #tpu.memory_space<vmem>> -> memref<128x16xf32, #tpu.memory_space<vmem>>
    %dma_wait3A_110 = arith.constant 0 : i32
    %dma_wait3A_111 = tpu.memref_slice %arg6[%dma_wait3A_105, %dma_wait3A_110] : memref<80x128xi32, #tpu.memory_space<vmem>> -> memref<1x128xi32, #tpu.memory_space<vmem>>
    %dma_wait3A_112 = tpu.memref_squeeze %dma_wait3A_111 : memref<1x128xi32, #tpu.memory_space<vmem>> -> memref<128xi32, #tpu.memory_space<vmem>>
    %dma_wait3A_113 = arith.constant 0 : i32
    %dma_wait3A_114 = arith.constant 0 : i32
    %dma_wait3A_115 = tpu.memref_slice %arg9[%dma_wait3A_113, %dma_wait3A_114] : memref<10240x16xf32, #tpu.memory_space<vmem_shared>> -> memref<10240x16xf32, #tpu.memory_space<vmem_shared>>
    tpu.wait_indirect_dma semaphore(%arg23 : memref<!tpu.dma_semaphore, #tpu.memory_space<semaphore_mem>>) src(%dma_wait3A_109 : memref<128x16xf32, #tpu.memory_space<vmem>>) dst(%dma_wait3A_115 : memref<10240x16xf32, #tpu.memory_space<vmem_shared>>)
    %dma_wait3A_116 = arith.constant 5 : i32
    %dma_wait3A_117 = arith.constant 77 : i32
    %dma_wait3A_118 = arith.constant 0 : i32
    %dma_wait3A_119 = arith.constant 0 : i32
    %dma_wait3A_120 = tpu.memref_slice %arg7[%dma_wait3A_116, %dma_wait3A_118, %dma_wait3A_119] : memref<8x128x16xf32, #tpu.memory_space<vmem>> -> memref<1x128x16xf32, #tpu.memory_space<vmem>>
    %dma_wait3A_121 = tpu.memref_squeeze %dma_wait3A_120 : memref<1x128x16xf32, #tpu.memory_space<vmem>> -> memref<128x16xf32, #tpu.memory_space<vmem>>
    %dma_wait3A_122 = arith.constant 0 : i32
    %dma_wait3A_123 = tpu.memref_slice %arg6[%dma_wait3A_117, %dma_wait3A_122] : memref<80x128xi32, #tpu.memory_space<vmem>> -> memref<1x128xi32, #tpu.memory_space<vmem>>
    %dma_wait3A_124 = tpu.memref_squeeze %dma_wait3A_123 : memref<1x128xi32, #tpu.memory_space<vmem>> -> memref<128xi32, #tpu.memory_space<vmem>>
    %dma_wait3A_125 = arith.constant 0 : i32
    %dma_wait3A_126 = arith.constant 0 : i32
    %dma_wait3A_127 = tpu.memref_slice %arg9[%dma_wait3A_125, %dma_wait3A_126] : memref<10240x16xf32, #tpu.memory_space<vmem_shared>> -> memref<10240x16xf32, #tpu.memory_space<vmem_shared>>
    tpu.wait_indirect_dma semaphore(%arg24 : memref<!tpu.dma_semaphore, #tpu.memory_space<semaphore_mem>>) src(%dma_wait3A_121 : memref<128x16xf32, #tpu.memory_space<vmem>>) dst(%dma_wait3A_127 : memref<10240x16xf32, #tpu.memory_space<vmem_shared>>)
    %dma_wait3A_128 = arith.constant 6 : i32
    %dma_wait3A_129 = arith.constant 78 : i32
    %dma_wait3A_130 = arith.constant 0 : i32
    %dma_wait3A_131 = arith.constant 0 : i32
    %dma_wait3A_132 = tpu.memref_slice %arg7[%dma_wait3A_128, %dma_wait3A_130, %dma_wait3A_131] : memref<8x128x16xf32, #tpu.memory_space<vmem>> -> memref<1x128x16xf32, #tpu.memory_space<vmem>>
    %dma_wait3A_133 = tpu.memref_squeeze %dma_wait3A_132 : memref<1x128x16xf32, #tpu.memory_space<vmem>> -> memref<128x16xf32, #tpu.memory_space<vmem>>
    %dma_wait3A_134 = arith.constant 0 : i32
    %dma_wait3A_135 = tpu.memref_slice %arg6[%dma_wait3A_129, %dma_wait3A_134] : memref<80x128xi32, #tpu.memory_space<vmem>> -> memref<1x128xi32, #tpu.memory_space<vmem>>
    %dma_wait3A_136 = tpu.memref_squeeze %dma_wait3A_135 : memref<1x128xi32, #tpu.memory_space<vmem>> -> memref<128xi32, #tpu.memory_space<vmem>>
    %dma_wait3A_137 = arith.constant 0 : i32
    %dma_wait3A_138 = arith.constant 0 : i32
    %dma_wait3A_139 = tpu.memref_slice %arg9[%dma_wait3A_137, %dma_wait3A_138] : memref<10240x16xf32, #tpu.memory_space<vmem_shared>> -> memref<10240x16xf32, #tpu.memory_space<vmem_shared>>
    tpu.wait_indirect_dma semaphore(%arg25 : memref<!tpu.dma_semaphore, #tpu.memory_space<semaphore_mem>>) src(%dma_wait3A_133 : memref<128x16xf32, #tpu.memory_space<vmem>>) dst(%dma_wait3A_139 : memref<10240x16xf32, #tpu.memory_space<vmem_shared>>)
    %dma_wait3A_140 = arith.constant 7 : i32
    %dma_wait3A_141 = arith.constant 79 : i32
    %dma_wait3A_142 = arith.constant 0 : i32
    %dma_wait3A_143 = arith.constant 0 : i32
    %dma_wait3A_144 = tpu.memref_slice %arg7[%dma_wait3A_140, %dma_wait3A_142, %dma_wait3A_143] : memref<8x128x16xf32, #tpu.memory_space<vmem>> -> memref<1x128x16xf32, #tpu.memory_space<vmem>>
    %dma_wait3A_145 = tpu.memref_squeeze %dma_wait3A_144 : memref<1x128x16xf32, #tpu.memory_space<vmem>> -> memref<128x16xf32, #tpu.memory_space<vmem>>
    %dma_wait3A_146 = arith.constant 0 : i32
    %dma_wait3A_147 = tpu.memref_slice %arg6[%dma_wait3A_141, %dma_wait3A_146] : memref<80x128xi32, #tpu.memory_space<vmem>> -> memref<1x128xi32, #tpu.memory_space<vmem>>
    %dma_wait3A_148 = tpu.memref_squeeze %dma_wait3A_147 : memref<1x128xi32, #tpu.memory_space<vmem>> -> memref<128xi32, #tpu.memory_space<vmem>>
    %dma_wait3A_149 = arith.constant 0 : i32
    %dma_wait3A_150 = arith.constant 0 : i32
    %dma_wait3A_151 = tpu.memref_slice %arg9[%dma_wait3A_149, %dma_wait3A_150] : memref<10240x16xf32, #tpu.memory_space<vmem_shared>> -> memref<10240x16xf32, #tpu.memory_space<vmem_shared>>
    tpu.wait_indirect_dma semaphore(%arg26 : memref<!tpu.dma_semaphore, #tpu.memory_space<semaphore_mem>>) src(%dma_wait3A_145 : memref<128x16xf32, #tpu.memory_space<vmem>>) dst(%dma_wait3A_151 : memref<10240x16xf32, #tpu.memory_space<vmem_shared>>)
    %barrier3A_152 = arith.constant 0 : index
    tpu.barrier barrier_id(%barrier3A_152)
    "tpu.region"() ({
      %run_scoped3A = tpu.sem_alloc : memref<!tpu.dma_semaphore, #tpu.memory_space<semaphore_mem>>
      %dma_start3A_153 = arith.constant 0 : i32
      %dma_start3A_154 = tpu.memref_slice %arg9[%mul3A_2, %dma_start3A_153] : memref<10240x16xf32, #tpu.memory_space<vmem_shared>> -> memref<640x16xf32, #tpu.memory_space<vmem_shared>>
      %dma_start3A_155 = arith.constant 0 : i32
      %dma_start3A_156 = tpu.memref_slice %arg9[%mul3A_2, %dma_start3A_155] : memref<10240x16xf32, #tpu.memory_space<vmem_shared>> -> memref<640x16xf32, #tpu.memory_space<vmem_shared>>
      tpu.enqueue_dma source(%dma_start3A_156 : memref<640x16xf32, #tpu.memory_space<vmem_shared>>) target(%arg8 : memref<640x16xf32, #tpu.memory_space<vmem>>) target_semaphore(%run_scoped3A : memref<!tpu.dma_semaphore, #tpu.memory_space<semaphore_mem>>)
      %dma_wait3A_157 = arith.constant 0 : i32
      %dma_wait3A_158 = tpu.memref_slice %arg9[%mul3A_2, %dma_wait3A_157] : memref<10240x16xf32, #tpu.memory_space<vmem_shared>> -> memref<640x16xf32, #tpu.memory_space<vmem_shared>>
      %dma_wait3A_159 = arith.constant 0 : i32
      %dma_wait3A_160 = tpu.memref_slice %arg9[%mul3A_2, %dma_wait3A_159] : memref<10240x16xf32, #tpu.memory_space<vmem_shared>> -> memref<640x16xf32, #tpu.memory_space<vmem_shared>>
      tpu.wait_dma2 semaphore(%run_scoped3A : memref<!tpu.dma_semaphore, #tpu.memory_space<semaphore_mem>>) src(%dma_wait3A_160 : memref<640x16xf32, #tpu.memory_space<vmem_shared>>) dst(%arg8 : memref<640x16xf32, #tpu.memory_space<vmem>>)
      tpu.yield
    }) : () -> ()
    "tpu.region"() ({
      %run_scoped3A = tpu.sem_alloc : memref<!tpu.dma_semaphore, #tpu.memory_space<semaphore_mem>>
      %dma_start3A_153 = arith.constant 0 : i32
      %dma_start3A_154 = tpu.memref_slice %arg4[%arg0, %mul3A_2, %dma_start3A_153] : memref<2x10240x16xf32, #tpu.memory_space<hbm>> -> memref<1x640x16xf32, #tpu.memory_space<hbm>>
      %dma_start3A_155 = tpu.memref_squeeze %dma_start3A_154 : memref<1x640x16xf32, #tpu.memory_space<hbm>> -> memref<640x16xf32, #tpu.memory_space<hbm>>
      %dma_start3A_156 = arith.constant 0 : i32
      %dma_start3A_157 = tpu.memref_slice %arg4[%arg0, %mul3A_2, %dma_start3A_156] : memref<2x10240x16xf32, #tpu.memory_space<hbm>> -> memref<1x640x16xf32, #tpu.memory_space<hbm>>
      %dma_start3A_158 = tpu.memref_squeeze %dma_start3A_157 : memref<1x640x16xf32, #tpu.memory_space<hbm>> -> memref<640x16xf32, #tpu.memory_space<hbm>>
      tpu.enqueue_dma source(%arg8 : memref<640x16xf32, #tpu.memory_space<vmem>>) target(%dma_start3A_158 : memref<640x16xf32, #tpu.memory_space<hbm>>) target_semaphore(%run_scoped3A : memref<!tpu.dma_semaphore, #tpu.memory_space<semaphore_mem>>)
      %dma_wait3A_159 = arith.constant 0 : i32
      %dma_wait3A_160 = tpu.memref_slice %arg4[%arg0, %mul3A_2, %dma_wait3A_159] : memref<2x10240x16xf32, #tpu.memory_space<hbm>> -> memref<1x640x16xf32, #tpu.memory_space<hbm>>
      %dma_wait3A_161 = tpu.memref_squeeze %dma_wait3A_160 : memref<1x640x16xf32, #tpu.memory_space<hbm>> -> memref<640x16xf32, #tpu.memory_space<hbm>>
      %dma_wait3A_162 = arith.constant 0 : i32
      %dma_wait3A_163 = tpu.memref_slice %arg4[%arg0, %mul3A_2, %dma_wait3A_162] : memref<2x10240x16xf32, #tpu.memory_space<hbm>> -> memref<1x640x16xf32, #tpu.memory_space<hbm>>
      %dma_wait3A_164 = tpu.memref_squeeze %dma_wait3A_163 : memref<1x640x16xf32, #tpu.memory_space<hbm>> -> memref<640x16xf32, #tpu.memory_space<hbm>>
      tpu.wait_dma2 semaphore(%run_scoped3A : memref<!tpu.dma_semaphore, #tpu.memory_space<semaphore_mem>>) src(%arg8 : memref<640x16xf32, #tpu.memory_space<vmem>>) dst(%dma_wait3A_164 : memref<640x16xf32, #tpu.memory_space<hbm>>)
      tpu.yield
    }) : () -> ()
    return
  }
}

#map = affine_map<(d0, d1) -> (0, 0, 0, 0)>
#map1 = affine_map<(d0, d1) -> (0, 0)>
module attributes {stable_mosaic.version = 14 : i64} {
  func.func @deg_kernel(%arg0: i32, %arg1: i32, %arg2: memref<2x32x80x128xi32, #tpu.memory_space<hbm>>, %arg3: memref<10240x16xf32, #tpu.memory_space<hbm>>, %arg4: memref<160x128xi32, #tpu.memory_space<vmem>>, %arg5: memref<128xf32, #tpu.memory_space<vmem>>, %arg6: memref<640xf32, #tpu.memory_space<vmem>>, %arg7: memref<320xf32, #tpu.memory_space<vmem>>, %arg8: memref<320x16xf32, #tpu.memory_space<vmem>>, %arg9: memref<10240xf32, #tpu.memory_space<vmem_shared>>, %arg10: memref<!tpu.dma_semaphore, #tpu.memory_space<semaphore_mem>>) attributes {dimension_semantics = [#tpu.dimension_semantics<core_parallel>, #tpu.dimension_semantics<subcore_parallel>], iteration_bounds = array<i64: 2, 16>, scalar_prefetch = 0 : i64, scratch_operands = 7 : i64, tpu.core_type = #tpu.core_type<sc_vector_subcore>, window_params = [{transform_indices = #map}, {transform_indices = #map1}]} {
    %scan3A = arith.constant 0 : i32
    %scan3A_0 = arith.constant 8 : i32
    %scan3A_1 = arith.addi %scan3A, %scan3A_0 : i32
    %scan3A_2 = arith.constant 1 : i32
    scf.for %scan3A_44 = %scan3A to %scan3A_1 step %scan3A_2  : i32 {
      %broadcast_in_dim3A = arith.constant 1.000000e+00 : f32
      %broadcast_in_dim3A_45 = vector.broadcast %broadcast_in_dim3A : f32 to vector<16xf32>
      %mul3A_46 = arith.constant 16 : i32
      %mul3A_47 = arith.muli %scan3A_44, %mul3A_46 : i32
      %swap3A = arith.index_cast %mul3A_47 : i32 to index
      %swap3A_48 = tpu.vector_load %arg5[%swap3A] {strides = array<i32>} : memref<128xf32, #tpu.memory_space<vmem>>, vector<16xf32>,
      tpu.vector_store %arg5[%swap3A], %broadcast_in_dim3A_45 {strides = array<i32>} : memref<128xf32, #tpu.memory_space<vmem>>, vector<16xf32>,
    }
    %scan3A_3 = arith.constant 8 : i32
    %scan3A_4 = arith.constant 0 : i32
    %scan3A_5 = arith.constant 40 : i32
    %scan3A_6 = arith.addi %scan3A_4, %scan3A_5 : i32
    %scan3A_7 = arith.constant 1 : i32
    scf.for %scan3A_44 = %scan3A_4 to %scan3A_6 step %scan3A_7  : i32 {
      %broadcast_in_dim3A = arith.constant 0.000000e+00 : f32
      %broadcast_in_dim3A_45 = vector.broadcast %broadcast_in_dim3A : f32 to vector<16xf32>
      %mul3A_46 = arith.constant 16 : i32
      %mul3A_47 = arith.muli %scan3A_44, %mul3A_46 : i32
      %swap3A = arith.index_cast %mul3A_47 : i32 to index
      %swap3A_48 = tpu.vector_load %arg6[%swap3A] {strides = array<i32>} : memref<640xf32, #tpu.memory_space<vmem>>, vector<16xf32>,
      tpu.vector_store %arg6[%swap3A], %broadcast_in_dim3A_45 {strides = array<i32>} : memref<640xf32, #tpu.memory_space<vmem>>, vector<16xf32>,
    }
    %scan3A_8 = arith.constant 40 : i32
    %mul3A = arith.constant 640 : i32
    %mul3A_9 = arith.muli %arg1, %mul3A : i32
    "tpu.region"() ({
      %run_scoped3A_44 = tpu.sem_alloc : memref<!tpu.dma_semaphore, #tpu.memory_space<semaphore_mem>>
      %dma_start3A = tpu.memref_slice %arg9[%mul3A_9] : memref<10240xf32, #tpu.memory_space<vmem_shared>> -> memref<640xf32, #tpu.memory_space<vmem_shared>>
      %dma_start3A_45 = tpu.memref_slice %arg9[%mul3A_9] : memref<10240xf32, #tpu.memory_space<vmem_shared>> -> memref<640xf32, #tpu.memory_space<vmem_shared>>
      tpu.enqueue_dma source(%arg6 : memref<640xf32, #tpu.memory_space<vmem>>) target(%dma_start3A_45 : memref<640xf32, #tpu.memory_space<vmem_shared>>) target_semaphore(%run_scoped3A_44 : memref<!tpu.dma_semaphore, #tpu.memory_space<semaphore_mem>>)
      %dma_wait3A = tpu.memref_slice %arg9[%mul3A_9] : memref<10240xf32, #tpu.memory_space<vmem_shared>> -> memref<640xf32, #tpu.memory_space<vmem_shared>>
      %dma_wait3A_46 = tpu.memref_slice %arg9[%mul3A_9] : memref<10240xf32, #tpu.memory_space<vmem_shared>> -> memref<640xf32, #tpu.memory_space<vmem_shared>>
      tpu.wait_dma2 semaphore(%run_scoped3A_44 : memref<!tpu.dma_semaphore, #tpu.memory_space<semaphore_mem>>) src(%arg6 : memref<640xf32, #tpu.memory_space<vmem>>) dst(%dma_wait3A_46 : memref<640xf32, #tpu.memory_space<vmem_shared>>)
      tpu.yield
    }) : () -> ()
    %mul3A_10 = arith.constant 2 : i32
    %mul3A_11 = arith.muli %mul3A_10, %arg1 : i32
    %add3A = arith.constant 0 : i32
    %add3A_12 = arith.addi %mul3A_11, %add3A : i32
    %run_scoped3A = arith.constant 1 : i32
    "tpu.region"() ({
      %run_scoped3A_44 = tpu.sem_alloc : memref<!tpu.dma_semaphore, #tpu.memory_space<semaphore_mem>>
      %dma_start3A = arith.constant 0 : i32
      %dma_start3A_45 = arith.constant 0 : i32
      %dma_start3A_46 = tpu.memref_slice %arg4[%dma_start3A, %dma_start3A_45] : memref<160x128xi32, #tpu.memory_space<vmem>> -> memref<80x128xi32, #tpu.memory_space<vmem>>
      %dma_start3A_47 = arith.constant 0 : i32
      %dma_start3A_48 = arith.constant 0 : i32
      %dma_start3A_49 = tpu.memref_slice %arg2[%run_scoped3A, %add3A_12, %dma_start3A_47, %dma_start3A_48] : memref<2x32x80x128xi32, #tpu.memory_space<hbm>> -> memref<1x1x80x128xi32, #tpu.memory_space<hbm>>
      %dma_start3A_50 = tpu.memref_squeeze %dma_start3A_49 : memref<1x1x80x128xi32, #tpu.memory_space<hbm>> -> memref<80x128xi32, #tpu.memory_space<hbm>>
      %dma_start3A_51 = arith.constant 0 : i32
      %dma_start3A_52 = arith.constant 0 : i32
      %dma_start3A_53 = tpu.memref_slice %arg4[%dma_start3A_51, %dma_start3A_52] : memref<160x128xi32, #tpu.memory_space<vmem>> -> memref<80x128xi32, #tpu.memory_space<vmem>>
      %dma_start3A_54 = arith.constant 0 : i32
      %dma_start3A_55 = arith.constant 0 : i32
      %dma_start3A_56 = tpu.memref_slice %arg2[%run_scoped3A, %add3A_12, %dma_start3A_54, %dma_start3A_55] : memref<2x32x80x128xi32, #tpu.memory_space<hbm>> -> memref<1x1x80x128xi32, #tpu.memory_space<hbm>>
      %dma_start3A_57 = tpu.memref_squeeze %dma_start3A_56 : memref<1x1x80x128xi32, #tpu.memory_space<hbm>> -> memref<80x128xi32, #tpu.memory_space<hbm>>
      tpu.enqueue_dma source(%dma_start3A_57 : memref<80x128xi32, #tpu.memory_space<hbm>>) target(%dma_start3A_53 : memref<80x128xi32, #tpu.memory_space<vmem>>) target_semaphore(%run_scoped3A_44 : memref<!tpu.dma_semaphore, #tpu.memory_space<semaphore_mem>>)
      %dma_wait3A = arith.constant 0 : i32
      %dma_wait3A_58 = arith.constant 0 : i32
      %dma_wait3A_59 = tpu.memref_slice %arg4[%dma_wait3A, %dma_wait3A_58] : memref<160x128xi32, #tpu.memory_space<vmem>> -> memref<80x128xi32, #tpu.memory_space<vmem>>
      %dma_wait3A_60 = arith.constant 0 : i32
      %dma_wait3A_61 = arith.constant 0 : i32
      %dma_wait3A_62 = tpu.memref_slice %arg2[%run_scoped3A, %add3A_12, %dma_wait3A_60, %dma_wait3A_61] : memref<2x32x80x128xi32, #tpu.memory_space<hbm>> -> memref<1x1x80x128xi32, #tpu.memory_space<hbm>>
      %dma_wait3A_63 = tpu.memref_squeeze %dma_wait3A_62 : memref<1x1x80x128xi32, #tpu.memory_space<hbm>> -> memref<80x128xi32, #tpu.memory_space<hbm>>
      %dma_wait3A_64 = arith.constant 0 : i32
      %dma_wait3A_65 = arith.constant 0 : i32
      %dma_wait3A_66 = tpu.memref_slice %arg4[%dma_wait3A_64, %dma_wait3A_65] : memref<160x128xi32, #tpu.memory_space<vmem>> -> memref<80x128xi32, #tpu.memory_space<vmem>>
      %dma_wait3A_67 = arith.constant 0 : i32
      %dma_wait3A_68 = arith.constant 0 : i32
      %dma_wait3A_69 = tpu.memref_slice %arg2[%run_scoped3A, %add3A_12, %dma_wait3A_67, %dma_wait3A_68] : memref<2x32x80x128xi32, #tpu.memory_space<hbm>> -> memref<1x1x80x128xi32, #tpu.memory_space<hbm>>
      %dma_wait3A_70 = tpu.memref_squeeze %dma_wait3A_69 : memref<1x1x80x128xi32, #tpu.memory_space<hbm>> -> memref<80x128xi32, #tpu.memory_space<hbm>>
      tpu.wait_dma2 semaphore(%run_scoped3A_44 : memref<!tpu.dma_semaphore, #tpu.memory_space<semaphore_mem>>) src(%dma_wait3A_70 : memref<80x128xi32, #tpu.memory_space<hbm>>) dst(%dma_wait3A_66 : memref<80x128xi32, #tpu.memory_space<vmem>>)
      tpu.yield
    }) : () -> ()
    %mul3A_13 = arith.constant 2 : i32
    %mul3A_14 = arith.muli %mul3A_13, %arg1 : i32
    %add3A_15 = arith.constant 1 : i32
    %add3A_16 = arith.addi %mul3A_14, %add3A_15 : i32
    %run_scoped3A_17 = arith.constant 1 : i32
    "tpu.region"() ({
      %run_scoped3A_44 = tpu.sem_alloc : memref<!tpu.dma_semaphore, #tpu.memory_space<semaphore_mem>>
      %dma_start3A = arith.constant 80 : i32
      %dma_start3A_45 = arith.constant 0 : i32
      %dma_start3A_46 = tpu.memref_slice %arg4[%dma_start3A, %dma_start3A_45] : memref<160x128xi32, #tpu.memory_space<vmem>> -> memref<80x128xi32, #tpu.memory_space<vmem>>
      %dma_start3A_47 = arith.constant 0 : i32
      %dma_start3A_48 = arith.constant 0 : i32
      %dma_start3A_49 = tpu.memref_slice %arg2[%run_scoped3A_17, %add3A_16, %dma_start3A_47, %dma_start3A_48] : memref<2x32x80x128xi32, #tpu.memory_space<hbm>> -> memref<1x1x80x128xi32, #tpu.memory_space<hbm>>
      %dma_start3A_50 = tpu.memref_squeeze %dma_start3A_49 : memref<1x1x80x128xi32, #tpu.memory_space<hbm>> -> memref<80x128xi32, #tpu.memory_space<hbm>>
      %dma_start3A_51 = arith.constant 80 : i32
      %dma_start3A_52 = arith.constant 0 : i32
      %dma_start3A_53 = tpu.memref_slice %arg4[%dma_start3A_51, %dma_start3A_52] : memref<160x128xi32, #tpu.memory_space<vmem>> -> memref<80x128xi32, #tpu.memory_space<vmem>>
      %dma_start3A_54 = arith.constant 0 : i32
      %dma_start3A_55 = arith.constant 0 : i32
      %dma_start3A_56 = tpu.memref_slice %arg2[%run_scoped3A_17, %add3A_16, %dma_start3A_54, %dma_start3A_55] : memref<2x32x80x128xi32, #tpu.memory_space<hbm>> -> memref<1x1x80x128xi32, #tpu.memory_space<hbm>>
      %dma_start3A_57 = tpu.memref_squeeze %dma_start3A_56 : memref<1x1x80x128xi32, #tpu.memory_space<hbm>> -> memref<80x128xi32, #tpu.memory_space<hbm>>
      tpu.enqueue_dma source(%dma_start3A_57 : memref<80x128xi32, #tpu.memory_space<hbm>>) target(%dma_start3A_53 : memref<80x128xi32, #tpu.memory_space<vmem>>) target_semaphore(%run_scoped3A_44 : memref<!tpu.dma_semaphore, #tpu.memory_space<semaphore_mem>>)
      %dma_wait3A = arith.constant 80 : i32
      %dma_wait3A_58 = arith.constant 0 : i32
      %dma_wait3A_59 = tpu.memref_slice %arg4[%dma_wait3A, %dma_wait3A_58] : memref<160x128xi32, #tpu.memory_space<vmem>> -> memref<80x128xi32, #tpu.memory_space<vmem>>
      %dma_wait3A_60 = arith.constant 0 : i32
      %dma_wait3A_61 = arith.constant 0 : i32
      %dma_wait3A_62 = tpu.memref_slice %arg2[%run_scoped3A_17, %add3A_16, %dma_wait3A_60, %dma_wait3A_61] : memref<2x32x80x128xi32, #tpu.memory_space<hbm>> -> memref<1x1x80x128xi32, #tpu.memory_space<hbm>>
      %dma_wait3A_63 = tpu.memref_squeeze %dma_wait3A_62 : memref<1x1x80x128xi32, #tpu.memory_space<hbm>> -> memref<80x128xi32, #tpu.memory_space<hbm>>
      %dma_wait3A_64 = arith.constant 80 : i32
      %dma_wait3A_65 = arith.constant 0 : i32
      %dma_wait3A_66 = tpu.memref_slice %arg4[%dma_wait3A_64, %dma_wait3A_65] : memref<160x128xi32, #tpu.memory_space<vmem>> -> memref<80x128xi32, #tpu.memory_space<vmem>>
      %dma_wait3A_67 = arith.constant 0 : i32
      %dma_wait3A_68 = arith.constant 0 : i32
      %dma_wait3A_69 = tpu.memref_slice %arg2[%run_scoped3A_17, %add3A_16, %dma_wait3A_67, %dma_wait3A_68] : memref<2x32x80x128xi32, #tpu.memory_space<hbm>> -> memref<1x1x80x128xi32, #tpu.memory_space<hbm>>
      %dma_wait3A_70 = tpu.memref_squeeze %dma_wait3A_69 : memref<1x1x80x128xi32, #tpu.memory_space<hbm>> -> memref<80x128xi32, #tpu.memory_space<hbm>>
      tpu.wait_dma2 semaphore(%run_scoped3A_44 : memref<!tpu.dma_semaphore, #tpu.memory_space<semaphore_mem>>) src(%dma_wait3A_70 : memref<80x128xi32, #tpu.memory_space<hbm>>) dst(%dma_wait3A_66 : memref<80x128xi32, #tpu.memory_space<vmem>>)
      tpu.yield
    }) : () -> ()
    %barrier3A = arith.constant 0 : index
    tpu.barrier barrier_id(%barrier3A)
    %scan3A_18 = arith.constant 0 : i32
    %scan3A_19 = arith.constant 160 : i32
    %scan3A_20 = arith.addi %scan3A_18, %scan3A_19 : i32
    %scan3A_21 = arith.constant 1 : i32
    scf.for %scan3A_44 = %scan3A_18 to %scan3A_20 step %scan3A_21  : i32 {
      %dma_start3A = arith.constant 0 : i32
      %dma_start3A_45 = tpu.memref_slice %arg4[%scan3A_44, %dma_start3A] : memref<160x128xi32, #tpu.memory_space<vmem>> -> memref<1x128xi32, #tpu.memory_space<vmem>>
      %dma_start3A_46 = tpu.memref_squeeze %dma_start3A_45 : memref<1x128xi32, #tpu.memory_space<vmem>> -> memref<128xi32, #tpu.memory_space<vmem>>
      %dma_start3A_47 = arith.constant 0 : i32
      %dma_start3A_48 = tpu.memref_slice %arg9[%dma_start3A_47] : memref<10240xf32, #tpu.memory_space<vmem_shared>> -> memref<10240xf32, #tpu.memory_space<vmem_shared>>
      tpu.enqueue_indirect_dma source(%arg5 : memref<128xf32, #tpu.memory_space<vmem>>) target(%dma_start3A_48 : memref<10240xf32, #tpu.memory_space<vmem_shared>>) offsets(%dma_start3A_46 : memref<128xi32, #tpu.memory_space<vmem>>) semaphore(%arg10 : memref<!tpu.dma_semaphore, #tpu.memory_space<semaphore_mem>>) {add = true}
    }
    %scan3A_22 = arith.constant 160 : i32
    %scan3A_23 = arith.constant 0 : i32
    %scan3A_24 = arith.constant 160 : i32
    %scan3A_25 = arith.addi %scan3A_23, %scan3A_24 : i32
    %scan3A_26 = arith.constant 1 : i32
    scf.for %scan3A_44 = %scan3A_23 to %scan3A_25 step %scan3A_26  : i32 {
      %dma_wait3A = arith.constant 0 : i32
      %dma_wait3A_45 = tpu.memref_slice %arg4[%scan3A_44, %dma_wait3A] : memref<160x128xi32, #tpu.memory_space<vmem>> -> memref<1x128xi32, #tpu.memory_space<vmem>>
      %dma_wait3A_46 = tpu.memref_squeeze %dma_wait3A_45 : memref<1x128xi32, #tpu.memory_space<vmem>> -> memref<128xi32, #tpu.memory_space<vmem>>
      %dma_wait3A_47 = arith.constant 0 : i32
      %dma_wait3A_48 = tpu.memref_slice %arg9[%dma_wait3A_47] : memref<10240xf32, #tpu.memory_space<vmem_shared>> -> memref<10240xf32, #tpu.memory_space<vmem_shared>>
      tpu.wait_indirect_dma semaphore(%arg10 : memref<!tpu.dma_semaphore, #tpu.memory_space<semaphore_mem>>) src(%arg5 : memref<128xf32, #tpu.memory_space<vmem>>) dst(%dma_wait3A_48 : memref<10240xf32, #tpu.memory_space<vmem_shared>>)
    }
    %scan3A_27 = arith.constant 160 : i32
    %barrier3A_28 = arith.constant 0 : index
    tpu.barrier barrier_id(%barrier3A_28)
    %mul3A_29 = arith.constant 5120 : i32
    %mul3A_30 = arith.muli %arg0, %mul3A_29 : i32
    %mul3A_31 = arith.constant 320 : i32
    %mul3A_32 = arith.muli %arg1, %mul3A_31 : i32
    %add3A_33 = arith.addi %mul3A_30, %mul3A_32 : i32
    "tpu.region"() ({
      %run_scoped3A_44 = tpu.sem_alloc : memref<!tpu.dma_semaphore, #tpu.memory_space<semaphore_mem>>
      %dma_start3A = tpu.memref_slice %arg9[%add3A_33] : memref<10240xf32, #tpu.memory_space<vmem_shared>> -> memref<320xf32, #tpu.memory_space<vmem_shared>>
      %dma_start3A_45 = tpu.memref_slice %arg9[%add3A_33] : memref<10240xf32, #tpu.memory_space<vmem_shared>> -> memref<320xf32, #tpu.memory_space<vmem_shared>>
      tpu.enqueue_dma source(%dma_start3A_45 : memref<320xf32, #tpu.memory_space<vmem_shared>>) target(%arg7 : memref<320xf32, #tpu.memory_space<vmem>>) target_semaphore(%run_scoped3A_44 : memref<!tpu.dma_semaphore, #tpu.memory_space<semaphore_mem>>)
      %dma_wait3A = tpu.memref_slice %arg9[%add3A_33] : memref<10240xf32, #tpu.memory_space<vmem_shared>> -> memref<320xf32, #tpu.memory_space<vmem_shared>>
      %dma_wait3A_46 = tpu.memref_slice %arg9[%add3A_33] : memref<10240xf32, #tpu.memory_space<vmem_shared>> -> memref<320xf32, #tpu.memory_space<vmem_shared>>
      tpu.wait_dma2 semaphore(%run_scoped3A_44 : memref<!tpu.dma_semaphore, #tpu.memory_space<semaphore_mem>>) src(%dma_wait3A_46 : memref<320xf32, #tpu.memory_space<vmem_shared>>) dst(%arg7 : memref<320xf32, #tpu.memory_space<vmem>>)
      tpu.yield
    }) : () -> ()
    %scan3A_34 = arith.constant 0 : i32
    %scan3A_35 = arith.constant 20 : i32
    %scan3A_36 = arith.addi %scan3A_34, %scan3A_35 : i32
    %scan3A_37 = arith.constant 1 : i32
    scf.for %scan3A_44 = %scan3A_34 to %scan3A_36 step %scan3A_37  : i32 {
      %mul3A_45 = arith.constant 16 : i32
      %mul3A_46 = arith.muli %scan3A_44, %mul3A_45 : i32
      %get3A = arith.index_cast %mul3A_46 : i32 to index
      %get3A_47 = tpu.vector_load %arg7[%get3A] {strides = array<i32>} : memref<320xf32, #tpu.memory_space<vmem>>, vector<16xf32>,
      %add3A_48 = arith.constant 1.000000e+00 : f32
      %add3A_49 = vector.broadcast %add3A_48 : f32 to vector<16xf32>
      %add3A_50 = arith.addf %get3A_47, %add3A_49 : vector<16xf32>
      %bitcast3A = vector.bitcast %add3A_50 : vector<16xf32> to vector<16xi32>
      %shift_right_arithmetic3A = arith.constant 1 : i32
      %shift_right_arithmetic3A_51 = vector.broadcast %shift_right_arithmetic3A : i32 to vector<16xi32>
      %shift_right_arithmetic3A_52 = arith.shrsi %bitcast3A, %shift_right_arithmetic3A_51 : vector<16xi32>
      %sub3A = arith.constant 1597463007 : i32
      %sub3A_53 = vector.broadcast %sub3A : i32 to vector<16xi32>
      %sub3A_54 = arith.subi %sub3A_53, %shift_right_arithmetic3A_52 : vector<16xi32>
      %bitcast3A_55 = vector.bitcast %sub3A_54 : vector<16xi32> to vector<16xf32>
      %mul3A_56 = arith.constant 5.000000e-01 : f32
      %mul3A_57 = vector.broadcast %mul3A_56 : f32 to vector<16xf32>
      %mul3A_58 = arith.mulf %mul3A_57, %add3A_50 : vector<16xf32>
      %mul3A_59 = arith.mulf %mul3A_58, %bitcast3A_55 : vector<16xf32>
      %mul3A_60 = arith.mulf %mul3A_59, %bitcast3A_55 : vector<16xf32>
      %sub3A_61 = arith.constant 1.500000e+00 : f32
      %sub3A_62 = vector.broadcast %sub3A_61 : f32 to vector<16xf32>
      %sub3A_63 = arith.subf %sub3A_62, %mul3A_60 : vector<16xf32>
      %mul3A_64 = arith.mulf %bitcast3A_55, %sub3A_63 : vector<16xf32>
      %mul3A_65 = arith.constant 5.000000e-01 : f32
      %mul3A_66 = vector.broadcast %mul3A_65 : f32 to vector<16xf32>
      %mul3A_67 = arith.mulf %mul3A_66, %add3A_50 : vector<16xf32>
      %mul3A_68 = arith.mulf %mul3A_67, %mul3A_64 : vector<16xf32>
      %mul3A_69 = arith.mulf %mul3A_68, %mul3A_64 : vector<16xf32>
      %sub3A_70 = arith.constant 1.500000e+00 : f32
      %sub3A_71 = vector.broadcast %sub3A_70 : f32 to vector<16xf32>
      %sub3A_72 = arith.subf %sub3A_71, %mul3A_69 : vector<16xf32>
      %mul3A_73 = arith.mulf %mul3A_64, %sub3A_72 : vector<16xf32>
      %mul3A_74 = arith.constant 5.000000e-01 : f32
      %mul3A_75 = vector.broadcast %mul3A_74 : f32 to vector<16xf32>
      %mul3A_76 = arith.mulf %mul3A_75, %add3A_50 : vector<16xf32>
      %mul3A_77 = arith.mulf %mul3A_76, %mul3A_73 : vector<16xf32>
      %mul3A_78 = arith.mulf %mul3A_77, %mul3A_73 : vector<16xf32>
      %sub3A_79 = arith.constant 1.500000e+00 : f32
      %sub3A_80 = vector.broadcast %sub3A_79 : f32 to vector<16xf32>
      %sub3A_81 = arith.subf %sub3A_80, %mul3A_78 : vector<16xf32>
      %mul3A_82 = arith.mulf %mul3A_73, %sub3A_81 : vector<16xf32>
      %mul3A_83 = arith.constant 16 : i32
      %mul3A_84 = arith.muli %scan3A_44, %mul3A_83 : i32
      %swap3A = arith.index_cast %mul3A_84 : i32 to index
      %swap3A_85 = tpu.vector_load %arg7[%swap3A] {strides = array<i32>} : memref<320xf32, #tpu.memory_space<vmem>>, vector<16xf32>,
      tpu.vector_store %arg7[%swap3A], %mul3A_82 {strides = array<i32>} : memref<320xf32, #tpu.memory_space<vmem>>, vector<16xf32>,
    }
    %scan3A_38 = arith.constant 20 : i32
    %scan3A_39 = arith.constant 0 : i32
    %scan3A_40 = arith.constant 20 : i32
    %scan3A_41 = arith.addi %scan3A_39, %scan3A_40 : i32
    %scan3A_42 = arith.constant 1 : i32
    scf.for %scan3A_44 = %scan3A_39 to %scan3A_41 step %scan3A_42  : i32 {
      %mul3A_45 = arith.constant 16 : i32
      %mul3A_46 = arith.muli %scan3A_44, %mul3A_45 : i32
      %get3A = arith.index_cast %mul3A_46 : i32 to index
      %get3A_47 = tpu.vector_load %arg7[%get3A] {strides = array<i32>} : memref<320xf32, #tpu.memory_space<vmem>>, vector<16xf32>,
      %slice3A = vector.extract_strided_slice %get3A_47 {offsets = [0], sizes = [1], strides = [1]} : vector<16xf32> to vector<1xf32>
      %squeeze3A = vector.extract %slice3A[0] : f32 from vector<1xf32>
      %broadcast_in_dim3A = vector.broadcast %squeeze3A : f32 to vector<16xf32>
      %mul3A_48 = arith.constant 16 : i32
      %mul3A_49 = arith.muli %scan3A_44, %mul3A_48 : i32
      %add3A_50 = arith.constant 0 : i32
      %add3A_51 = arith.addi %mul3A_49, %add3A_50 : i32
      %swap3A = arith.index_cast %add3A_51 : i32 to index
      %swap3A_52 = arith.constant 0 : index
      %swap3A_53 = tpu.vector_load %arg8[%swap3A, %swap3A_52] {strides = array<i32>} : memref<320x16xf32, #tpu.memory_space<vmem>>, vector<16xf32>,
      tpu.vector_store %arg8[%swap3A, %swap3A_52], %broadcast_in_dim3A {strides = array<i32>} : memref<320x16xf32, #tpu.memory_space<vmem>>, vector<16xf32>,
      %slice3A_54 = vector.extract_strided_slice %get3A_47 {offsets = [1], sizes = [1], strides = [1]} : vector<16xf32> to vector<1xf32>
      %squeeze3A_55 = vector.extract %slice3A_54[0] : f32 from vector<1xf32>
      %broadcast_in_dim3A_56 = vector.broadcast %squeeze3A_55 : f32 to vector<16xf32>
      %mul3A_57 = arith.constant 16 : i32
      %mul3A_58 = arith.muli %scan3A_44, %mul3A_57 : i32
      %add3A_59 = arith.constant 1 : i32
      %add3A_60 = arith.addi %mul3A_58, %add3A_59 : i32
      %swap3A_61 = arith.index_cast %add3A_60 : i32 to index
      %swap3A_62 = arith.constant 0 : index
      %swap3A_63 = tpu.vector_load %arg8[%swap3A_61, %swap3A_62] {strides = array<i32>} : memref<320x16xf32, #tpu.memory_space<vmem>>, vector<16xf32>,
      tpu.vector_store %arg8[%swap3A_61, %swap3A_62], %broadcast_in_dim3A_56 {strides = array<i32>} : memref<320x16xf32, #tpu.memory_space<vmem>>, vector<16xf32>,
      %slice3A_64 = vector.extract_strided_slice %get3A_47 {offsets = [2], sizes = [1], strides = [1]} : vector<16xf32> to vector<1xf32>
      %squeeze3A_65 = vector.extract %slice3A_64[0] : f32 from vector<1xf32>
      %broadcast_in_dim3A_66 = vector.broadcast %squeeze3A_65 : f32 to vector<16xf32>
      %mul3A_67 = arith.constant 16 : i32
      %mul3A_68 = arith.muli %scan3A_44, %mul3A_67 : i32
      %add3A_69 = arith.constant 2 : i32
      %add3A_70 = arith.addi %mul3A_68, %add3A_69 : i32
      %swap3A_71 = arith.index_cast %add3A_70 : i32 to index
      %swap3A_72 = arith.constant 0 : index
      %swap3A_73 = tpu.vector_load %arg8[%swap3A_71, %swap3A_72] {strides = array<i32>} : memref<320x16xf32, #tpu.memory_space<vmem>>, vector<16xf32>,
      tpu.vector_store %arg8[%swap3A_71, %swap3A_72], %broadcast_in_dim3A_66 {strides = array<i32>} : memref<320x16xf32, #tpu.memory_space<vmem>>, vector<16xf32>,
      %slice3A_74 = vector.extract_strided_slice %get3A_47 {offsets = [3], sizes = [1], strides = [1]} : vector<16xf32> to vector<1xf32>
      %squeeze3A_75 = vector.extract %slice3A_74[0] : f32 from vector<1xf32>
      %broadcast_in_dim3A_76 = vector.broadcast %squeeze3A_75 : f32 to vector<16xf32>
      %mul3A_77 = arith.constant 16 : i32
      %mul3A_78 = arith.muli %scan3A_44, %mul3A_77 : i32
      %add3A_79 = arith.constant 3 : i32
      %add3A_80 = arith.addi %mul3A_78, %add3A_79 : i32
      %swap3A_81 = arith.index_cast %add3A_80 : i32 to index
      %swap3A_82 = arith.constant 0 : index
      %swap3A_83 = tpu.vector_load %arg8[%swap3A_81, %swap3A_82] {strides = array<i32>} : memref<320x16xf32, #tpu.memory_space<vmem>>, vector<16xf32>,
      tpu.vector_store %arg8[%swap3A_81, %swap3A_82], %broadcast_in_dim3A_76 {strides = array<i32>} : memref<320x16xf32, #tpu.memory_space<vmem>>, vector<16xf32>,
      %slice3A_84 = vector.extract_strided_slice %get3A_47 {offsets = [4], sizes = [1], strides = [1]} : vector<16xf32> to vector<1xf32>
      %squeeze3A_85 = vector.extract %slice3A_84[0] : f32 from vector<1xf32>
      %broadcast_in_dim3A_86 = vector.broadcast %squeeze3A_85 : f32 to vector<16xf32>
      %mul3A_87 = arith.constant 16 : i32
      %mul3A_88 = arith.muli %scan3A_44, %mul3A_87 : i32
      %add3A_89 = arith.constant 4 : i32
      %add3A_90 = arith.addi %mul3A_88, %add3A_89 : i32
      %swap3A_91 = arith.index_cast %add3A_90 : i32 to index
      %swap3A_92 = arith.constant 0 : index
      %swap3A_93 = tpu.vector_load %arg8[%swap3A_91, %swap3A_92] {strides = array<i32>} : memref<320x16xf32, #tpu.memory_space<vmem>>, vector<16xf32>,
      tpu.vector_store %arg8[%swap3A_91, %swap3A_92], %broadcast_in_dim3A_86 {strides = array<i32>} : memref<320x16xf32, #tpu.memory_space<vmem>>, vector<16xf32>,
      %slice3A_94 = vector.extract_strided_slice %get3A_47 {offsets = [5], sizes = [1], strides = [1]} : vector<16xf32> to vector<1xf32>
      %squeeze3A_95 = vector.extract %slice3A_94[0] : f32 from vector<1xf32>
      %broadcast_in_dim3A_96 = vector.broadcast %squeeze3A_95 : f32 to vector<16xf32>
      %mul3A_97 = arith.constant 16 : i32
      %mul3A_98 = arith.muli %scan3A_44, %mul3A_97 : i32
      %add3A_99 = arith.constant 5 : i32
      %add3A_100 = arith.addi %mul3A_98, %add3A_99 : i32
      %swap3A_101 = arith.index_cast %add3A_100 : i32 to index
      %swap3A_102 = arith.constant 0 : index
      %swap3A_103 = tpu.vector_load %arg8[%swap3A_101, %swap3A_102] {strides = array<i32>} : memref<320x16xf32, #tpu.memory_space<vmem>>, vector<16xf32>,
      tpu.vector_store %arg8[%swap3A_101, %swap3A_102], %broadcast_in_dim3A_96 {strides = array<i32>} : memref<320x16xf32, #tpu.memory_space<vmem>>, vector<16xf32>,
      %slice3A_104 = vector.extract_strided_slice %get3A_47 {offsets = [6], sizes = [1], strides = [1]} : vector<16xf32> to vector<1xf32>
      %squeeze3A_105 = vector.extract %slice3A_104[0] : f32 from vector<1xf32>
      %broadcast_in_dim3A_106 = vector.broadcast %squeeze3A_105 : f32 to vector<16xf32>
      %mul3A_107 = arith.constant 16 : i32
      %mul3A_108 = arith.muli %scan3A_44, %mul3A_107 : i32
      %add3A_109 = arith.constant 6 : i32
      %add3A_110 = arith.addi %mul3A_108, %add3A_109 : i32
      %swap3A_111 = arith.index_cast %add3A_110 : i32 to index
      %swap3A_112 = arith.constant 0 : index
      %swap3A_113 = tpu.vector_load %arg8[%swap3A_111, %swap3A_112] {strides = array<i32>} : memref<320x16xf32, #tpu.memory_space<vmem>>, vector<16xf32>,
      tpu.vector_store %arg8[%swap3A_111, %swap3A_112], %broadcast_in_dim3A_106 {strides = array<i32>} : memref<320x16xf32, #tpu.memory_space<vmem>>, vector<16xf32>,
      %slice3A_114 = vector.extract_strided_slice %get3A_47 {offsets = [7], sizes = [1], strides = [1]} : vector<16xf32> to vector<1xf32>
      %squeeze3A_115 = vector.extract %slice3A_114[0] : f32 from vector<1xf32>
      %broadcast_in_dim3A_116 = vector.broadcast %squeeze3A_115 : f32 to vector<16xf32>
      %mul3A_117 = arith.constant 16 : i32
      %mul3A_118 = arith.muli %scan3A_44, %mul3A_117 : i32
      %add3A_119 = arith.constant 7 : i32
      %add3A_120 = arith.addi %mul3A_118, %add3A_119 : i32
      %swap3A_121 = arith.index_cast %add3A_120 : i32 to index
      %swap3A_122 = arith.constant 0 : index
      %swap3A_123 = tpu.vector_load %arg8[%swap3A_121, %swap3A_122] {strides = array<i32>} : memref<320x16xf32, #tpu.memory_space<vmem>>, vector<16xf32>,
      tpu.vector_store %arg8[%swap3A_121, %swap3A_122], %broadcast_in_dim3A_116 {strides = array<i32>} : memref<320x16xf32, #tpu.memory_space<vmem>>, vector<16xf32>,
      %slice3A_124 = vector.extract_strided_slice %get3A_47 {offsets = [8], sizes = [1], strides = [1]} : vector<16xf32> to vector<1xf32>
      %squeeze3A_125 = vector.extract %slice3A_124[0] : f32 from vector<1xf32>
      %broadcast_in_dim3A_126 = vector.broadcast %squeeze3A_125 : f32 to vector<16xf32>
      %mul3A_127 = arith.constant 16 : i32
      %mul3A_128 = arith.muli %scan3A_44, %mul3A_127 : i32
      %add3A_129 = arith.constant 8 : i32
      %add3A_130 = arith.addi %mul3A_128, %add3A_129 : i32
      %swap3A_131 = arith.index_cast %add3A_130 : i32 to index
      %swap3A_132 = arith.constant 0 : index
      %swap3A_133 = tpu.vector_load %arg8[%swap3A_131, %swap3A_132] {strides = array<i32>} : memref<320x16xf32, #tpu.memory_space<vmem>>, vector<16xf32>,
      tpu.vector_store %arg8[%swap3A_131, %swap3A_132], %broadcast_in_dim3A_126 {strides = array<i32>} : memref<320x16xf32, #tpu.memory_space<vmem>>, vector<16xf32>,
      %slice3A_134 = vector.extract_strided_slice %get3A_47 {offsets = [9], sizes = [1], strides = [1]} : vector<16xf32> to vector<1xf32>
      %squeeze3A_135 = vector.extract %slice3A_134[0] : f32 from vector<1xf32>
      %broadcast_in_dim3A_136 = vector.broadcast %squeeze3A_135 : f32 to vector<16xf32>
      %mul3A_137 = arith.constant 16 : i32
      %mul3A_138 = arith.muli %scan3A_44, %mul3A_137 : i32
      %add3A_139 = arith.constant 9 : i32
      %add3A_140 = arith.addi %mul3A_138, %add3A_139 : i32
      %swap3A_141 = arith.index_cast %add3A_140 : i32 to index
      %swap3A_142 = arith.constant 0 : index
      %swap3A_143 = tpu.vector_load %arg8[%swap3A_141, %swap3A_142] {strides = array<i32>} : memref<320x16xf32, #tpu.memory_space<vmem>>, vector<16xf32>,
      tpu.vector_store %arg8[%swap3A_141, %swap3A_142], %broadcast_in_dim3A_136 {strides = array<i32>} : memref<320x16xf32, #tpu.memory_space<vmem>>, vector<16xf32>,
      %slice3A_144 = vector.extract_strided_slice %get3A_47 {offsets = [10], sizes = [1], strides = [1]} : vector<16xf32> to vector<1xf32>
      %squeeze3A_145 = vector.extract %slice3A_144[0] : f32 from vector<1xf32>
      %broadcast_in_dim3A_146 = vector.broadcast %squeeze3A_145 : f32 to vector<16xf32>
      %mul3A_147 = arith.constant 16 : i32
      %mul3A_148 = arith.muli %scan3A_44, %mul3A_147 : i32
      %add3A_149 = arith.constant 10 : i32
      %add3A_150 = arith.addi %mul3A_148, %add3A_149 : i32
      %swap3A_151 = arith.index_cast %add3A_150 : i32 to index
      %swap3A_152 = arith.constant 0 : index
      %swap3A_153 = tpu.vector_load %arg8[%swap3A_151, %swap3A_152] {strides = array<i32>} : memref<320x16xf32, #tpu.memory_space<vmem>>, vector<16xf32>,
      tpu.vector_store %arg8[%swap3A_151, %swap3A_152], %broadcast_in_dim3A_146 {strides = array<i32>} : memref<320x16xf32, #tpu.memory_space<vmem>>, vector<16xf32>,
      %slice3A_154 = vector.extract_strided_slice %get3A_47 {offsets = [11], sizes = [1], strides = [1]} : vector<16xf32> to vector<1xf32>
      %squeeze3A_155 = vector.extract %slice3A_154[0] : f32 from vector<1xf32>
      %broadcast_in_dim3A_156 = vector.broadcast %squeeze3A_155 : f32 to vector<16xf32>
      %mul3A_157 = arith.constant 16 : i32
      %mul3A_158 = arith.muli %scan3A_44, %mul3A_157 : i32
      %add3A_159 = arith.constant 11 : i32
      %add3A_160 = arith.addi %mul3A_158, %add3A_159 : i32
      %swap3A_161 = arith.index_cast %add3A_160 : i32 to index
      %swap3A_162 = arith.constant 0 : index
      %swap3A_163 = tpu.vector_load %arg8[%swap3A_161, %swap3A_162] {strides = array<i32>} : memref<320x16xf32, #tpu.memory_space<vmem>>, vector<16xf32>,
      tpu.vector_store %arg8[%swap3A_161, %swap3A_162], %broadcast_in_dim3A_156 {strides = array<i32>} : memref<320x16xf32, #tpu.memory_space<vmem>>, vector<16xf32>,
      %slice3A_164 = vector.extract_strided_slice %get3A_47 {offsets = [12], sizes = [1], strides = [1]} : vector<16xf32> to vector<1xf32>
      %squeeze3A_165 = vector.extract %slice3A_164[0] : f32 from vector<1xf32>
      %broadcast_in_dim3A_166 = vector.broadcast %squeeze3A_165 : f32 to vector<16xf32>
      %mul3A_167 = arith.constant 16 : i32
      %mul3A_168 = arith.muli %scan3A_44, %mul3A_167 : i32
      %add3A_169 = arith.constant 12 : i32
      %add3A_170 = arith.addi %mul3A_168, %add3A_169 : i32
      %swap3A_171 = arith.index_cast %add3A_170 : i32 to index
      %swap3A_172 = arith.constant 0 : index
      %swap3A_173 = tpu.vector_load %arg8[%swap3A_171, %swap3A_172] {strides = array<i32>} : memref<320x16xf32, #tpu.memory_space<vmem>>, vector<16xf32>,
      tpu.vector_store %arg8[%swap3A_171, %swap3A_172], %broadcast_in_dim3A_166 {strides = array<i32>} : memref<320x16xf32, #tpu.memory_space<vmem>>, vector<16xf32>,
      %slice3A_174 = vector.extract_strided_slice %get3A_47 {offsets = [13], sizes = [1], strides = [1]} : vector<16xf32> to vector<1xf32>
      %squeeze3A_175 = vector.extract %slice3A_174[0] : f32 from vector<1xf32>
      %broadcast_in_dim3A_176 = vector.broadcast %squeeze3A_175 : f32 to vector<16xf32>
      %mul3A_177 = arith.constant 16 : i32
      %mul3A_178 = arith.muli %scan3A_44, %mul3A_177 : i32
      %add3A_179 = arith.constant 13 : i32
      %add3A_180 = arith.addi %mul3A_178, %add3A_179 : i32
      %swap3A_181 = arith.index_cast %add3A_180 : i32 to index
      %swap3A_182 = arith.constant 0 : index
      %swap3A_183 = tpu.vector_load %arg8[%swap3A_181, %swap3A_182] {strides = array<i32>} : memref<320x16xf32, #tpu.memory_space<vmem>>, vector<16xf32>,
      tpu.vector_store %arg8[%swap3A_181, %swap3A_182], %broadcast_in_dim3A_176 {strides = array<i32>} : memref<320x16xf32, #tpu.memory_space<vmem>>, vector<16xf32>,
      %slice3A_184 = vector.extract_strided_slice %get3A_47 {offsets = [14], sizes = [1], strides = [1]} : vector<16xf32> to vector<1xf32>
      %squeeze3A_185 = vector.extract %slice3A_184[0] : f32 from vector<1xf32>
      %broadcast_in_dim3A_186 = vector.broadcast %squeeze3A_185 : f32 to vector<16xf32>
      %mul3A_187 = arith.constant 16 : i32
      %mul3A_188 = arith.muli %scan3A_44, %mul3A_187 : i32
      %add3A_189 = arith.constant 14 : i32
      %add3A_190 = arith.addi %mul3A_188, %add3A_189 : i32
      %swap3A_191 = arith.index_cast %add3A_190 : i32 to index
      %swap3A_192 = arith.constant 0 : index
      %swap3A_193 = tpu.vector_load %arg8[%swap3A_191, %swap3A_192] {strides = array<i32>} : memref<320x16xf32, #tpu.memory_space<vmem>>, vector<16xf32>,
      tpu.vector_store %arg8[%swap3A_191, %swap3A_192], %broadcast_in_dim3A_186 {strides = array<i32>} : memref<320x16xf32, #tpu.memory_space<vmem>>, vector<16xf32>,
      %slice3A_194 = vector.extract_strided_slice %get3A_47 {offsets = [15], sizes = [1], strides = [1]} : vector<16xf32> to vector<1xf32>
      %squeeze3A_195 = vector.extract %slice3A_194[0] : f32 from vector<1xf32>
      %broadcast_in_dim3A_196 = vector.broadcast %squeeze3A_195 : f32 to vector<16xf32>
      %mul3A_197 = arith.constant 16 : i32
      %mul3A_198 = arith.muli %scan3A_44, %mul3A_197 : i32
      %add3A_199 = arith.constant 15 : i32
      %add3A_200 = arith.addi %mul3A_198, %add3A_199 : i32
      %swap3A_201 = arith.index_cast %add3A_200 : i32 to index
      %swap3A_202 = arith.constant 0 : index
      %swap3A_203 = tpu.vector_load %arg8[%swap3A_201, %swap3A_202] {strides = array<i32>} : memref<320x16xf32, #tpu.memory_space<vmem>>, vector<16xf32>,
      tpu.vector_store %arg8[%swap3A_201, %swap3A_202], %broadcast_in_dim3A_196 {strides = array<i32>} : memref<320x16xf32, #tpu.memory_space<vmem>>, vector<16xf32>,
    }
    %scan3A_43 = arith.constant 20 : i32
    "tpu.region"() ({
      %run_scoped3A_44 = tpu.sem_alloc : memref<!tpu.dma_semaphore, #tpu.memory_space<semaphore_mem>>
      %dma_start3A = arith.constant 0 : i32
      %dma_start3A_45 = tpu.memref_slice %arg3[%add3A_33, %dma_start3A] : memref<10240x16xf32, #tpu.memory_space<hbm>> -> memref<320x16xf32, #tpu.memory_space<hbm>>
      %dma_start3A_46 = arith.constant 0 : i32
      %dma_start3A_47 = tpu.memref_slice %arg3[%add3A_33, %dma_start3A_46] : memref<10240x16xf32, #tpu.memory_space<hbm>> -> memref<320x16xf32, #tpu.memory_space<hbm>>
      tpu.enqueue_dma source(%arg8 : memref<320x16xf32, #tpu.memory_space<vmem>>) target(%dma_start3A_47 : memref<320x16xf32, #tpu.memory_space<hbm>>) target_semaphore(%run_scoped3A_44 : memref<!tpu.dma_semaphore, #tpu.memory_space<semaphore_mem>>)
      %dma_wait3A = arith.constant 0 : i32
      %dma_wait3A_48 = tpu.memref_slice %arg3[%add3A_33, %dma_wait3A] : memref<10240x16xf32, #tpu.memory_space<hbm>> -> memref<320x16xf32, #tpu.memory_space<hbm>>
      %dma_wait3A_49 = arith.constant 0 : i32
      %dma_wait3A_50 = tpu.memref_slice %arg3[%add3A_33, %dma_wait3A_49] : memref<10240x16xf32, #tpu.memory_space<hbm>> -> memref<320x16xf32, #tpu.memory_space<hbm>>
      tpu.wait_dma2 semaphore(%run_scoped3A_44 : memref<!tpu.dma_semaphore, #tpu.memory_space<semaphore_mem>>) src(%arg8 : memref<320x16xf32, #tpu.memory_space<vmem>>) dst(%dma_wait3A_50 : memref<320x16xf32, #tpu.memory_space<hbm>>)
      tpu.yield
    }) : () -> ()
    return
  }
}

#map = affine_map<(d0, d1) -> (0, 0)>
#map1 = affine_map<(d0, d1) -> (0, 0, 0, 0)>
#map2 = affine_map<(d0, d1) -> (0, 0, 0)>
module attributes {stable_mosaic.version = 14 : i64} {
  func.func @agg_kernel(%arg0: i32, %arg1: i32, %arg2: memref<10240x16xf32, #tpu.memory_space<hbm>>, %arg3: memref<2x32x80x128xi32, #tpu.memory_space<hbm>>, %arg4: memref<2x10240x16xf32, #tpu.memory_space<hbm>>, %arg5: memref<80x128xi32, #tpu.memory_space<vmem>>, %arg6: memref<80x128xi32, #tpu.memory_space<vmem>>, %arg7: memref<8x128x16xf32, #tpu.memory_space<vmem>>, %arg8: memref<640x16xf32, #tpu.memory_space<vmem>>, %arg9: memref<10240x16xf32, #tpu.memory_space<vmem_shared>>, %arg10: memref<10240x16xf32, #tpu.memory_space<vmem_shared>>, %arg11: memref<!tpu.dma_semaphore, #tpu.memory_space<semaphore_mem>>, %arg12: memref<!tpu.dma_semaphore, #tpu.memory_space<semaphore_mem>>, %arg13: memref<!tpu.dma_semaphore, #tpu.memory_space<semaphore_mem>>, %arg14: memref<!tpu.dma_semaphore, #tpu.memory_space<semaphore_mem>>, %arg15: memref<!tpu.dma_semaphore, #tpu.memory_space<semaphore_mem>>, %arg16: memref<!tpu.dma_semaphore, #tpu.memory_space<semaphore_mem>>, %arg17: memref<!tpu.dma_semaphore, #tpu.memory_space<semaphore_mem>>, %arg18: memref<!tpu.dma_semaphore, #tpu.memory_space<semaphore_mem>>, %arg19: memref<!tpu.dma_semaphore, #tpu.memory_space<semaphore_mem>>, %arg20: memref<!tpu.dma_semaphore, #tpu.memory_space<semaphore_mem>>, %arg21: memref<!tpu.dma_semaphore, #tpu.memory_space<semaphore_mem>>, %arg22: memref<!tpu.dma_semaphore, #tpu.memory_space<semaphore_mem>>, %arg23: memref<!tpu.dma_semaphore, #tpu.memory_space<semaphore_mem>>, %arg24: memref<!tpu.dma_semaphore, #tpu.memory_space<semaphore_mem>>, %arg25: memref<!tpu.dma_semaphore, #tpu.memory_space<semaphore_mem>>, %arg26: memref<!tpu.dma_semaphore, #tpu.memory_space<semaphore_mem>>) attributes {dimension_semantics = [#tpu.dimension_semantics<core_parallel>, #tpu.dimension_semantics<subcore_parallel>], iteration_bounds = array<i64: 2, 16>, scalar_prefetch = 0 : i64, scratch_operands = 22 : i64, tpu.core_type = #tpu.core_type<sc_vector_subcore>, window_params = [{transform_indices = #map}, {transform_indices = #map1}, {transform_indices = #map2}]} {
    %mul3A = arith.constant 2 : i32
    %mul3A_0 = arith.muli %arg1, %mul3A : i32
    %add3A = arith.addi %mul3A_0, %arg0 : i32
    %mul3A_1 = arith.constant 640 : i32
    %mul3A_2 = arith.muli %arg1, %mul3A_1 : i32
    %dma_start3A = arith.constant 0 : i32
    %dma_start3A_3 = arith.constant 0 : i32
    %dma_start3A_4 = arith.constant 0 : i32
    %dma_start3A_5 = tpu.memref_slice %arg3[%dma_start3A, %add3A, %dma_start3A_3, %dma_start3A_4] : memref<2x32x80x128xi32, #tpu.memory_space<hbm>> -> memref<1x1x80x128xi32, #tpu.memory_space<hbm>>
    %dma_start3A_6 = tpu.memref_squeeze %dma_start3A_5 : memref<1x1x80x128xi32, #tpu.memory_space<hbm>> -> memref<80x128xi32, #tpu.memory_space<hbm>>
    %dma_start3A_7 = arith.constant 0 : i32
    %dma_start3A_8 = arith.constant 0 : i32
    %dma_start3A_9 = tpu.memref_slice %arg3[%dma_start3A, %add3A, %dma_start3A_7, %dma_start3A_8] : memref<2x32x80x128xi32, #tpu.memory_space<hbm>> -> memref<1x1x80x128xi32, #tpu.memory_space<hbm>>
    %dma_start3A_10 = tpu.memref_squeeze %dma_start3A_9 : memref<1x1x80x128xi32, #tpu.memory_space<hbm>> -> memref<80x128xi32, #tpu.memory_space<hbm>>
    tpu.enqueue_dma source(%dma_start3A_10 : memref<80x128xi32, #tpu.memory_space<hbm>>) target(%arg5 : memref<80x128xi32, #tpu.memory_space<vmem>>) target_semaphore(%arg11 : memref<!tpu.dma_semaphore, #tpu.memory_space<semaphore_mem>>)
    %dma_start3A_11 = arith.constant 1 : i32
    %dma_start3A_12 = arith.constant 0 : i32
    %dma_start3A_13 = arith.constant 0 : i32
    %dma_start3A_14 = tpu.memref_slice %arg3[%dma_start3A_11, %add3A, %dma_start3A_12, %dma_start3A_13] : memref<2x32x80x128xi32, #tpu.memory_space<hbm>> -> memref<1x1x80x128xi32, #tpu.memory_space<hbm>>
    %dma_start3A_15 = tpu.memref_squeeze %dma_start3A_14 : memref<1x1x80x128xi32, #tpu.memory_space<hbm>> -> memref<80x128xi32, #tpu.memory_space<hbm>>
    %dma_start3A_16 = arith.constant 0 : i32
    %dma_start3A_17 = arith.constant 0 : i32
    %dma_start3A_18 = tpu.memref_slice %arg3[%dma_start3A_11, %add3A, %dma_start3A_16, %dma_start3A_17] : memref<2x32x80x128xi32, #tpu.memory_space<hbm>> -> memref<1x1x80x128xi32, #tpu.memory_space<hbm>>
    %dma_start3A_19 = tpu.memref_squeeze %dma_start3A_18 : memref<1x1x80x128xi32, #tpu.memory_space<hbm>> -> memref<80x128xi32, #tpu.memory_space<hbm>>
    tpu.enqueue_dma source(%dma_start3A_19 : memref<80x128xi32, #tpu.memory_space<hbm>>) target(%arg6 : memref<80x128xi32, #tpu.memory_space<vmem>>) target_semaphore(%arg12 : memref<!tpu.dma_semaphore, #tpu.memory_space<semaphore_mem>>)
    %dma_start3A_20 = arith.constant 0 : i32
    %dma_start3A_21 = tpu.memref_slice %arg10[%mul3A_2, %dma_start3A_20] : memref<10240x16xf32, #tpu.memory_space<vmem_shared>> -> memref<640x16xf32, #tpu.memory_space<vmem_shared>>
    %dma_start3A_22 = arith.constant 0 : i32
    %dma_start3A_23 = tpu.memref_slice %arg2[%mul3A_2, %dma_start3A_22] : memref<10240x16xf32, #tpu.memory_space<hbm>> -> memref<640x16xf32, #tpu.memory_space<hbm>>
    tpu.enqueue_dma source(%dma_start3A_23 : memref<640x16xf32, #tpu.memory_space<hbm>>) target(%dma_start3A_21 : memref<640x16xf32, #tpu.memory_space<vmem_shared>>) target_semaphore(%arg13 : memref<!tpu.dma_semaphore, #tpu.memory_space<semaphore_mem>>)
    %eq3A = arith.constant 0 : i32
    %eq3A_24 = arith.cmpi eq, %arg0, %eq3A : i32
    %convert_element_type3A = arith.extui %eq3A_24 : i1 to i32
    %cond3A = arith.constant 0 : i32
    %cond3A_25 = arith.cmpi ne, %convert_element_type3A, %cond3A : i32
    scf.if %cond3A_25 {
      %dma_start3A_153 = arith.constant 0 : i32
      %dma_start3A_154 = tpu.memref_slice %arg9[%mul3A_2, %dma_start3A_153] : memref<10240x16xf32, #tpu.memory_space<vmem_shared>> -> memref<640x16xf32, #tpu.memory_space<vmem_shared>>
      %dma_start3A_155 = arith.constant 0 : i32
      %dma_start3A_156 = tpu.memref_slice %arg2[%mul3A_2, %dma_start3A_155] : memref<10240x16xf32, #tpu.memory_space<hbm>> -> memref<640x16xf32, #tpu.memory_space<hbm>>
      tpu.enqueue_dma source(%dma_start3A_156 : memref<640x16xf32, #tpu.memory_space<hbm>>) target(%dma_start3A_154 : memref<640x16xf32, #tpu.memory_space<vmem_shared>>) target_semaphore(%arg14 : memref<!tpu.dma_semaphore, #tpu.memory_space<semaphore_mem>>)
      %dma_wait3A_157 = arith.constant 0 : i32
      %dma_wait3A_158 = tpu.memref_slice %arg9[%mul3A_2, %dma_wait3A_157] : memref<10240x16xf32, #tpu.memory_space<vmem_shared>> -> memref<640x16xf32, #tpu.memory_space<vmem_shared>>
      %dma_wait3A_159 = arith.constant 0 : i32
      %dma_wait3A_160 = tpu.memref_slice %arg2[%mul3A_2, %dma_wait3A_159] : memref<10240x16xf32, #tpu.memory_space<hbm>> -> memref<640x16xf32, #tpu.memory_space<hbm>>
      tpu.wait_dma2 semaphore(%arg14 : memref<!tpu.dma_semaphore, #tpu.memory_space<semaphore_mem>>) src(%dma_wait3A_160 : memref<640x16xf32, #tpu.memory_space<hbm>>) dst(%dma_wait3A_158 : memref<640x16xf32, #tpu.memory_space<vmem_shared>>)
    } else {
    }
    %eq3A_26 = arith.constant 1 : i32
    %eq3A_27 = arith.cmpi eq, %arg0, %eq3A_26 : i32
    %convert_element_type3A_28 = arith.extui %eq3A_27 : i1 to i32
    %cond3A_29 = arith.constant 0 : i32
    %cond3A_30 = arith.cmpi ne, %convert_element_type3A_28, %cond3A_29 : i32
    scf.if %cond3A_30 {
      %scan3A_153 = arith.constant 0 : i32
      %scan3A_154 = arith.constant 640 : i32
      %scan3A_155 = arith.addi %scan3A_153, %scan3A_154 : i32
      %scan3A_156 = arith.constant 1 : i32
      scf.for %scan3A_158 = %scan3A_153 to %scan3A_155 step %scan3A_156  : i32 {
        %broadcast_in_dim3A = arith.constant 0.000000e+00 : f32
        %broadcast_in_dim3A_159 = vector.broadcast %broadcast_in_dim3A : f32 to vector<16xf32>
        %swap3A = arith.index_cast %scan3A_158 : i32 to index
        %swap3A_160 = arith.constant 0 : index
        %swap3A_161 = tpu.vector_load %arg8[%swap3A, %swap3A_160] {strides = array<i32>} : memref<640x16xf32, #tpu.memory_space<vmem>>, vector<16xf32>,
        tpu.vector_store %arg8[%swap3A, %swap3A_160], %broadcast_in_dim3A_159 {strides = array<i32>} : memref<640x16xf32, #tpu.memory_space<vmem>>, vector<16xf32>,
      }
      %scan3A_157 = arith.constant 640 : i32
      "tpu.region"() ({
        %run_scoped3A = tpu.sem_alloc : memref<!tpu.dma_semaphore, #tpu.memory_space<semaphore_mem>>
        %dma_start3A_158 = arith.constant 0 : i32
        %dma_start3A_159 = tpu.memref_slice %arg9[%mul3A_2, %dma_start3A_158] : memref<10240x16xf32, #tpu.memory_space<vmem_shared>> -> memref<640x16xf32, #tpu.memory_space<vmem_shared>>
        %dma_start3A_160 = arith.constant 0 : i32
        %dma_start3A_161 = tpu.memref_slice %arg9[%mul3A_2, %dma_start3A_160] : memref<10240x16xf32, #tpu.memory_space<vmem_shared>> -> memref<640x16xf32, #tpu.memory_space<vmem_shared>>
        tpu.enqueue_dma source(%arg8 : memref<640x16xf32, #tpu.memory_space<vmem>>) target(%dma_start3A_161 : memref<640x16xf32, #tpu.memory_space<vmem_shared>>) target_semaphore(%run_scoped3A : memref<!tpu.dma_semaphore, #tpu.memory_space<semaphore_mem>>)
        %dma_wait3A_162 = arith.constant 0 : i32
        %dma_wait3A_163 = tpu.memref_slice %arg9[%mul3A_2, %dma_wait3A_162] : memref<10240x16xf32, #tpu.memory_space<vmem_shared>> -> memref<640x16xf32, #tpu.memory_space<vmem_shared>>
        %dma_wait3A_164 = arith.constant 0 : i32
        %dma_wait3A_165 = tpu.memref_slice %arg9[%mul3A_2, %dma_wait3A_164] : memref<10240x16xf32, #tpu.memory_space<vmem_shared>> -> memref<640x16xf32, #tpu.memory_space<vmem_shared>>
        tpu.wait_dma2 semaphore(%run_scoped3A : memref<!tpu.dma_semaphore, #tpu.memory_space<semaphore_mem>>) src(%arg8 : memref<640x16xf32, #tpu.memory_space<vmem>>) dst(%dma_wait3A_165 : memref<640x16xf32, #tpu.memory_space<vmem_shared>>)
        tpu.yield
      }) : () -> ()
    } else {
    }
    %dma_wait3A = arith.constant 0 : i32
    %dma_wait3A_31 = arith.constant 0 : i32
    %dma_wait3A_32 = arith.constant 0 : i32
    %dma_wait3A_33 = tpu.memref_slice %arg3[%dma_wait3A, %add3A, %dma_wait3A_31, %dma_wait3A_32] : memref<2x32x80x128xi32, #tpu.memory_space<hbm>> -> memref<1x1x80x128xi32, #tpu.memory_space<hbm>>
    %dma_wait3A_34 = tpu.memref_squeeze %dma_wait3A_33 : memref<1x1x80x128xi32, #tpu.memory_space<hbm>> -> memref<80x128xi32, #tpu.memory_space<hbm>>
    %dma_wait3A_35 = arith.constant 0 : i32
    %dma_wait3A_36 = arith.constant 0 : i32
    %dma_wait3A_37 = tpu.memref_slice %arg3[%dma_wait3A, %add3A, %dma_wait3A_35, %dma_wait3A_36] : memref<2x32x80x128xi32, #tpu.memory_space<hbm>> -> memref<1x1x80x128xi32, #tpu.memory_space<hbm>>
    %dma_wait3A_38 = tpu.memref_squeeze %dma_wait3A_37 : memref<1x1x80x128xi32, #tpu.memory_space<hbm>> -> memref<80x128xi32, #tpu.memory_space<hbm>>
    tpu.wait_dma2 semaphore(%arg11 : memref<!tpu.dma_semaphore, #tpu.memory_space<semaphore_mem>>) src(%dma_wait3A_38 : memref<80x128xi32, #tpu.memory_space<hbm>>) dst(%arg5 : memref<80x128xi32, #tpu.memory_space<vmem>>)
    %dma_wait3A_39 = arith.constant 1 : i32
    %dma_wait3A_40 = arith.constant 0 : i32
    %dma_wait3A_41 = arith.constant 0 : i32
    %dma_wait3A_42 = tpu.memref_slice %arg3[%dma_wait3A_39, %add3A, %dma_wait3A_40, %dma_wait3A_41] : memref<2x32x80x128xi32, #tpu.memory_space<hbm>> -> memref<1x1x80x128xi32, #tpu.memory_space<hbm>>
    %dma_wait3A_43 = tpu.memref_squeeze %dma_wait3A_42 : memref<1x1x80x128xi32, #tpu.memory_space<hbm>> -> memref<80x128xi32, #tpu.memory_space<hbm>>
    %dma_wait3A_44 = arith.constant 0 : i32
    %dma_wait3A_45 = arith.constant 0 : i32
    %dma_wait3A_46 = tpu.memref_slice %arg3[%dma_wait3A_39, %add3A, %dma_wait3A_44, %dma_wait3A_45] : memref<2x32x80x128xi32, #tpu.memory_space<hbm>> -> memref<1x1x80x128xi32, #tpu.memory_space<hbm>>
    %dma_wait3A_47 = tpu.memref_squeeze %dma_wait3A_46 : memref<1x1x80x128xi32, #tpu.memory_space<hbm>> -> memref<80x128xi32, #tpu.memory_space<hbm>>
    tpu.wait_dma2 semaphore(%arg12 : memref<!tpu.dma_semaphore, #tpu.memory_space<semaphore_mem>>) src(%dma_wait3A_47 : memref<80x128xi32, #tpu.memory_space<hbm>>) dst(%arg6 : memref<80x128xi32, #tpu.memory_space<vmem>>)
    %dma_wait3A_48 = arith.constant 0 : i32
    %dma_wait3A_49 = tpu.memref_slice %arg10[%mul3A_2, %dma_wait3A_48] : memref<10240x16xf32, #tpu.memory_space<vmem_shared>> -> memref<640x16xf32, #tpu.memory_space<vmem_shared>>
    %dma_wait3A_50 = arith.constant 0 : i32
    %dma_wait3A_51 = tpu.memref_slice %arg2[%mul3A_2, %dma_wait3A_50] : memref<10240x16xf32, #tpu.memory_space<hbm>> -> memref<640x16xf32, #tpu.memory_space<hbm>>
    tpu.wait_dma2 semaphore(%arg13 : memref<!tpu.dma_semaphore, #tpu.memory_space<semaphore_mem>>) src(%dma_wait3A_51 : memref<640x16xf32, #tpu.memory_space<hbm>>) dst(%dma_wait3A_49 : memref<640x16xf32, #tpu.memory_space<vmem_shared>>)
    %barrier3A = arith.constant 0 : index
    tpu.barrier barrier_id(%barrier3A)
    %dma_start3A_52 = arith.constant 0 : i32
    %dma_start3A_53 = arith.constant 0 : i32
    %dma_start3A_54 = arith.constant 0 : i32
    %dma_start3A_55 = arith.constant 0 : i32
    %dma_start3A_56 = tpu.memref_slice %arg7[%dma_start3A_53, %dma_start3A_54, %dma_start3A_55] : memref<8x128x16xf32, #tpu.memory_space<vmem>> -> memref<1x128x16xf32, #tpu.memory_space<vmem>>
    %dma_start3A_57 = tpu.memref_squeeze %dma_start3A_56 : memref<1x128x16xf32, #tpu.memory_space<vmem>> -> memref<128x16xf32, #tpu.memory_space<vmem>>
    %dma_start3A_58 = arith.constant 0 : i32
    %dma_start3A_59 = tpu.memref_slice %arg5[%dma_start3A_52, %dma_start3A_58] : memref<80x128xi32, #tpu.memory_space<vmem>> -> memref<1x128xi32, #tpu.memory_space<vmem>>
    %dma_start3A_60 = tpu.memref_squeeze %dma_start3A_59 : memref<1x128xi32, #tpu.memory_space<vmem>> -> memref<128xi32, #tpu.memory_space<vmem>>
    %dma_start3A_61 = arith.constant 0 : i32
    %dma_start3A_62 = arith.constant 0 : i32
    %dma_start3A_63 = tpu.memref_slice %arg10[%dma_start3A_61, %dma_start3A_62] : memref<10240x16xf32, #tpu.memory_space<vmem_shared>> -> memref<10240x16xf32, #tpu.memory_space<vmem_shared>>
    tpu.enqueue_indirect_dma source(%dma_start3A_63 : memref<10240x16xf32, #tpu.memory_space<vmem_shared>>) target(%dma_start3A_57 : memref<128x16xf32, #tpu.memory_space<vmem>>) offsets(%dma_start3A_60 : memref<128xi32, #tpu.memory_space<vmem>>) semaphore(%arg11 : memref<!tpu.dma_semaphore, #tpu.memory_space<semaphore_mem>>)
    %dma_start3A_64 = arith.constant 1 : i32
    %dma_start3A_65 = arith.constant 1 : i32
    %dma_start3A_66 = arith.constant 0 : i32
    %dma_start3A_67 = arith.constant 0 : i32
    %dma_start3A_68 = tpu.memref_slice %arg7[%dma_start3A_65, %dma_start3A_66, %dma_start3A_67] : memref<8x128x16xf32, #tpu.memory_space<vmem>> -> memref<1x128x16xf32, #tpu.memory_space<vmem>>
    %dma_start3A_69 = tpu.memref_squeeze %dma_start3A_68 : memref<1x128x16xf32, #tpu.memory_space<vmem>> -> memref<128x16xf32, #tpu.memory_space<vmem>>
    %dma_start3A_70 = arith.constant 0 : i32
    %dma_start3A_71 = tpu.memref_slice %arg5[%dma_start3A_64, %dma_start3A_70] : memref<80x128xi32, #tpu.memory_space<vmem>> -> memref<1x128xi32, #tpu.memory_space<vmem>>
    %dma_start3A_72 = tpu.memref_squeeze %dma_start3A_71 : memref<1x128xi32, #tpu.memory_space<vmem>> -> memref<128xi32, #tpu.memory_space<vmem>>
    %dma_start3A_73 = arith.constant 0 : i32
    %dma_start3A_74 = arith.constant 0 : i32
    %dma_start3A_75 = tpu.memref_slice %arg10[%dma_start3A_73, %dma_start3A_74] : memref<10240x16xf32, #tpu.memory_space<vmem_shared>> -> memref<10240x16xf32, #tpu.memory_space<vmem_shared>>
    tpu.enqueue_indirect_dma source(%dma_start3A_75 : memref<10240x16xf32, #tpu.memory_space<vmem_shared>>) target(%dma_start3A_69 : memref<128x16xf32, #tpu.memory_space<vmem>>) offsets(%dma_start3A_72 : memref<128xi32, #tpu.memory_space<vmem>>) semaphore(%arg12 : memref<!tpu.dma_semaphore, #tpu.memory_space<semaphore_mem>>)
    %dma_start3A_76 = arith.constant 2 : i32
    %dma_start3A_77 = arith.constant 2 : i32
    %dma_start3A_78 = arith.constant 0 : i32
    %dma_start3A_79 = arith.constant 0 : i32
    %dma_start3A_80 = tpu.memref_slice %arg7[%dma_start3A_77, %dma_start3A_78, %dma_start3A_79] : memref<8x128x16xf32, #tpu.memory_space<vmem>> -> memref<1x128x16xf32, #tpu.memory_space<vmem>>
    %dma_start3A_81 = tpu.memref_squeeze %dma_start3A_80 : memref<1x128x16xf32, #tpu.memory_space<vmem>> -> memref<128x16xf32, #tpu.memory_space<vmem>>
    %dma_start3A_82 = arith.constant 0 : i32
    %dma_start3A_83 = tpu.memref_slice %arg5[%dma_start3A_76, %dma_start3A_82] : memref<80x128xi32, #tpu.memory_space<vmem>> -> memref<1x128xi32, #tpu.memory_space<vmem>>
    %dma_start3A_84 = tpu.memref_squeeze %dma_start3A_83 : memref<1x128xi32, #tpu.memory_space<vmem>> -> memref<128xi32, #tpu.memory_space<vmem>>
    %dma_start3A_85 = arith.constant 0 : i32
    %dma_start3A_86 = arith.constant 0 : i32
    %dma_start3A_87 = tpu.memref_slice %arg10[%dma_start3A_85, %dma_start3A_86] : memref<10240x16xf32, #tpu.memory_space<vmem_shared>> -> memref<10240x16xf32, #tpu.memory_space<vmem_shared>>
    tpu.enqueue_indirect_dma source(%dma_start3A_87 : memref<10240x16xf32, #tpu.memory_space<vmem_shared>>) target(%dma_start3A_81 : memref<128x16xf32, #tpu.memory_space<vmem>>) offsets(%dma_start3A_84 : memref<128xi32, #tpu.memory_space<vmem>>) semaphore(%arg13 : memref<!tpu.dma_semaphore, #tpu.memory_space<semaphore_mem>>)
    %dma_start3A_88 = arith.constant 3 : i32
    %dma_start3A_89 = arith.constant 3 : i32
    %dma_start3A_90 = arith.constant 0 : i32
    %dma_start3A_91 = arith.constant 0 : i32
    %dma_start3A_92 = tpu.memref_slice %arg7[%dma_start3A_89, %dma_start3A_90, %dma_start3A_91] : memref<8x128x16xf32, #tpu.memory_space<vmem>> -> memref<1x128x16xf32, #tpu.memory_space<vmem>>
    %dma_start3A_93 = tpu.memref_squeeze %dma_start3A_92 : memref<1x128x16xf32, #tpu.memory_space<vmem>> -> memref<128x16xf32, #tpu.memory_space<vmem>>
    %dma_start3A_94 = arith.constant 0 : i32
    %dma_start3A_95 = tpu.memref_slice %arg5[%dma_start3A_88, %dma_start3A_94] : memref<80x128xi32, #tpu.memory_space<vmem>> -> memref<1x128xi32, #tpu.memory_space<vmem>>
    %dma_start3A_96 = tpu.memref_squeeze %dma_start3A_95 : memref<1x128xi32, #tpu.memory_space<vmem>> -> memref<128xi32, #tpu.memory_space<vmem>>
    %dma_start3A_97 = arith.constant 0 : i32
    %dma_start3A_98 = arith.constant 0 : i32
    %dma_start3A_99 = tpu.memref_slice %arg10[%dma_start3A_97, %dma_start3A_98] : memref<10240x16xf32, #tpu.memory_space<vmem_shared>> -> memref<10240x16xf32, #tpu.memory_space<vmem_shared>>
    tpu.enqueue_indirect_dma source(%dma_start3A_99 : memref<10240x16xf32, #tpu.memory_space<vmem_shared>>) target(%dma_start3A_93 : memref<128x16xf32, #tpu.memory_space<vmem>>) offsets(%dma_start3A_96 : memref<128xi32, #tpu.memory_space<vmem>>) semaphore(%arg14 : memref<!tpu.dma_semaphore, #tpu.memory_space<semaphore_mem>>)
    %scan3A = arith.constant 0 : i32
    %scan3A_100 = arith.constant 10 : i32
    %scan3A_101 = arith.addi %scan3A, %scan3A_100 : i32
    %scan3A_102 = arith.constant 1 : i32
    scf.for %scan3A_153 = %scan3A to %scan3A_101 step %scan3A_102  : i32 {
      %mul3A_154 = arith.constant 8 : i32
      %mul3A_155 = arith.muli %mul3A_154, %scan3A_153 : i32
      %add3A_156 = arith.constant 0 : i32
      %add3A_157 = arith.addi %mul3A_155, %add3A_156 : i32
      %dma_wait3A_158 = arith.constant 0 : i32
      %dma_wait3A_159 = arith.constant 0 : i32
      %dma_wait3A_160 = arith.constant 0 : i32
      %dma_wait3A_161 = tpu.memref_slice %arg7[%dma_wait3A_158, %dma_wait3A_159, %dma_wait3A_160] : memref<8x128x16xf32, #tpu.memory_space<vmem>> -> memref<1x128x16xf32, #tpu.memory_space<vmem>>
      %dma_wait3A_162 = tpu.memref_squeeze %dma_wait3A_161 : memref<1x128x16xf32, #tpu.memory_space<vmem>> -> memref<128x16xf32, #tpu.memory_space<vmem>>
      %dma_wait3A_163 = arith.constant 0 : i32
      %dma_wait3A_164 = tpu.memref_slice %arg5[%add3A_157, %dma_wait3A_163] : memref<80x128xi32, #tpu.memory_space<vmem>> -> memref<1x128xi32, #tpu.memory_space<vmem>>
      %dma_wait3A_165 = tpu.memref_squeeze %dma_wait3A_164 : memref<1x128xi32, #tpu.memory_space<vmem>> -> memref<128xi32, #tpu.memory_space<vmem>>
      %dma_wait3A_166 = arith.constant 0 : i32
      %dma_wait3A_167 = arith.constant 0 : i32
      %dma_wait3A_168 = tpu.memref_slice %arg10[%dma_wait3A_166, %dma_wait3A_167] : memref<10240x16xf32, #tpu.memory_space<vmem_shared>> -> memref<10240x16xf32, #tpu.memory_space<vmem_shared>>
      tpu.wait_indirect_dma semaphore(%arg11 : memref<!tpu.dma_semaphore, #tpu.memory_space<semaphore_mem>>) src(%dma_wait3A_168 : memref<10240x16xf32, #tpu.memory_space<vmem_shared>>) dst(%dma_wait3A_162 : memref<128x16xf32, #tpu.memory_space<vmem>>)
      %dma_start3A_169 = arith.constant 0 : i32
      %dma_start3A_170 = arith.constant 0 : i32
      %dma_start3A_171 = arith.constant 0 : i32
      %dma_start3A_172 = tpu.memref_slice %arg7[%dma_start3A_169, %dma_start3A_170, %dma_start3A_171] : memref<8x128x16xf32, #tpu.memory_space<vmem>> -> memref<1x128x16xf32, #tpu.memory_space<vmem>>
      %dma_start3A_173 = tpu.memref_squeeze %dma_start3A_172 : memref<1x128x16xf32, #tpu.memory_space<vmem>> -> memref<128x16xf32, #tpu.memory_space<vmem>>
      %dma_start3A_174 = arith.constant 0 : i32
      %dma_start3A_175 = tpu.memref_slice %arg6[%add3A_157, %dma_start3A_174] : memref<80x128xi32, #tpu.memory_space<vmem>> -> memref<1x128xi32, #tpu.memory_space<vmem>>
      %dma_start3A_176 = tpu.memref_squeeze %dma_start3A_175 : memref<1x128xi32, #tpu.memory_space<vmem>> -> memref<128xi32, #tpu.memory_space<vmem>>
      %dma_start3A_177 = arith.constant 0 : i32
      %dma_start3A_178 = arith.constant 0 : i32
      %dma_start3A_179 = tpu.memref_slice %arg9[%dma_start3A_177, %dma_start3A_178] : memref<10240x16xf32, #tpu.memory_space<vmem_shared>> -> memref<10240x16xf32, #tpu.memory_space<vmem_shared>>
      tpu.enqueue_indirect_dma source(%dma_start3A_173 : memref<128x16xf32, #tpu.memory_space<vmem>>) target(%dma_start3A_179 : memref<10240x16xf32, #tpu.memory_space<vmem_shared>>) offsets(%dma_start3A_176 : memref<128xi32, #tpu.memory_space<vmem>>) semaphore(%arg19 : memref<!tpu.dma_semaphore, #tpu.memory_space<semaphore_mem>>) {add = true}
      %add3A_180 = arith.constant 4 : i32
      %add3A_181 = arith.addi %add3A_157, %add3A_180 : i32
      %lt3A = arith.constant 80 : i32
      %lt3A_182 = arith.cmpi slt, %add3A_181, %lt3A : i32
      %convert_element_type3A_183 = arith.extui %lt3A_182 : i1 to i32
      %cond3A_184 = arith.constant 0 : i32
      %cond3A_185 = arith.cmpi ne, %convert_element_type3A_183, %cond3A_184 : i32
      scf.if %cond3A_185 {
        %ge3A = arith.constant 8 : i32
        %ge3A_403 = arith.cmpi sge, %add3A_181, %ge3A : i32
        %convert_element_type3A_404 = arith.extui %ge3A_403 : i1 to i32
        %cond3A_405 = arith.constant 0 : i32
        %cond3A_406 = arith.cmpi ne, %convert_element_type3A_404, %cond3A_405 : i32
        scf.if %cond3A_406 {
          %sub3A = arith.constant 8 : i32
          %sub3A_418 = arith.subi %add3A_181, %sub3A : i32
          %dma_wait3A_419 = arith.constant 4 : i32
          %dma_wait3A_420 = arith.constant 0 : i32
          %dma_wait3A_421 = arith.constant 0 : i32
          %dma_wait3A_422 = tpu.memref_slice %arg7[%dma_wait3A_419, %dma_wait3A_420, %dma_wait3A_421] : memref<8x128x16xf32, #tpu.memory_space<vmem>> -> memref<1x128x16xf32, #tpu.memory_space<vmem>>
          %dma_wait3A_423 = tpu.memref_squeeze %dma_wait3A_422 : memref<1x128x16xf32, #tpu.memory_space<vmem>> -> memref<128x16xf32, #tpu.memory_space<vmem>>
          %dma_wait3A_424 = arith.constant 0 : i32
          %dma_wait3A_425 = tpu.memref_slice %arg6[%sub3A_418, %dma_wait3A_424] : memref<80x128xi32, #tpu.memory_space<vmem>> -> memref<1x128xi32, #tpu.memory_space<vmem>>
          %dma_wait3A_426 = tpu.memref_squeeze %dma_wait3A_425 : memref<1x128xi32, #tpu.memory_space<vmem>> -> memref<128xi32, #tpu.memory_space<vmem>>
          %dma_wait3A_427 = arith.constant 0 : i32
          %dma_wait3A_428 = arith.constant 0 : i32
          %dma_wait3A_429 = tpu.memref_slice %arg9[%dma_wait3A_427, %dma_wait3A_428] : memref<10240x16xf32, #tpu.memory_space<vmem_shared>> -> memref<10240x16xf32, #tpu.memory_space<vmem_shared>>
          tpu.wait_indirect_dma semaphore(%arg23 : memref<!tpu.dma_semaphore, #tpu.memory_space<semaphore_mem>>) src(%dma_wait3A_423 : memref<128x16xf32, #tpu.memory_space<vmem>>) dst(%dma_wait3A_429 : memref<10240x16xf32, #tpu.memory_space<vmem_shared>>)
        } else {
        }
        %dma_start3A_407 = arith.constant 4 : i32
        %dma_start3A_408 = arith.constant 0 : i32
        %dma_start3A_409 = arith.constant 0 : i32
        %dma_start3A_410 = tpu.memref_slice %arg7[%dma_start3A_407, %dma_start3A_408, %dma_start3A_409] : memref<8x128x16xf32, #tpu.memory_space<vmem>> -> memref<1x128x16xf32, #tpu.memory_space<vmem>>
        %dma_start3A_411 = tpu.memref_squeeze %dma_start3A_410 : memref<1x128x16xf32, #tpu.memory_space<vmem>> -> memref<128x16xf32, #tpu.memory_space<vmem>>
        %dma_start3A_412 = arith.constant 0 : i32
        %dma_start3A_413 = tpu.memref_slice %arg5[%add3A_181, %dma_start3A_412] : memref<80x128xi32, #tpu.memory_space<vmem>> -> memref<1x128xi32, #tpu.memory_space<vmem>>
        %dma_start3A_414 = tpu.memref_squeeze %dma_start3A_413 : memref<1x128xi32, #tpu.memory_space<vmem>> -> memref<128xi32, #tpu.memory_space<vmem>>
        %dma_start3A_415 = arith.constant 0 : i32
        %dma_start3A_416 = arith.constant 0 : i32
        %dma_start3A_417 = tpu.memref_slice %arg10[%dma_start3A_415, %dma_start3A_416] : memref<10240x16xf32, #tpu.memory_space<vmem_shared>> -> memref<10240x16xf32, #tpu.memory_space<vmem_shared>>
        tpu.enqueue_indirect_dma source(%dma_start3A_417 : memref<10240x16xf32, #tpu.memory_space<vmem_shared>>) target(%dma_start3A_411 : memref<128x16xf32, #tpu.memory_space<vmem>>) offsets(%dma_start3A_414 : memref<128xi32, #tpu.memory_space<vmem>>) semaphore(%arg15 : memref<!tpu.dma_semaphore, #tpu.memory_space<semaphore_mem>>)
      } else {
      }
      %add3A_186 = arith.constant 1 : i32
      %add3A_187 = arith.addi %mul3A_155, %add3A_186 : i32
      %dma_wait3A_188 = arith.constant 1 : i32
      %dma_wait3A_189 = arith.constant 0 : i32
      %dma_wait3A_190 = arith.constant 0 : i32
      %dma_wait3A_191 = tpu.memref_slice %arg7[%dma_wait3A_188, %dma_wait3A_189, %dma_wait3A_190] : memref<8x128x16xf32, #tpu.memory_space<vmem>> -> memref<1x128x16xf32, #tpu.memory_space<vmem>>
      %dma_wait3A_192 = tpu.memref_squeeze %dma_wait3A_191 : memref<1x128x16xf32, #tpu.memory_space<vmem>> -> memref<128x16xf32, #tpu.memory_space<vmem>>
      %dma_wait3A_193 = arith.constant 0 : i32
      %dma_wait3A_194 = tpu.memref_slice %arg5[%add3A_187, %dma_wait3A_193] : memref<80x128xi32, #tpu.memory_space<vmem>> -> memref<1x128xi32, #tpu.memory_space<vmem>>
      %dma_wait3A_195 = tpu.memref_squeeze %dma_wait3A_194 : memref<1x128xi32, #tpu.memory_space<vmem>> -> memref<128xi32, #tpu.memory_space<vmem>>
      %dma_wait3A_196 = arith.constant 0 : i32
      %dma_wait3A_197 = arith.constant 0 : i32
      %dma_wait3A_198 = tpu.memref_slice %arg10[%dma_wait3A_196, %dma_wait3A_197] : memref<10240x16xf32, #tpu.memory_space<vmem_shared>> -> memref<10240x16xf32, #tpu.memory_space<vmem_shared>>
      tpu.wait_indirect_dma semaphore(%arg12 : memref<!tpu.dma_semaphore, #tpu.memory_space<semaphore_mem>>) src(%dma_wait3A_198 : memref<10240x16xf32, #tpu.memory_space<vmem_shared>>) dst(%dma_wait3A_192 : memref<128x16xf32, #tpu.memory_space<vmem>>)
      %dma_start3A_199 = arith.constant 1 : i32
      %dma_start3A_200 = arith.constant 0 : i32
      %dma_start3A_201 = arith.constant 0 : i32
      %dma_start3A_202 = tpu.memref_slice %arg7[%dma_start3A_199, %dma_start3A_200, %dma_start3A_201] : memref<8x128x16xf32, #tpu.memory_space<vmem>> -> memref<1x128x16xf32, #tpu.memory_space<vmem>>
      %dma_start3A_203 = tpu.memref_squeeze %dma_start3A_202 : memref<1x128x16xf32, #tpu.memory_space<vmem>> -> memref<128x16xf32, #tpu.memory_space<vmem>>
      %dma_start3A_204 = arith.constant 0 : i32
      %dma_start3A_205 = tpu.memref_slice %arg6[%add3A_187, %dma_start3A_204] : memref<80x128xi32, #tpu.memory_space<vmem>> -> memref<1x128xi32, #tpu.memory_space<vmem>>
      %dma_start3A_206 = tpu.memref_squeeze %dma_start3A_205 : memref<1x128xi32, #tpu.memory_space<vmem>> -> memref<128xi32, #tpu.memory_space<vmem>>
      %dma_start3A_207 = arith.constant 0 : i32
      %dma_start3A_208 = arith.constant 0 : i32
      %dma_start3A_209 = tpu.memref_slice %arg9[%dma_start3A_207, %dma_start3A_208] : memref<10240x16xf32, #tpu.memory_space<vmem_shared>> -> memref<10240x16xf32, #tpu.memory_space<vmem_shared>>
      tpu.enqueue_indirect_dma source(%dma_start3A_203 : memref<128x16xf32, #tpu.memory_space<vmem>>) target(%dma_start3A_209 : memref<10240x16xf32, #tpu.memory_space<vmem_shared>>) offsets(%dma_start3A_206 : memref<128xi32, #tpu.memory_space<vmem>>) semaphore(%arg20 : memref<!tpu.dma_semaphore, #tpu.memory_space<semaphore_mem>>) {add = true}
      %add3A_210 = arith.constant 4 : i32
      %add3A_211 = arith.addi %add3A_187, %add3A_210 : i32
      %lt3A_212 = arith.constant 80 : i32
      %lt3A_213 = arith.cmpi slt, %add3A_211, %lt3A_212 : i32
      %convert_element_type3A_214 = arith.extui %lt3A_213 : i1 to i32
      %cond3A_215 = arith.constant 0 : i32
      %cond3A_216 = arith.cmpi ne, %convert_element_type3A_214, %cond3A_215 : i32
      scf.if %cond3A_216 {
        %ge3A = arith.constant 8 : i32
        %ge3A_403 = arith.cmpi sge, %add3A_211, %ge3A : i32
        %convert_element_type3A_404 = arith.extui %ge3A_403 : i1 to i32
        %cond3A_405 = arith.constant 0 : i32
        %cond3A_406 = arith.cmpi ne, %convert_element_type3A_404, %cond3A_405 : i32
        scf.if %cond3A_406 {
          %sub3A = arith.constant 8 : i32
          %sub3A_418 = arith.subi %add3A_211, %sub3A : i32
          %dma_wait3A_419 = arith.constant 5 : i32
          %dma_wait3A_420 = arith.constant 0 : i32
          %dma_wait3A_421 = arith.constant 0 : i32
          %dma_wait3A_422 = tpu.memref_slice %arg7[%dma_wait3A_419, %dma_wait3A_420, %dma_wait3A_421] : memref<8x128x16xf32, #tpu.memory_space<vmem>> -> memref<1x128x16xf32, #tpu.memory_space<vmem>>
          %dma_wait3A_423 = tpu.memref_squeeze %dma_wait3A_422 : memref<1x128x16xf32, #tpu.memory_space<vmem>> -> memref<128x16xf32, #tpu.memory_space<vmem>>
          %dma_wait3A_424 = arith.constant 0 : i32
          %dma_wait3A_425 = tpu.memref_slice %arg6[%sub3A_418, %dma_wait3A_424] : memref<80x128xi32, #tpu.memory_space<vmem>> -> memref<1x128xi32, #tpu.memory_space<vmem>>
          %dma_wait3A_426 = tpu.memref_squeeze %dma_wait3A_425 : memref<1x128xi32, #tpu.memory_space<vmem>> -> memref<128xi32, #tpu.memory_space<vmem>>
          %dma_wait3A_427 = arith.constant 0 : i32
          %dma_wait3A_428 = arith.constant 0 : i32
          %dma_wait3A_429 = tpu.memref_slice %arg9[%dma_wait3A_427, %dma_wait3A_428] : memref<10240x16xf32, #tpu.memory_space<vmem_shared>> -> memref<10240x16xf32, #tpu.memory_space<vmem_shared>>
          tpu.wait_indirect_dma semaphore(%arg24 : memref<!tpu.dma_semaphore, #tpu.memory_space<semaphore_mem>>) src(%dma_wait3A_423 : memref<128x16xf32, #tpu.memory_space<vmem>>) dst(%dma_wait3A_429 : memref<10240x16xf32, #tpu.memory_space<vmem_shared>>)
        } else {
        }
        %dma_start3A_407 = arith.constant 5 : i32
        %dma_start3A_408 = arith.constant 0 : i32
        %dma_start3A_409 = arith.constant 0 : i32
        %dma_start3A_410 = tpu.memref_slice %arg7[%dma_start3A_407, %dma_start3A_408, %dma_start3A_409] : memref<8x128x16xf32, #tpu.memory_space<vmem>> -> memref<1x128x16xf32, #tpu.memory_space<vmem>>
        %dma_start3A_411 = tpu.memref_squeeze %dma_start3A_410 : memref<1x128x16xf32, #tpu.memory_space<vmem>> -> memref<128x16xf32, #tpu.memory_space<vmem>>
        %dma_start3A_412 = arith.constant 0 : i32
        %dma_start3A_413 = tpu.memref_slice %arg5[%add3A_211, %dma_start3A_412] : memref<80x128xi32, #tpu.memory_space<vmem>> -> memref<1x128xi32, #tpu.memory_space<vmem>>
        %dma_start3A_414 = tpu.memref_squeeze %dma_start3A_413 : memref<1x128xi32, #tpu.memory_space<vmem>> -> memref<128xi32, #tpu.memory_space<vmem>>
        %dma_start3A_415 = arith.constant 0 : i32
        %dma_start3A_416 = arith.constant 0 : i32
        %dma_start3A_417 = tpu.memref_slice %arg10[%dma_start3A_415, %dma_start3A_416] : memref<10240x16xf32, #tpu.memory_space<vmem_shared>> -> memref<10240x16xf32, #tpu.memory_space<vmem_shared>>
        tpu.enqueue_indirect_dma source(%dma_start3A_417 : memref<10240x16xf32, #tpu.memory_space<vmem_shared>>) target(%dma_start3A_411 : memref<128x16xf32, #tpu.memory_space<vmem>>) offsets(%dma_start3A_414 : memref<128xi32, #tpu.memory_space<vmem>>) semaphore(%arg16 : memref<!tpu.dma_semaphore, #tpu.memory_space<semaphore_mem>>)
      } else {
      }
      %add3A_217 = arith.constant 2 : i32
      %add3A_218 = arith.addi %mul3A_155, %add3A_217 : i32
      %dma_wait3A_219 = arith.constant 2 : i32
      %dma_wait3A_220 = arith.constant 0 : i32
      %dma_wait3A_221 = arith.constant 0 : i32
      %dma_wait3A_222 = tpu.memref_slice %arg7[%dma_wait3A_219, %dma_wait3A_220, %dma_wait3A_221] : memref<8x128x16xf32, #tpu.memory_space<vmem>> -> memref<1x128x16xf32, #tpu.memory_space<vmem>>
      %dma_wait3A_223 = tpu.memref_squeeze %dma_wait3A_222 : memref<1x128x16xf32, #tpu.memory_space<vmem>> -> memref<128x16xf32, #tpu.memory_space<vmem>>
      %dma_wait3A_224 = arith.constant 0 : i32
      %dma_wait3A_225 = tpu.memref_slice %arg5[%add3A_218, %dma_wait3A_224] : memref<80x128xi32, #tpu.memory_space<vmem>> -> memref<1x128xi32, #tpu.memory_space<vmem>>
      %dma_wait3A_226 = tpu.memref_squeeze %dma_wait3A_225 : memref<1x128xi32, #tpu.memory_space<vmem>> -> memref<128xi32, #tpu.memory_space<vmem>>
      %dma_wait3A_227 = arith.constant 0 : i32
      %dma_wait3A_228 = arith.constant 0 : i32
      %dma_wait3A_229 = tpu.memref_slice %arg10[%dma_wait3A_227, %dma_wait3A_228] : memref<10240x16xf32, #tpu.memory_space<vmem_shared>> -> memref<10240x16xf32, #tpu.memory_space<vmem_shared>>
      tpu.wait_indirect_dma semaphore(%arg13 : memref<!tpu.dma_semaphore, #tpu.memory_space<semaphore_mem>>) src(%dma_wait3A_229 : memref<10240x16xf32, #tpu.memory_space<vmem_shared>>) dst(%dma_wait3A_223 : memref<128x16xf32, #tpu.memory_space<vmem>>)
      %dma_start3A_230 = arith.constant 2 : i32
      %dma_start3A_231 = arith.constant 0 : i32
      %dma_start3A_232 = arith.constant 0 : i32
      %dma_start3A_233 = tpu.memref_slice %arg7[%dma_start3A_230, %dma_start3A_231, %dma_start3A_232] : memref<8x128x16xf32, #tpu.memory_space<vmem>> -> memref<1x128x16xf32, #tpu.memory_space<vmem>>
      %dma_start3A_234 = tpu.memref_squeeze %dma_start3A_233 : memref<1x128x16xf32, #tpu.memory_space<vmem>> -> memref<128x16xf32, #tpu.memory_space<vmem>>
      %dma_start3A_235 = arith.constant 0 : i32
      %dma_start3A_236 = tpu.memref_slice %arg6[%add3A_218, %dma_start3A_235] : memref<80x128xi32, #tpu.memory_space<vmem>> -> memref<1x128xi32, #tpu.memory_space<vmem>>
      %dma_start3A_237 = tpu.memref_squeeze %dma_start3A_236 : memref<1x128xi32, #tpu.memory_space<vmem>> -> memref<128xi32, #tpu.memory_space<vmem>>
      %dma_start3A_238 = arith.constant 0 : i32
      %dma_start3A_239 = arith.constant 0 : i32
      %dma_start3A_240 = tpu.memref_slice %arg9[%dma_start3A_238, %dma_start3A_239] : memref<10240x16xf32, #tpu.memory_space<vmem_shared>> -> memref<10240x16xf32, #tpu.memory_space<vmem_shared>>
      tpu.enqueue_indirect_dma source(%dma_start3A_234 : memref<128x16xf32, #tpu.memory_space<vmem>>) target(%dma_start3A_240 : memref<10240x16xf32, #tpu.memory_space<vmem_shared>>) offsets(%dma_start3A_237 : memref<128xi32, #tpu.memory_space<vmem>>) semaphore(%arg21 : memref<!tpu.dma_semaphore, #tpu.memory_space<semaphore_mem>>) {add = true}
      %add3A_241 = arith.constant 4 : i32
      %add3A_242 = arith.addi %add3A_218, %add3A_241 : i32
      %lt3A_243 = arith.constant 80 : i32
      %lt3A_244 = arith.cmpi slt, %add3A_242, %lt3A_243 : i32
      %convert_element_type3A_245 = arith.extui %lt3A_244 : i1 to i32
      %cond3A_246 = arith.constant 0 : i32
      %cond3A_247 = arith.cmpi ne, %convert_element_type3A_245, %cond3A_246 : i32
      scf.if %cond3A_247 {
        %ge3A = arith.constant 8 : i32
        %ge3A_403 = arith.cmpi sge, %add3A_242, %ge3A : i32
        %convert_element_type3A_404 = arith.extui %ge3A_403 : i1 to i32
        %cond3A_405 = arith.constant 0 : i32
        %cond3A_406 = arith.cmpi ne, %convert_element_type3A_404, %cond3A_405 : i32
        scf.if %cond3A_406 {
          %sub3A = arith.constant 8 : i32
          %sub3A_418 = arith.subi %add3A_242, %sub3A : i32
          %dma_wait3A_419 = arith.constant 6 : i32
          %dma_wait3A_420 = arith.constant 0 : i32
          %dma_wait3A_421 = arith.constant 0 : i32
          %dma_wait3A_422 = tpu.memref_slice %arg7[%dma_wait3A_419, %dma_wait3A_420, %dma_wait3A_421] : memref<8x128x16xf32, #tpu.memory_space<vmem>> -> memref<1x128x16xf32, #tpu.memory_space<vmem>>
          %dma_wait3A_423 = tpu.memref_squeeze %dma_wait3A_422 : memref<1x128x16xf32, #tpu.memory_space<vmem>> -> memref<128x16xf32, #tpu.memory_space<vmem>>
          %dma_wait3A_424 = arith.constant 0 : i32
          %dma_wait3A_425 = tpu.memref_slice %arg6[%sub3A_418, %dma_wait3A_424] : memref<80x128xi32, #tpu.memory_space<vmem>> -> memref<1x128xi32, #tpu.memory_space<vmem>>
          %dma_wait3A_426 = tpu.memref_squeeze %dma_wait3A_425 : memref<1x128xi32, #tpu.memory_space<vmem>> -> memref<128xi32, #tpu.memory_space<vmem>>
          %dma_wait3A_427 = arith.constant 0 : i32
          %dma_wait3A_428 = arith.constant 0 : i32
          %dma_wait3A_429 = tpu.memref_slice %arg9[%dma_wait3A_427, %dma_wait3A_428] : memref<10240x16xf32, #tpu.memory_space<vmem_shared>> -> memref<10240x16xf32, #tpu.memory_space<vmem_shared>>
          tpu.wait_indirect_dma semaphore(%arg25 : memref<!tpu.dma_semaphore, #tpu.memory_space<semaphore_mem>>) src(%dma_wait3A_423 : memref<128x16xf32, #tpu.memory_space<vmem>>) dst(%dma_wait3A_429 : memref<10240x16xf32, #tpu.memory_space<vmem_shared>>)
        } else {
        }
        %dma_start3A_407 = arith.constant 6 : i32
        %dma_start3A_408 = arith.constant 0 : i32
        %dma_start3A_409 = arith.constant 0 : i32
        %dma_start3A_410 = tpu.memref_slice %arg7[%dma_start3A_407, %dma_start3A_408, %dma_start3A_409] : memref<8x128x16xf32, #tpu.memory_space<vmem>> -> memref<1x128x16xf32, #tpu.memory_space<vmem>>
        %dma_start3A_411 = tpu.memref_squeeze %dma_start3A_410 : memref<1x128x16xf32, #tpu.memory_space<vmem>> -> memref<128x16xf32, #tpu.memory_space<vmem>>
        %dma_start3A_412 = arith.constant 0 : i32
        %dma_start3A_413 = tpu.memref_slice %arg5[%add3A_242, %dma_start3A_412] : memref<80x128xi32, #tpu.memory_space<vmem>> -> memref<1x128xi32, #tpu.memory_space<vmem>>
        %dma_start3A_414 = tpu.memref_squeeze %dma_start3A_413 : memref<1x128xi32, #tpu.memory_space<vmem>> -> memref<128xi32, #tpu.memory_space<vmem>>
        %dma_start3A_415 = arith.constant 0 : i32
        %dma_start3A_416 = arith.constant 0 : i32
        %dma_start3A_417 = tpu.memref_slice %arg10[%dma_start3A_415, %dma_start3A_416] : memref<10240x16xf32, #tpu.memory_space<vmem_shared>> -> memref<10240x16xf32, #tpu.memory_space<vmem_shared>>
        tpu.enqueue_indirect_dma source(%dma_start3A_417 : memref<10240x16xf32, #tpu.memory_space<vmem_shared>>) target(%dma_start3A_411 : memref<128x16xf32, #tpu.memory_space<vmem>>) offsets(%dma_start3A_414 : memref<128xi32, #tpu.memory_space<vmem>>) semaphore(%arg17 : memref<!tpu.dma_semaphore, #tpu.memory_space<semaphore_mem>>)
      } else {
      }
      %add3A_248 = arith.constant 3 : i32
      %add3A_249 = arith.addi %mul3A_155, %add3A_248 : i32
      %dma_wait3A_250 = arith.constant 3 : i32
      %dma_wait3A_251 = arith.constant 0 : i32
      %dma_wait3A_252 = arith.constant 0 : i32
      %dma_wait3A_253 = tpu.memref_slice %arg7[%dma_wait3A_250, %dma_wait3A_251, %dma_wait3A_252] : memref<8x128x16xf32, #tpu.memory_space<vmem>> -> memref<1x128x16xf32, #tpu.memory_space<vmem>>
      %dma_wait3A_254 = tpu.memref_squeeze %dma_wait3A_253 : memref<1x128x16xf32, #tpu.memory_space<vmem>> -> memref<128x16xf32, #tpu.memory_space<vmem>>
      %dma_wait3A_255 = arith.constant 0 : i32
      %dma_wait3A_256 = tpu.memref_slice %arg5[%add3A_249, %dma_wait3A_255] : memref<80x128xi32, #tpu.memory_space<vmem>> -> memref<1x128xi32, #tpu.memory_space<vmem>>
      %dma_wait3A_257 = tpu.memref_squeeze %dma_wait3A_256 : memref<1x128xi32, #tpu.memory_space<vmem>> -> memref<128xi32, #tpu.memory_space<vmem>>
      %dma_wait3A_258 = arith.constant 0 : i32
      %dma_wait3A_259 = arith.constant 0 : i32
      %dma_wait3A_260 = tpu.memref_slice %arg10[%dma_wait3A_258, %dma_wait3A_259] : memref<10240x16xf32, #tpu.memory_space<vmem_shared>> -> memref<10240x16xf32, #tpu.memory_space<vmem_shared>>
      tpu.wait_indirect_dma semaphore(%arg14 : memref<!tpu.dma_semaphore, #tpu.memory_space<semaphore_mem>>) src(%dma_wait3A_260 : memref<10240x16xf32, #tpu.memory_space<vmem_shared>>) dst(%dma_wait3A_254 : memref<128x16xf32, #tpu.memory_space<vmem>>)
      %dma_start3A_261 = arith.constant 3 : i32
      %dma_start3A_262 = arith.constant 0 : i32
      %dma_start3A_263 = arith.constant 0 : i32
      %dma_start3A_264 = tpu.memref_slice %arg7[%dma_start3A_261, %dma_start3A_262, %dma_start3A_263] : memref<8x128x16xf32, #tpu.memory_space<vmem>> -> memref<1x128x16xf32, #tpu.memory_space<vmem>>
      %dma_start3A_265 = tpu.memref_squeeze %dma_start3A_264 : memref<1x128x16xf32, #tpu.memory_space<vmem>> -> memref<128x16xf32, #tpu.memory_space<vmem>>
      %dma_start3A_266 = arith.constant 0 : i32
      %dma_start3A_267 = tpu.memref_slice %arg6[%add3A_249, %dma_start3A_266] : memref<80x128xi32, #tpu.memory_space<vmem>> -> memref<1x128xi32, #tpu.memory_space<vmem>>
      %dma_start3A_268 = tpu.memref_squeeze %dma_start3A_267 : memref<1x128xi32, #tpu.memory_space<vmem>> -> memref<128xi32, #tpu.memory_space<vmem>>
      %dma_start3A_269 = arith.constant 0 : i32
      %dma_start3A_270 = arith.constant 0 : i32
      %dma_start3A_271 = tpu.memref_slice %arg9[%dma_start3A_269, %dma_start3A_270] : memref<10240x16xf32, #tpu.memory_space<vmem_shared>> -> memref<10240x16xf32, #tpu.memory_space<vmem_shared>>
      tpu.enqueue_indirect_dma source(%dma_start3A_265 : memref<128x16xf32, #tpu.memory_space<vmem>>) target(%dma_start3A_271 : memref<10240x16xf32, #tpu.memory_space<vmem_shared>>) offsets(%dma_start3A_268 : memref<128xi32, #tpu.memory_space<vmem>>) semaphore(%arg22 : memref<!tpu.dma_semaphore, #tpu.memory_space<semaphore_mem>>) {add = true}
      %add3A_272 = arith.constant 4 : i32
      %add3A_273 = arith.addi %add3A_249, %add3A_272 : i32
      %lt3A_274 = arith.constant 80 : i32
      %lt3A_275 = arith.cmpi slt, %add3A_273, %lt3A_274 : i32
      %convert_element_type3A_276 = arith.extui %lt3A_275 : i1 to i32
      %cond3A_277 = arith.constant 0 : i32
      %cond3A_278 = arith.cmpi ne, %convert_element_type3A_276, %cond3A_277 : i32
      scf.if %cond3A_278 {
        %ge3A = arith.constant 8 : i32
        %ge3A_403 = arith.cmpi sge, %add3A_273, %ge3A : i32
        %convert_element_type3A_404 = arith.extui %ge3A_403 : i1 to i32
        %cond3A_405 = arith.constant 0 : i32
        %cond3A_406 = arith.cmpi ne, %convert_element_type3A_404, %cond3A_405 : i32
        scf.if %cond3A_406 {
          %sub3A = arith.constant 8 : i32
          %sub3A_418 = arith.subi %add3A_273, %sub3A : i32
          %dma_wait3A_419 = arith.constant 7 : i32
          %dma_wait3A_420 = arith.constant 0 : i32
          %dma_wait3A_421 = arith.constant 0 : i32
          %dma_wait3A_422 = tpu.memref_slice %arg7[%dma_wait3A_419, %dma_wait3A_420, %dma_wait3A_421] : memref<8x128x16xf32, #tpu.memory_space<vmem>> -> memref<1x128x16xf32, #tpu.memory_space<vmem>>
          %dma_wait3A_423 = tpu.memref_squeeze %dma_wait3A_422 : memref<1x128x16xf32, #tpu.memory_space<vmem>> -> memref<128x16xf32, #tpu.memory_space<vmem>>
          %dma_wait3A_424 = arith.constant 0 : i32
          %dma_wait3A_425 = tpu.memref_slice %arg6[%sub3A_418, %dma_wait3A_424] : memref<80x128xi32, #tpu.memory_space<vmem>> -> memref<1x128xi32, #tpu.memory_space<vmem>>
          %dma_wait3A_426 = tpu.memref_squeeze %dma_wait3A_425 : memref<1x128xi32, #tpu.memory_space<vmem>> -> memref<128xi32, #tpu.memory_space<vmem>>
          %dma_wait3A_427 = arith.constant 0 : i32
          %dma_wait3A_428 = arith.constant 0 : i32
          %dma_wait3A_429 = tpu.memref_slice %arg9[%dma_wait3A_427, %dma_wait3A_428] : memref<10240x16xf32, #tpu.memory_space<vmem_shared>> -> memref<10240x16xf32, #tpu.memory_space<vmem_shared>>
          tpu.wait_indirect_dma semaphore(%arg26 : memref<!tpu.dma_semaphore, #tpu.memory_space<semaphore_mem>>) src(%dma_wait3A_423 : memref<128x16xf32, #tpu.memory_space<vmem>>) dst(%dma_wait3A_429 : memref<10240x16xf32, #tpu.memory_space<vmem_shared>>)
        } else {
        }
        %dma_start3A_407 = arith.constant 7 : i32
        %dma_start3A_408 = arith.constant 0 : i32
        %dma_start3A_409 = arith.constant 0 : i32
        %dma_start3A_410 = tpu.memref_slice %arg7[%dma_start3A_407, %dma_start3A_408, %dma_start3A_409] : memref<8x128x16xf32, #tpu.memory_space<vmem>> -> memref<1x128x16xf32, #tpu.memory_space<vmem>>
        %dma_start3A_411 = tpu.memref_squeeze %dma_start3A_410 : memref<1x128x16xf32, #tpu.memory_space<vmem>> -> memref<128x16xf32, #tpu.memory_space<vmem>>
        %dma_start3A_412 = arith.constant 0 : i32
        %dma_start3A_413 = tpu.memref_slice %arg5[%add3A_273, %dma_start3A_412] : memref<80x128xi32, #tpu.memory_space<vmem>> -> memref<1x128xi32, #tpu.memory_space<vmem>>
        %dma_start3A_414 = tpu.memref_squeeze %dma_start3A_413 : memref<1x128xi32, #tpu.memory_space<vmem>> -> memref<128xi32, #tpu.memory_space<vmem>>
        %dma_start3A_415 = arith.constant 0 : i32
        %dma_start3A_416 = arith.constant 0 : i32
        %dma_start3A_417 = tpu.memref_slice %arg10[%dma_start3A_415, %dma_start3A_416] : memref<10240x16xf32, #tpu.memory_space<vmem_shared>> -> memref<10240x16xf32, #tpu.memory_space<vmem_shared>>
        tpu.enqueue_indirect_dma source(%dma_start3A_417 : memref<10240x16xf32, #tpu.memory_space<vmem_shared>>) target(%dma_start3A_411 : memref<128x16xf32, #tpu.memory_space<vmem>>) offsets(%dma_start3A_414 : memref<128xi32, #tpu.memory_space<vmem>>) semaphore(%arg18 : memref<!tpu.dma_semaphore, #tpu.memory_space<semaphore_mem>>)
      } else {
      }
      %add3A_279 = arith.constant 4 : i32
      %add3A_280 = arith.addi %mul3A_155, %add3A_279 : i32
      %dma_wait3A_281 = arith.constant 4 : i32
      %dma_wait3A_282 = arith.constant 0 : i32
      %dma_wait3A_283 = arith.constant 0 : i32
      %dma_wait3A_284 = tpu.memref_slice %arg7[%dma_wait3A_281, %dma_wait3A_282, %dma_wait3A_283] : memref<8x128x16xf32, #tpu.memory_space<vmem>> -> memref<1x128x16xf32, #tpu.memory_space<vmem>>
      %dma_wait3A_285 = tpu.memref_squeeze %dma_wait3A_284 : memref<1x128x16xf32, #tpu.memory_space<vmem>> -> memref<128x16xf32, #tpu.memory_space<vmem>>
      %dma_wait3A_286 = arith.constant 0 : i32
      %dma_wait3A_287 = tpu.memref_slice %arg5[%add3A_280, %dma_wait3A_286] : memref<80x128xi32, #tpu.memory_space<vmem>> -> memref<1x128xi32, #tpu.memory_space<vmem>>
      %dma_wait3A_288 = tpu.memref_squeeze %dma_wait3A_287 : memref<1x128xi32, #tpu.memory_space<vmem>> -> memref<128xi32, #tpu.memory_space<vmem>>
      %dma_wait3A_289 = arith.constant 0 : i32
      %dma_wait3A_290 = arith.constant 0 : i32
      %dma_wait3A_291 = tpu.memref_slice %arg10[%dma_wait3A_289, %dma_wait3A_290] : memref<10240x16xf32, #tpu.memory_space<vmem_shared>> -> memref<10240x16xf32, #tpu.memory_space<vmem_shared>>
      tpu.wait_indirect_dma semaphore(%arg15 : memref<!tpu.dma_semaphore, #tpu.memory_space<semaphore_mem>>) src(%dma_wait3A_291 : memref<10240x16xf32, #tpu.memory_space<vmem_shared>>) dst(%dma_wait3A_285 : memref<128x16xf32, #tpu.memory_space<vmem>>)
      %dma_start3A_292 = arith.constant 4 : i32
      %dma_start3A_293 = arith.constant 0 : i32
      %dma_start3A_294 = arith.constant 0 : i32
      %dma_start3A_295 = tpu.memref_slice %arg7[%dma_start3A_292, %dma_start3A_293, %dma_start3A_294] : memref<8x128x16xf32, #tpu.memory_space<vmem>> -> memref<1x128x16xf32, #tpu.memory_space<vmem>>
      %dma_start3A_296 = tpu.memref_squeeze %dma_start3A_295 : memref<1x128x16xf32, #tpu.memory_space<vmem>> -> memref<128x16xf32, #tpu.memory_space<vmem>>
      %dma_start3A_297 = arith.constant 0 : i32
      %dma_start3A_298 = tpu.memref_slice %arg6[%add3A_280, %dma_start3A_297] : memref<80x128xi32, #tpu.memory_space<vmem>> -> memref<1x128xi32, #tpu.memory_space<vmem>>
      %dma_start3A_299 = tpu.memref_squeeze %dma_start3A_298 : memref<1x128xi32, #tpu.memory_space<vmem>> -> memref<128xi32, #tpu.memory_space<vmem>>
      %dma_start3A_300 = arith.constant 0 : i32
      %dma_start3A_301 = arith.constant 0 : i32
      %dma_start3A_302 = tpu.memref_slice %arg9[%dma_start3A_300, %dma_start3A_301] : memref<10240x16xf32, #tpu.memory_space<vmem_shared>> -> memref<10240x16xf32, #tpu.memory_space<vmem_shared>>
      tpu.enqueue_indirect_dma source(%dma_start3A_296 : memref<128x16xf32, #tpu.memory_space<vmem>>) target(%dma_start3A_302 : memref<10240x16xf32, #tpu.memory_space<vmem_shared>>) offsets(%dma_start3A_299 : memref<128xi32, #tpu.memory_space<vmem>>) semaphore(%arg23 : memref<!tpu.dma_semaphore, #tpu.memory_space<semaphore_mem>>) {add = true}
      %add3A_303 = arith.constant 4 : i32
      %add3A_304 = arith.addi %add3A_280, %add3A_303 : i32
      %lt3A_305 = arith.constant 80 : i32
      %lt3A_306 = arith.cmpi slt, %add3A_304, %lt3A_305 : i32
      %convert_element_type3A_307 = arith.extui %lt3A_306 : i1 to i32
      %cond3A_308 = arith.constant 0 : i32
      %cond3A_309 = arith.cmpi ne, %convert_element_type3A_307, %cond3A_308 : i32
      scf.if %cond3A_309 {
        %ge3A = arith.constant 8 : i32
        %ge3A_403 = arith.cmpi sge, %add3A_304, %ge3A : i32
        %convert_element_type3A_404 = arith.extui %ge3A_403 : i1 to i32
        %cond3A_405 = arith.constant 0 : i32
        %cond3A_406 = arith.cmpi ne, %convert_element_type3A_404, %cond3A_405 : i32
        scf.if %cond3A_406 {
          %sub3A = arith.constant 8 : i32
          %sub3A_418 = arith.subi %add3A_304, %sub3A : i32
          %dma_wait3A_419 = arith.constant 0 : i32
          %dma_wait3A_420 = arith.constant 0 : i32
          %dma_wait3A_421 = arith.constant 0 : i32
          %dma_wait3A_422 = tpu.memref_slice %arg7[%dma_wait3A_419, %dma_wait3A_420, %dma_wait3A_421] : memref<8x128x16xf32, #tpu.memory_space<vmem>> -> memref<1x128x16xf32, #tpu.memory_space<vmem>>
          %dma_wait3A_423 = tpu.memref_squeeze %dma_wait3A_422 : memref<1x128x16xf32, #tpu.memory_space<vmem>> -> memref<128x16xf32, #tpu.memory_space<vmem>>
          %dma_wait3A_424 = arith.constant 0 : i32
          %dma_wait3A_425 = tpu.memref_slice %arg6[%sub3A_418, %dma_wait3A_424] : memref<80x128xi32, #tpu.memory_space<vmem>> -> memref<1x128xi32, #tpu.memory_space<vmem>>
          %dma_wait3A_426 = tpu.memref_squeeze %dma_wait3A_425 : memref<1x128xi32, #tpu.memory_space<vmem>> -> memref<128xi32, #tpu.memory_space<vmem>>
          %dma_wait3A_427 = arith.constant 0 : i32
          %dma_wait3A_428 = arith.constant 0 : i32
          %dma_wait3A_429 = tpu.memref_slice %arg9[%dma_wait3A_427, %dma_wait3A_428] : memref<10240x16xf32, #tpu.memory_space<vmem_shared>> -> memref<10240x16xf32, #tpu.memory_space<vmem_shared>>
          tpu.wait_indirect_dma semaphore(%arg19 : memref<!tpu.dma_semaphore, #tpu.memory_space<semaphore_mem>>) src(%dma_wait3A_423 : memref<128x16xf32, #tpu.memory_space<vmem>>) dst(%dma_wait3A_429 : memref<10240x16xf32, #tpu.memory_space<vmem_shared>>)
        } else {
        }
        %dma_start3A_407 = arith.constant 0 : i32
        %dma_start3A_408 = arith.constant 0 : i32
        %dma_start3A_409 = arith.constant 0 : i32
        %dma_start3A_410 = tpu.memref_slice %arg7[%dma_start3A_407, %dma_start3A_408, %dma_start3A_409] : memref<8x128x16xf32, #tpu.memory_space<vmem>> -> memref<1x128x16xf32, #tpu.memory_space<vmem>>
        %dma_start3A_411 = tpu.memref_squeeze %dma_start3A_410 : memref<1x128x16xf32, #tpu.memory_space<vmem>> -> memref<128x16xf32, #tpu.memory_space<vmem>>
        %dma_start3A_412 = arith.constant 0 : i32
        %dma_start3A_413 = tpu.memref_slice %arg5[%add3A_304, %dma_start3A_412] : memref<80x128xi32, #tpu.memory_space<vmem>> -> memref<1x128xi32, #tpu.memory_space<vmem>>
        %dma_start3A_414 = tpu.memref_squeeze %dma_start3A_413 : memref<1x128xi32, #tpu.memory_space<vmem>> -> memref<128xi32, #tpu.memory_space<vmem>>
        %dma_start3A_415 = arith.constant 0 : i32
        %dma_start3A_416 = arith.constant 0 : i32
        %dma_start3A_417 = tpu.memref_slice %arg10[%dma_start3A_415, %dma_start3A_416] : memref<10240x16xf32, #tpu.memory_space<vmem_shared>> -> memref<10240x16xf32, #tpu.memory_space<vmem_shared>>
        tpu.enqueue_indirect_dma source(%dma_start3A_417 : memref<10240x16xf32, #tpu.memory_space<vmem_shared>>) target(%dma_start3A_411 : memref<128x16xf32, #tpu.memory_space<vmem>>) offsets(%dma_start3A_414 : memref<128xi32, #tpu.memory_space<vmem>>) semaphore(%arg11 : memref<!tpu.dma_semaphore, #tpu.memory_space<semaphore_mem>>)
      } else {
      }
      %add3A_310 = arith.constant 5 : i32
      %add3A_311 = arith.addi %mul3A_155, %add3A_310 : i32
      %dma_wait3A_312 = arith.constant 5 : i32
      %dma_wait3A_313 = arith.constant 0 : i32
      %dma_wait3A_314 = arith.constant 0 : i32
      %dma_wait3A_315 = tpu.memref_slice %arg7[%dma_wait3A_312, %dma_wait3A_313, %dma_wait3A_314] : memref<8x128x16xf32, #tpu.memory_space<vmem>> -> memref<1x128x16xf32, #tpu.memory_space<vmem>>
      %dma_wait3A_316 = tpu.memref_squeeze %dma_wait3A_315 : memref<1x128x16xf32, #tpu.memory_space<vmem>> -> memref<128x16xf32, #tpu.memory_space<vmem>>
      %dma_wait3A_317 = arith.constant 0 : i32
      %dma_wait3A_318 = tpu.memref_slice %arg5[%add3A_311, %dma_wait3A_317] : memref<80x128xi32, #tpu.memory_space<vmem>> -> memref<1x128xi32, #tpu.memory_space<vmem>>
      %dma_wait3A_319 = tpu.memref_squeeze %dma_wait3A_318 : memref<1x128xi32, #tpu.memory_space<vmem>> -> memref<128xi32, #tpu.memory_space<vmem>>
      %dma_wait3A_320 = arith.constant 0 : i32
      %dma_wait3A_321 = arith.constant 0 : i32
      %dma_wait3A_322 = tpu.memref_slice %arg10[%dma_wait3A_320, %dma_wait3A_321] : memref<10240x16xf32, #tpu.memory_space<vmem_shared>> -> memref<10240x16xf32, #tpu.memory_space<vmem_shared>>
      tpu.wait_indirect_dma semaphore(%arg16 : memref<!tpu.dma_semaphore, #tpu.memory_space<semaphore_mem>>) src(%dma_wait3A_322 : memref<10240x16xf32, #tpu.memory_space<vmem_shared>>) dst(%dma_wait3A_316 : memref<128x16xf32, #tpu.memory_space<vmem>>)
      %dma_start3A_323 = arith.constant 5 : i32
      %dma_start3A_324 = arith.constant 0 : i32
      %dma_start3A_325 = arith.constant 0 : i32
      %dma_start3A_326 = tpu.memref_slice %arg7[%dma_start3A_323, %dma_start3A_324, %dma_start3A_325] : memref<8x128x16xf32, #tpu.memory_space<vmem>> -> memref<1x128x16xf32, #tpu.memory_space<vmem>>
      %dma_start3A_327 = tpu.memref_squeeze %dma_start3A_326 : memref<1x128x16xf32, #tpu.memory_space<vmem>> -> memref<128x16xf32, #tpu.memory_space<vmem>>
      %dma_start3A_328 = arith.constant 0 : i32
      %dma_start3A_329 = tpu.memref_slice %arg6[%add3A_311, %dma_start3A_328] : memref<80x128xi32, #tpu.memory_space<vmem>> -> memref<1x128xi32, #tpu.memory_space<vmem>>
      %dma_start3A_330 = tpu.memref_squeeze %dma_start3A_329 : memref<1x128xi32, #tpu.memory_space<vmem>> -> memref<128xi32, #tpu.memory_space<vmem>>
      %dma_start3A_331 = arith.constant 0 : i32
      %dma_start3A_332 = arith.constant 0 : i32
      %dma_start3A_333 = tpu.memref_slice %arg9[%dma_start3A_331, %dma_start3A_332] : memref<10240x16xf32, #tpu.memory_space<vmem_shared>> -> memref<10240x16xf32, #tpu.memory_space<vmem_shared>>
      tpu.enqueue_indirect_dma source(%dma_start3A_327 : memref<128x16xf32, #tpu.memory_space<vmem>>) target(%dma_start3A_333 : memref<10240x16xf32, #tpu.memory_space<vmem_shared>>) offsets(%dma_start3A_330 : memref<128xi32, #tpu.memory_space<vmem>>) semaphore(%arg24 : memref<!tpu.dma_semaphore, #tpu.memory_space<semaphore_mem>>) {add = true}
      %add3A_334 = arith.constant 4 : i32
      %add3A_335 = arith.addi %add3A_311, %add3A_334 : i32
      %lt3A_336 = arith.constant 80 : i32
      %lt3A_337 = arith.cmpi slt, %add3A_335, %lt3A_336 : i32
      %convert_element_type3A_338 = arith.extui %lt3A_337 : i1 to i32
      %cond3A_339 = arith.constant 0 : i32
      %cond3A_340 = arith.cmpi ne, %convert_element_type3A_338, %cond3A_339 : i32
      scf.if %cond3A_340 {
        %ge3A = arith.constant 8 : i32
        %ge3A_403 = arith.cmpi sge, %add3A_335, %ge3A : i32
        %convert_element_type3A_404 = arith.extui %ge3A_403 : i1 to i32
        %cond3A_405 = arith.constant 0 : i32
        %cond3A_406 = arith.cmpi ne, %convert_element_type3A_404, %cond3A_405 : i32
        scf.if %cond3A_406 {
          %sub3A = arith.constant 8 : i32
          %sub3A_418 = arith.subi %add3A_335, %sub3A : i32
          %dma_wait3A_419 = arith.constant 1 : i32
          %dma_wait3A_420 = arith.constant 0 : i32
          %dma_wait3A_421 = arith.constant 0 : i32
          %dma_wait3A_422 = tpu.memref_slice %arg7[%dma_wait3A_419, %dma_wait3A_420, %dma_wait3A_421] : memref<8x128x16xf32, #tpu.memory_space<vmem>> -> memref<1x128x16xf32, #tpu.memory_space<vmem>>
          %dma_wait3A_423 = tpu.memref_squeeze %dma_wait3A_422 : memref<1x128x16xf32, #tpu.memory_space<vmem>> -> memref<128x16xf32, #tpu.memory_space<vmem>>
          %dma_wait3A_424 = arith.constant 0 : i32
          %dma_wait3A_425 = tpu.memref_slice %arg6[%sub3A_418, %dma_wait3A_424] : memref<80x128xi32, #tpu.memory_space<vmem>> -> memref<1x128xi32, #tpu.memory_space<vmem>>
          %dma_wait3A_426 = tpu.memref_squeeze %dma_wait3A_425 : memref<1x128xi32, #tpu.memory_space<vmem>> -> memref<128xi32, #tpu.memory_space<vmem>>
          %dma_wait3A_427 = arith.constant 0 : i32
          %dma_wait3A_428 = arith.constant 0 : i32
          %dma_wait3A_429 = tpu.memref_slice %arg9[%dma_wait3A_427, %dma_wait3A_428] : memref<10240x16xf32, #tpu.memory_space<vmem_shared>> -> memref<10240x16xf32, #tpu.memory_space<vmem_shared>>
          tpu.wait_indirect_dma semaphore(%arg20 : memref<!tpu.dma_semaphore, #tpu.memory_space<semaphore_mem>>) src(%dma_wait3A_423 : memref<128x16xf32, #tpu.memory_space<vmem>>) dst(%dma_wait3A_429 : memref<10240x16xf32, #tpu.memory_space<vmem_shared>>)
        } else {
        }
        %dma_start3A_407 = arith.constant 1 : i32
        %dma_start3A_408 = arith.constant 0 : i32
        %dma_start3A_409 = arith.constant 0 : i32
        %dma_start3A_410 = tpu.memref_slice %arg7[%dma_start3A_407, %dma_start3A_408, %dma_start3A_409] : memref<8x128x16xf32, #tpu.memory_space<vmem>> -> memref<1x128x16xf32, #tpu.memory_space<vmem>>
        %dma_start3A_411 = tpu.memref_squeeze %dma_start3A_410 : memref<1x128x16xf32, #tpu.memory_space<vmem>> -> memref<128x16xf32, #tpu.memory_space<vmem>>
        %dma_start3A_412 = arith.constant 0 : i32
        %dma_start3A_413 = tpu.memref_slice %arg5[%add3A_335, %dma_start3A_412] : memref<80x128xi32, #tpu.memory_space<vmem>> -> memref<1x128xi32, #tpu.memory_space<vmem>>
        %dma_start3A_414 = tpu.memref_squeeze %dma_start3A_413 : memref<1x128xi32, #tpu.memory_space<vmem>> -> memref<128xi32, #tpu.memory_space<vmem>>
        %dma_start3A_415 = arith.constant 0 : i32
        %dma_start3A_416 = arith.constant 0 : i32
        %dma_start3A_417 = tpu.memref_slice %arg10[%dma_start3A_415, %dma_start3A_416] : memref<10240x16xf32, #tpu.memory_space<vmem_shared>> -> memref<10240x16xf32, #tpu.memory_space<vmem_shared>>
        tpu.enqueue_indirect_dma source(%dma_start3A_417 : memref<10240x16xf32, #tpu.memory_space<vmem_shared>>) target(%dma_start3A_411 : memref<128x16xf32, #tpu.memory_space<vmem>>) offsets(%dma_start3A_414 : memref<128xi32, #tpu.memory_space<vmem>>) semaphore(%arg12 : memref<!tpu.dma_semaphore, #tpu.memory_space<semaphore_mem>>)
      } else {
      }
      %add3A_341 = arith.constant 6 : i32
      %add3A_342 = arith.addi %mul3A_155, %add3A_341 : i32
      %dma_wait3A_343 = arith.constant 6 : i32
      %dma_wait3A_344 = arith.constant 0 : i32
      %dma_wait3A_345 = arith.constant 0 : i32
      %dma_wait3A_346 = tpu.memref_slice %arg7[%dma_wait3A_343, %dma_wait3A_344, %dma_wait3A_345] : memref<8x128x16xf32, #tpu.memory_space<vmem>> -> memref<1x128x16xf32, #tpu.memory_space<vmem>>
      %dma_wait3A_347 = tpu.memref_squeeze %dma_wait3A_346 : memref<1x128x16xf32, #tpu.memory_space<vmem>> -> memref<128x16xf32, #tpu.memory_space<vmem>>
      %dma_wait3A_348 = arith.constant 0 : i32
      %dma_wait3A_349 = tpu.memref_slice %arg5[%add3A_342, %dma_wait3A_348] : memref<80x128xi32, #tpu.memory_space<vmem>> -> memref<1x128xi32, #tpu.memory_space<vmem>>
      %dma_wait3A_350 = tpu.memref_squeeze %dma_wait3A_349 : memref<1x128xi32, #tpu.memory_space<vmem>> -> memref<128xi32, #tpu.memory_space<vmem>>
      %dma_wait3A_351 = arith.constant 0 : i32
      %dma_wait3A_352 = arith.constant 0 : i32
      %dma_wait3A_353 = tpu.memref_slice %arg10[%dma_wait3A_351, %dma_wait3A_352] : memref<10240x16xf32, #tpu.memory_space<vmem_shared>> -> memref<10240x16xf32, #tpu.memory_space<vmem_shared>>
      tpu.wait_indirect_dma semaphore(%arg17 : memref<!tpu.dma_semaphore, #tpu.memory_space<semaphore_mem>>) src(%dma_wait3A_353 : memref<10240x16xf32, #tpu.memory_space<vmem_shared>>) dst(%dma_wait3A_347 : memref<128x16xf32, #tpu.memory_space<vmem>>)
      %dma_start3A_354 = arith.constant 6 : i32
      %dma_start3A_355 = arith.constant 0 : i32
      %dma_start3A_356 = arith.constant 0 : i32
      %dma_start3A_357 = tpu.memref_slice %arg7[%dma_start3A_354, %dma_start3A_355, %dma_start3A_356] : memref<8x128x16xf32, #tpu.memory_space<vmem>> -> memref<1x128x16xf32, #tpu.memory_space<vmem>>
      %dma_start3A_358 = tpu.memref_squeeze %dma_start3A_357 : memref<1x128x16xf32, #tpu.memory_space<vmem>> -> memref<128x16xf32, #tpu.memory_space<vmem>>
      %dma_start3A_359 = arith.constant 0 : i32
      %dma_start3A_360 = tpu.memref_slice %arg6[%add3A_342, %dma_start3A_359] : memref<80x128xi32, #tpu.memory_space<vmem>> -> memref<1x128xi32, #tpu.memory_space<vmem>>
      %dma_start3A_361 = tpu.memref_squeeze %dma_start3A_360 : memref<1x128xi32, #tpu.memory_space<vmem>> -> memref<128xi32, #tpu.memory_space<vmem>>
      %dma_start3A_362 = arith.constant 0 : i32
      %dma_start3A_363 = arith.constant 0 : i32
      %dma_start3A_364 = tpu.memref_slice %arg9[%dma_start3A_362, %dma_start3A_363] : memref<10240x16xf32, #tpu.memory_space<vmem_shared>> -> memref<10240x16xf32, #tpu.memory_space<vmem_shared>>
      tpu.enqueue_indirect_dma source(%dma_start3A_358 : memref<128x16xf32, #tpu.memory_space<vmem>>) target(%dma_start3A_364 : memref<10240x16xf32, #tpu.memory_space<vmem_shared>>) offsets(%dma_start3A_361 : memref<128xi32, #tpu.memory_space<vmem>>) semaphore(%arg25 : memref<!tpu.dma_semaphore, #tpu.memory_space<semaphore_mem>>) {add = true}
      %add3A_365 = arith.constant 4 : i32
      %add3A_366 = arith.addi %add3A_342, %add3A_365 : i32
      %lt3A_367 = arith.constant 80 : i32
      %lt3A_368 = arith.cmpi slt, %add3A_366, %lt3A_367 : i32
      %convert_element_type3A_369 = arith.extui %lt3A_368 : i1 to i32
      %cond3A_370 = arith.constant 0 : i32
      %cond3A_371 = arith.cmpi ne, %convert_element_type3A_369, %cond3A_370 : i32
      scf.if %cond3A_371 {
        %ge3A = arith.constant 8 : i32
        %ge3A_403 = arith.cmpi sge, %add3A_366, %ge3A : i32
        %convert_element_type3A_404 = arith.extui %ge3A_403 : i1 to i32
        %cond3A_405 = arith.constant 0 : i32
        %cond3A_406 = arith.cmpi ne, %convert_element_type3A_404, %cond3A_405 : i32
        scf.if %cond3A_406 {
          %sub3A = arith.constant 8 : i32
          %sub3A_418 = arith.subi %add3A_366, %sub3A : i32
          %dma_wait3A_419 = arith.constant 2 : i32
          %dma_wait3A_420 = arith.constant 0 : i32
          %dma_wait3A_421 = arith.constant 0 : i32
          %dma_wait3A_422 = tpu.memref_slice %arg7[%dma_wait3A_419, %dma_wait3A_420, %dma_wait3A_421] : memref<8x128x16xf32, #tpu.memory_space<vmem>> -> memref<1x128x16xf32, #tpu.memory_space<vmem>>
          %dma_wait3A_423 = tpu.memref_squeeze %dma_wait3A_422 : memref<1x128x16xf32, #tpu.memory_space<vmem>> -> memref<128x16xf32, #tpu.memory_space<vmem>>
          %dma_wait3A_424 = arith.constant 0 : i32
          %dma_wait3A_425 = tpu.memref_slice %arg6[%sub3A_418, %dma_wait3A_424] : memref<80x128xi32, #tpu.memory_space<vmem>> -> memref<1x128xi32, #tpu.memory_space<vmem>>
          %dma_wait3A_426 = tpu.memref_squeeze %dma_wait3A_425 : memref<1x128xi32, #tpu.memory_space<vmem>> -> memref<128xi32, #tpu.memory_space<vmem>>
          %dma_wait3A_427 = arith.constant 0 : i32
          %dma_wait3A_428 = arith.constant 0 : i32
          %dma_wait3A_429 = tpu.memref_slice %arg9[%dma_wait3A_427, %dma_wait3A_428] : memref<10240x16xf32, #tpu.memory_space<vmem_shared>> -> memref<10240x16xf32, #tpu.memory_space<vmem_shared>>
          tpu.wait_indirect_dma semaphore(%arg21 : memref<!tpu.dma_semaphore, #tpu.memory_space<semaphore_mem>>) src(%dma_wait3A_423 : memref<128x16xf32, #tpu.memory_space<vmem>>) dst(%dma_wait3A_429 : memref<10240x16xf32, #tpu.memory_space<vmem_shared>>)
        } else {
        }
        %dma_start3A_407 = arith.constant 2 : i32
        %dma_start3A_408 = arith.constant 0 : i32
        %dma_start3A_409 = arith.constant 0 : i32
        %dma_start3A_410 = tpu.memref_slice %arg7[%dma_start3A_407, %dma_start3A_408, %dma_start3A_409] : memref<8x128x16xf32, #tpu.memory_space<vmem>> -> memref<1x128x16xf32, #tpu.memory_space<vmem>>
        %dma_start3A_411 = tpu.memref_squeeze %dma_start3A_410 : memref<1x128x16xf32, #tpu.memory_space<vmem>> -> memref<128x16xf32, #tpu.memory_space<vmem>>
        %dma_start3A_412 = arith.constant 0 : i32
        %dma_start3A_413 = tpu.memref_slice %arg5[%add3A_366, %dma_start3A_412] : memref<80x128xi32, #tpu.memory_space<vmem>> -> memref<1x128xi32, #tpu.memory_space<vmem>>
        %dma_start3A_414 = tpu.memref_squeeze %dma_start3A_413 : memref<1x128xi32, #tpu.memory_space<vmem>> -> memref<128xi32, #tpu.memory_space<vmem>>
        %dma_start3A_415 = arith.constant 0 : i32
        %dma_start3A_416 = arith.constant 0 : i32
        %dma_start3A_417 = tpu.memref_slice %arg10[%dma_start3A_415, %dma_start3A_416] : memref<10240x16xf32, #tpu.memory_space<vmem_shared>> -> memref<10240x16xf32, #tpu.memory_space<vmem_shared>>
        tpu.enqueue_indirect_dma source(%dma_start3A_417 : memref<10240x16xf32, #tpu.memory_space<vmem_shared>>) target(%dma_start3A_411 : memref<128x16xf32, #tpu.memory_space<vmem>>) offsets(%dma_start3A_414 : memref<128xi32, #tpu.memory_space<vmem>>) semaphore(%arg13 : memref<!tpu.dma_semaphore, #tpu.memory_space<semaphore_mem>>)
      } else {
      }
      %add3A_372 = arith.constant 7 : i32
      %add3A_373 = arith.addi %mul3A_155, %add3A_372 : i32
      %dma_wait3A_374 = arith.constant 7 : i32
      %dma_wait3A_375 = arith.constant 0 : i32
      %dma_wait3A_376 = arith.constant 0 : i32
      %dma_wait3A_377 = tpu.memref_slice %arg7[%dma_wait3A_374, %dma_wait3A_375, %dma_wait3A_376] : memref<8x128x16xf32, #tpu.memory_space<vmem>> -> memref<1x128x16xf32, #tpu.memory_space<vmem>>
      %dma_wait3A_378 = tpu.memref_squeeze %dma_wait3A_377 : memref<1x128x16xf32, #tpu.memory_space<vmem>> -> memref<128x16xf32, #tpu.memory_space<vmem>>
      %dma_wait3A_379 = arith.constant 0 : i32
      %dma_wait3A_380 = tpu.memref_slice %arg5[%add3A_373, %dma_wait3A_379] : memref<80x128xi32, #tpu.memory_space<vmem>> -> memref<1x128xi32, #tpu.memory_space<vmem>>
      %dma_wait3A_381 = tpu.memref_squeeze %dma_wait3A_380 : memref<1x128xi32, #tpu.memory_space<vmem>> -> memref<128xi32, #tpu.memory_space<vmem>>
      %dma_wait3A_382 = arith.constant 0 : i32
      %dma_wait3A_383 = arith.constant 0 : i32
      %dma_wait3A_384 = tpu.memref_slice %arg10[%dma_wait3A_382, %dma_wait3A_383] : memref<10240x16xf32, #tpu.memory_space<vmem_shared>> -> memref<10240x16xf32, #tpu.memory_space<vmem_shared>>
      tpu.wait_indirect_dma semaphore(%arg18 : memref<!tpu.dma_semaphore, #tpu.memory_space<semaphore_mem>>) src(%dma_wait3A_384 : memref<10240x16xf32, #tpu.memory_space<vmem_shared>>) dst(%dma_wait3A_378 : memref<128x16xf32, #tpu.memory_space<vmem>>)
      %dma_start3A_385 = arith.constant 7 : i32
      %dma_start3A_386 = arith.constant 0 : i32
      %dma_start3A_387 = arith.constant 0 : i32
      %dma_start3A_388 = tpu.memref_slice %arg7[%dma_start3A_385, %dma_start3A_386, %dma_start3A_387] : memref<8x128x16xf32, #tpu.memory_space<vmem>> -> memref<1x128x16xf32, #tpu.memory_space<vmem>>
      %dma_start3A_389 = tpu.memref_squeeze %dma_start3A_388 : memref<1x128x16xf32, #tpu.memory_space<vmem>> -> memref<128x16xf32, #tpu.memory_space<vmem>>
      %dma_start3A_390 = arith.constant 0 : i32
      %dma_start3A_391 = tpu.memref_slice %arg6[%add3A_373, %dma_start3A_390] : memref<80x128xi32, #tpu.memory_space<vmem>> -> memref<1x128xi32, #tpu.memory_space<vmem>>
      %dma_start3A_392 = tpu.memref_squeeze %dma_start3A_391 : memref<1x128xi32, #tpu.memory_space<vmem>> -> memref<128xi32, #tpu.memory_space<vmem>>
      %dma_start3A_393 = arith.constant 0 : i32
      %dma_start3A_394 = arith.constant 0 : i32
      %dma_start3A_395 = tpu.memref_slice %arg9[%dma_start3A_393, %dma_start3A_394] : memref<10240x16xf32, #tpu.memory_space<vmem_shared>> -> memref<10240x16xf32, #tpu.memory_space<vmem_shared>>
      tpu.enqueue_indirect_dma source(%dma_start3A_389 : memref<128x16xf32, #tpu.memory_space<vmem>>) target(%dma_start3A_395 : memref<10240x16xf32, #tpu.memory_space<vmem_shared>>) offsets(%dma_start3A_392 : memref<128xi32, #tpu.memory_space<vmem>>) semaphore(%arg26 : memref<!tpu.dma_semaphore, #tpu.memory_space<semaphore_mem>>) {add = true}
      %add3A_396 = arith.constant 4 : i32
      %add3A_397 = arith.addi %add3A_373, %add3A_396 : i32
      %lt3A_398 = arith.constant 80 : i32
      %lt3A_399 = arith.cmpi slt, %add3A_397, %lt3A_398 : i32
      %convert_element_type3A_400 = arith.extui %lt3A_399 : i1 to i32
      %cond3A_401 = arith.constant 0 : i32
      %cond3A_402 = arith.cmpi ne, %convert_element_type3A_400, %cond3A_401 : i32
      scf.if %cond3A_402 {
        %ge3A = arith.constant 8 : i32
        %ge3A_403 = arith.cmpi sge, %add3A_397, %ge3A : i32
        %convert_element_type3A_404 = arith.extui %ge3A_403 : i1 to i32
        %cond3A_405 = arith.constant 0 : i32
        %cond3A_406 = arith.cmpi ne, %convert_element_type3A_404, %cond3A_405 : i32
        scf.if %cond3A_406 {
          %sub3A = arith.constant 8 : i32
          %sub3A_418 = arith.subi %add3A_397, %sub3A : i32
          %dma_wait3A_419 = arith.constant 3 : i32
          %dma_wait3A_420 = arith.constant 0 : i32
          %dma_wait3A_421 = arith.constant 0 : i32
          %dma_wait3A_422 = tpu.memref_slice %arg7[%dma_wait3A_419, %dma_wait3A_420, %dma_wait3A_421] : memref<8x128x16xf32, #tpu.memory_space<vmem>> -> memref<1x128x16xf32, #tpu.memory_space<vmem>>
          %dma_wait3A_423 = tpu.memref_squeeze %dma_wait3A_422 : memref<1x128x16xf32, #tpu.memory_space<vmem>> -> memref<128x16xf32, #tpu.memory_space<vmem>>
          %dma_wait3A_424 = arith.constant 0 : i32
          %dma_wait3A_425 = tpu.memref_slice %arg6[%sub3A_418, %dma_wait3A_424] : memref<80x128xi32, #tpu.memory_space<vmem>> -> memref<1x128xi32, #tpu.memory_space<vmem>>
          %dma_wait3A_426 = tpu.memref_squeeze %dma_wait3A_425 : memref<1x128xi32, #tpu.memory_space<vmem>> -> memref<128xi32, #tpu.memory_space<vmem>>
          %dma_wait3A_427 = arith.constant 0 : i32
          %dma_wait3A_428 = arith.constant 0 : i32
          %dma_wait3A_429 = tpu.memref_slice %arg9[%dma_wait3A_427, %dma_wait3A_428] : memref<10240x16xf32, #tpu.memory_space<vmem_shared>> -> memref<10240x16xf32, #tpu.memory_space<vmem_shared>>
          tpu.wait_indirect_dma semaphore(%arg22 : memref<!tpu.dma_semaphore, #tpu.memory_space<semaphore_mem>>) src(%dma_wait3A_423 : memref<128x16xf32, #tpu.memory_space<vmem>>) dst(%dma_wait3A_429 : memref<10240x16xf32, #tpu.memory_space<vmem_shared>>)
        } else {
        }
        %dma_start3A_407 = arith.constant 3 : i32
        %dma_start3A_408 = arith.constant 0 : i32
        %dma_start3A_409 = arith.constant 0 : i32
        %dma_start3A_410 = tpu.memref_slice %arg7[%dma_start3A_407, %dma_start3A_408, %dma_start3A_409] : memref<8x128x16xf32, #tpu.memory_space<vmem>> -> memref<1x128x16xf32, #tpu.memory_space<vmem>>
        %dma_start3A_411 = tpu.memref_squeeze %dma_start3A_410 : memref<1x128x16xf32, #tpu.memory_space<vmem>> -> memref<128x16xf32, #tpu.memory_space<vmem>>
        %dma_start3A_412 = arith.constant 0 : i32
        %dma_start3A_413 = tpu.memref_slice %arg5[%add3A_397, %dma_start3A_412] : memref<80x128xi32, #tpu.memory_space<vmem>> -> memref<1x128xi32, #tpu.memory_space<vmem>>
        %dma_start3A_414 = tpu.memref_squeeze %dma_start3A_413 : memref<1x128xi32, #tpu.memory_space<vmem>> -> memref<128xi32, #tpu.memory_space<vmem>>
        %dma_start3A_415 = arith.constant 0 : i32
        %dma_start3A_416 = arith.constant 0 : i32
        %dma_start3A_417 = tpu.memref_slice %arg10[%dma_start3A_415, %dma_start3A_416] : memref<10240x16xf32, #tpu.memory_space<vmem_shared>> -> memref<10240x16xf32, #tpu.memory_space<vmem_shared>>
        tpu.enqueue_indirect_dma source(%dma_start3A_417 : memref<10240x16xf32, #tpu.memory_space<vmem_shared>>) target(%dma_start3A_411 : memref<128x16xf32, #tpu.memory_space<vmem>>) offsets(%dma_start3A_414 : memref<128xi32, #tpu.memory_space<vmem>>) semaphore(%arg14 : memref<!tpu.dma_semaphore, #tpu.memory_space<semaphore_mem>>)
      } else {
      }
    }
    %scan3A_103 = arith.constant 10 : i32
    %dma_wait3A_104 = arith.constant 4 : i32
    %dma_wait3A_105 = arith.constant 76 : i32
    %dma_wait3A_106 = arith.constant 0 : i32
    %dma_wait3A_107 = arith.constant 0 : i32
    %dma_wait3A_108 = tpu.memref_slice %arg7[%dma_wait3A_104, %dma_wait3A_106, %dma_wait3A_107] : memref<8x128x16xf32, #tpu.memory_space<vmem>> -> memref<1x128x16xf32, #tpu.memory_space<vmem>>
    %dma_wait3A_109 = tpu.memref_squeeze %dma_wait3A_108 : memref<1x128x16xf32, #tpu.memory_space<vmem>> -> memref<128x16xf32, #tpu.memory_space<vmem>>
    %dma_wait3A_110 = arith.constant 0 : i32
    %dma_wait3A_111 = tpu.memref_slice %arg6[%dma_wait3A_105, %dma_wait3A_110] : memref<80x128xi32, #tpu.memory_space<vmem>> -> memref<1x128xi32, #tpu.memory_space<vmem>>
    %dma_wait3A_112 = tpu.memref_squeeze %dma_wait3A_111 : memref<1x128xi32, #tpu.memory_space<vmem>> -> memref<128xi32, #tpu.memory_space<vmem>>
    %dma_wait3A_113 = arith.constant 0 : i32
    %dma_wait3A_114 = arith.constant 0 : i32
    %dma_wait3A_115 = tpu.memref_slice %arg9[%dma_wait3A_113, %dma_wait3A_114] : memref<10240x16xf32, #tpu.memory_space<vmem_shared>> -> memref<10240x16xf32, #tpu.memory_space<vmem_shared>>
    tpu.wait_indirect_dma semaphore(%arg23 : memref<!tpu.dma_semaphore, #tpu.memory_space<semaphore_mem>>) src(%dma_wait3A_109 : memref<128x16xf32, #tpu.memory_space<vmem>>) dst(%dma_wait3A_115 : memref<10240x16xf32, #tpu.memory_space<vmem_shared>>)
    %dma_wait3A_116 = arith.constant 5 : i32
    %dma_wait3A_117 = arith.constant 77 : i32
    %dma_wait3A_118 = arith.constant 0 : i32
    %dma_wait3A_119 = arith.constant 0 : i32
    %dma_wait3A_120 = tpu.memref_slice %arg7[%dma_wait3A_116, %dma_wait3A_118, %dma_wait3A_119] : memref<8x128x16xf32, #tpu.memory_space<vmem>> -> memref<1x128x16xf32, #tpu.memory_space<vmem>>
    %dma_wait3A_121 = tpu.memref_squeeze %dma_wait3A_120 : memref<1x128x16xf32, #tpu.memory_space<vmem>> -> memref<128x16xf32, #tpu.memory_space<vmem>>
    %dma_wait3A_122 = arith.constant 0 : i32
    %dma_wait3A_123 = tpu.memref_slice %arg6[%dma_wait3A_117, %dma_wait3A_122] : memref<80x128xi32, #tpu.memory_space<vmem>> -> memref<1x128xi32, #tpu.memory_space<vmem>>
    %dma_wait3A_124 = tpu.memref_squeeze %dma_wait3A_123 : memref<1x128xi32, #tpu.memory_space<vmem>> -> memref<128xi32, #tpu.memory_space<vmem>>
    %dma_wait3A_125 = arith.constant 0 : i32
    %dma_wait3A_126 = arith.constant 0 : i32
    %dma_wait3A_127 = tpu.memref_slice %arg9[%dma_wait3A_125, %dma_wait3A_126] : memref<10240x16xf32, #tpu.memory_space<vmem_shared>> -> memref<10240x16xf32, #tpu.memory_space<vmem_shared>>
    tpu.wait_indirect_dma semaphore(%arg24 : memref<!tpu.dma_semaphore, #tpu.memory_space<semaphore_mem>>) src(%dma_wait3A_121 : memref<128x16xf32, #tpu.memory_space<vmem>>) dst(%dma_wait3A_127 : memref<10240x16xf32, #tpu.memory_space<vmem_shared>>)
    %dma_wait3A_128 = arith.constant 6 : i32
    %dma_wait3A_129 = arith.constant 78 : i32
    %dma_wait3A_130 = arith.constant 0 : i32
    %dma_wait3A_131 = arith.constant 0 : i32
    %dma_wait3A_132 = tpu.memref_slice %arg7[%dma_wait3A_128, %dma_wait3A_130, %dma_wait3A_131] : memref<8x128x16xf32, #tpu.memory_space<vmem>> -> memref<1x128x16xf32, #tpu.memory_space<vmem>>
    %dma_wait3A_133 = tpu.memref_squeeze %dma_wait3A_132 : memref<1x128x16xf32, #tpu.memory_space<vmem>> -> memref<128x16xf32, #tpu.memory_space<vmem>>
    %dma_wait3A_134 = arith.constant 0 : i32
    %dma_wait3A_135 = tpu.memref_slice %arg6[%dma_wait3A_129, %dma_wait3A_134] : memref<80x128xi32, #tpu.memory_space<vmem>> -> memref<1x128xi32, #tpu.memory_space<vmem>>
    %dma_wait3A_136 = tpu.memref_squeeze %dma_wait3A_135 : memref<1x128xi32, #tpu.memory_space<vmem>> -> memref<128xi32, #tpu.memory_space<vmem>>
    %dma_wait3A_137 = arith.constant 0 : i32
    %dma_wait3A_138 = arith.constant 0 : i32
    %dma_wait3A_139 = tpu.memref_slice %arg9[%dma_wait3A_137, %dma_wait3A_138] : memref<10240x16xf32, #tpu.memory_space<vmem_shared>> -> memref<10240x16xf32, #tpu.memory_space<vmem_shared>>
    tpu.wait_indirect_dma semaphore(%arg25 : memref<!tpu.dma_semaphore, #tpu.memory_space<semaphore_mem>>) src(%dma_wait3A_133 : memref<128x16xf32, #tpu.memory_space<vmem>>) dst(%dma_wait3A_139 : memref<10240x16xf32, #tpu.memory_space<vmem_shared>>)
    %dma_wait3A_140 = arith.constant 7 : i32
    %dma_wait3A_141 = arith.constant 79 : i32
    %dma_wait3A_142 = arith.constant 0 : i32
    %dma_wait3A_143 = arith.constant 0 : i32
    %dma_wait3A_144 = tpu.memref_slice %arg7[%dma_wait3A_140, %dma_wait3A_142, %dma_wait3A_143] : memref<8x128x16xf32, #tpu.memory_space<vmem>> -> memref<1x128x16xf32, #tpu.memory_space<vmem>>
    %dma_wait3A_145 = tpu.memref_squeeze %dma_wait3A_144 : memref<1x128x16xf32, #tpu.memory_space<vmem>> -> memref<128x16xf32, #tpu.memory_space<vmem>>
    %dma_wait3A_146 = arith.constant 0 : i32
    %dma_wait3A_147 = tpu.memref_slice %arg6[%dma_wait3A_141, %dma_wait3A_146] : memref<80x128xi32, #tpu.memory_space<vmem>> -> memref<1x128xi32, #tpu.memory_space<vmem>>
    %dma_wait3A_148 = tpu.memref_squeeze %dma_wait3A_147 : memref<1x128xi32, #tpu.memory_space<vmem>> -> memref<128xi32, #tpu.memory_space<vmem>>
    %dma_wait3A_149 = arith.constant 0 : i32
    %dma_wait3A_150 = arith.constant 0 : i32
    %dma_wait3A_151 = tpu.memref_slice %arg9[%dma_wait3A_149, %dma_wait3A_150] : memref<10240x16xf32, #tpu.memory_space<vmem_shared>> -> memref<10240x16xf32, #tpu.memory_space<vmem_shared>>
    tpu.wait_indirect_dma semaphore(%arg26 : memref<!tpu.dma_semaphore, #tpu.memory_space<semaphore_mem>>) src(%dma_wait3A_145 : memref<128x16xf32, #tpu.memory_space<vmem>>) dst(%dma_wait3A_151 : memref<10240x16xf32, #tpu.memory_space<vmem_shared>>)
    %barrier3A_152 = arith.constant 0 : index
    tpu.barrier barrier_id(%barrier3A_152)
    "tpu.region"() ({
      %run_scoped3A = tpu.sem_alloc : memref<!tpu.dma_semaphore, #tpu.memory_space<semaphore_mem>>
      %dma_start3A_153 = arith.constant 0 : i32
      %dma_start3A_154 = tpu.memref_slice %arg9[%mul3A_2, %dma_start3A_153] : memref<10240x16xf32, #tpu.memory_space<vmem_shared>> -> memref<640x16xf32, #tpu.memory_space<vmem_shared>>
      %dma_start3A_155 = arith.constant 0 : i32
      %dma_start3A_156 = tpu.memref_slice %arg9[%mul3A_2, %dma_start3A_155] : memref<10240x16xf32, #tpu.memory_space<vmem_shared>> -> memref<640x16xf32, #tpu.memory_space<vmem_shared>>
      tpu.enqueue_dma source(%dma_start3A_156 : memref<640x16xf32, #tpu.memory_space<vmem_shared>>) target(%arg8 : memref<640x16xf32, #tpu.memory_space<vmem>>) target_semaphore(%run_scoped3A : memref<!tpu.dma_semaphore, #tpu.memory_space<semaphore_mem>>)
      %dma_wait3A_157 = arith.constant 0 : i32
      %dma_wait3A_158 = tpu.memref_slice %arg9[%mul3A_2, %dma_wait3A_157] : memref<10240x16xf32, #tpu.memory_space<vmem_shared>> -> memref<640x16xf32, #tpu.memory_space<vmem_shared>>
      %dma_wait3A_159 = arith.constant 0 : i32
      %dma_wait3A_160 = tpu.memref_slice %arg9[%mul3A_2, %dma_wait3A_159] : memref<10240x16xf32, #tpu.memory_space<vmem_shared>> -> memref<640x16xf32, #tpu.memory_space<vmem_shared>>
      tpu.wait_dma2 semaphore(%run_scoped3A : memref<!tpu.dma_semaphore, #tpu.memory_space<semaphore_mem>>) src(%dma_wait3A_160 : memref<640x16xf32, #tpu.memory_space<vmem_shared>>) dst(%arg8 : memref<640x16xf32, #tpu.memory_space<vmem>>)
      tpu.yield
    }) : () -> ()
    "tpu.region"() ({
      %run_scoped3A = tpu.sem_alloc : memref<!tpu.dma_semaphore, #tpu.memory_space<semaphore_mem>>
      %dma_start3A_153 = arith.constant 0 : i32
      %dma_start3A_154 = tpu.memref_slice %arg4[%arg0, %mul3A_2, %dma_start3A_153] : memref<2x10240x16xf32, #tpu.memory_space<hbm>> -> memref<1x640x16xf32, #tpu.memory_space<hbm>>
      %dma_start3A_155 = tpu.memref_squeeze %dma_start3A_154 : memref<1x640x16xf32, #tpu.memory_space<hbm>> -> memref<640x16xf32, #tpu.memory_space<hbm>>
      %dma_start3A_156 = arith.constant 0 : i32
      %dma_start3A_157 = tpu.memref_slice %arg4[%arg0, %mul3A_2, %dma_start3A_156] : memref<2x10240x16xf32, #tpu.memory_space<hbm>> -> memref<1x640x16xf32, #tpu.memory_space<hbm>>
      %dma_start3A_158 = tpu.memref_squeeze %dma_start3A_157 : memref<1x640x16xf32, #tpu.memory_space<hbm>> -> memref<640x16xf32, #tpu.memory_space<hbm>>
      tpu.enqueue_dma source(%arg8 : memref<640x16xf32, #tpu.memory_space<vmem>>) target(%dma_start3A_158 : memref<640x16xf32, #tpu.memory_space<hbm>>) target_semaphore(%run_scoped3A : memref<!tpu.dma_semaphore, #tpu.memory_space<semaphore_mem>>)
      %dma_wait3A_159 = arith.constant 0 : i32
      %dma_wait3A_160 = tpu.memref_slice %arg4[%arg0, %mul3A_2, %dma_wait3A_159] : memref<2x10240x16xf32, #tpu.memory_space<hbm>> -> memref<1x640x16xf32, #tpu.memory_space<hbm>>
      %dma_wait3A_161 = tpu.memref_squeeze %dma_wait3A_160 : memref<1x640x16xf32, #tpu.memory_space<hbm>> -> memref<640x16xf32, #tpu.memory_space<hbm>>
      %dma_wait3A_162 = arith.constant 0 : i32
      %dma_wait3A_163 = tpu.memref_slice %arg4[%arg0, %mul3A_2, %dma_wait3A_162] : memref<2x10240x16xf32, #tpu.memory_space<hbm>> -> memref<1x640x16xf32, #tpu.memory_space<hbm>>
      %dma_wait3A_164 = tpu.memref_squeeze %dma_wait3A_163 : memref<1x640x16xf32, #tpu.memory_space<hbm>> -> memref<640x16xf32, #tpu.memory_space<hbm>>
      tpu.wait_dma2 semaphore(%run_scoped3A : memref<!tpu.dma_semaphore, #tpu.memory_space<semaphore_mem>>) src(%arg8 : memref<640x16xf32, #tpu.memory_space<vmem>>) dst(%dma_wait3A_164 : memref<640x16xf32, #tpu.memory_space<hbm>>)
      tpu.yield
    }) : () -> ()
    return
  }
}

module attributes {stable_mosaic.version = 14 : i64} {
  func.func @body(%arg0: memref<10000x128xf32, #tpu.memory_space<vmem>>, %arg1: memref<128x16xf32, #tpu.memory_space<vmem>>, %arg2: memref<1280x128xf32, #tpu.memory_space<vmem>>) attributes {dimension_semantics = [], scalar_prefetch = 0 : i64, scratch_operands = 0 : i64, tpu.core_type = #tpu.core_type<tc>} {
    %get3A = arith.constant 0 : index
    %get3A_0 = arith.constant 0 : index
    %get3A_1 = vector.load %arg1[%get3A, %get3A_0] : memref<128x16xf32, #tpu.memory_space<vmem>>, vector<128x16xf32>
    %get3A_2 = arith.constant 0 : index
    %get3A_3 = arith.constant 0 : index
    %get3A_4 = vector.load %arg0[%get3A_2, %get3A_3] : memref<10000x128xf32, #tpu.memory_space<vmem>>, vector<1280x128xf32>
    %dot_general3A = arith.constant dense<0.000000e+00> : vector<1280x16xf32>
    %dot_general3A_5 = tpu.matmul %get3A_4, %get3A_1, %dot_general3A {dimension_numbers = #tpu.dot_dimension_numbers<[1], [0], [0], [1], [0, 0, 1, 1], [], []>, transpose_lhs_hint = false} : vector<1280x128xf32>, vector<128x16xf32>, vector<1280x16xf32> -> vector<1280x16xf32>
    %get3A_6 = arith.constant 1280 : index
    %get3A_7 = arith.constant 0 : index
    %get3A_8 = vector.load %arg0[%get3A_6, %get3A_7] : memref<10000x128xf32, #tpu.memory_space<vmem>>, vector<1280x128xf32>
    %dot_general3A_9 = arith.constant dense<0.000000e+00> : vector<1280x16xf32>
    %dot_general3A_10 = tpu.matmul %get3A_8, %get3A_1, %dot_general3A_9 {dimension_numbers = #tpu.dot_dimension_numbers<[1], [0], [0], [1], [0, 0, 1, 1], [], []>, transpose_lhs_hint = false} : vector<1280x128xf32>, vector<128x16xf32>, vector<1280x16xf32> -> vector<1280x16xf32>
    %get3A_11 = arith.constant 2560 : index
    %get3A_12 = arith.constant 0 : index
    %get3A_13 = vector.load %arg0[%get3A_11, %get3A_12] : memref<10000x128xf32, #tpu.memory_space<vmem>>, vector<1280x128xf32>
    %dot_general3A_14 = arith.constant dense<0.000000e+00> : vector<1280x16xf32>
    %dot_general3A_15 = tpu.matmul %get3A_13, %get3A_1, %dot_general3A_14 {dimension_numbers = #tpu.dot_dimension_numbers<[1], [0], [0], [1], [0, 0, 1, 1], [], []>, transpose_lhs_hint = false} : vector<1280x128xf32>, vector<128x16xf32>, vector<1280x16xf32> -> vector<1280x16xf32>
    %get3A_16 = arith.constant 3840 : index
    %get3A_17 = arith.constant 0 : index
    %get3A_18 = vector.load %arg0[%get3A_16, %get3A_17] : memref<10000x128xf32, #tpu.memory_space<vmem>>, vector<1280x128xf32>
    %dot_general3A_19 = arith.constant dense<0.000000e+00> : vector<1280x16xf32>
    %dot_general3A_20 = tpu.matmul %get3A_18, %get3A_1, %dot_general3A_19 {dimension_numbers = #tpu.dot_dimension_numbers<[1], [0], [0], [1], [0, 0, 1, 1], [], []>, transpose_lhs_hint = false} : vector<1280x128xf32>, vector<128x16xf32>, vector<1280x16xf32> -> vector<1280x16xf32>
    %get3A_21 = arith.constant 5120 : index
    %get3A_22 = arith.constant 0 : index
    %get3A_23 = vector.load %arg0[%get3A_21, %get3A_22] : memref<10000x128xf32, #tpu.memory_space<vmem>>, vector<1280x128xf32>
    %dot_general3A_24 = arith.constant dense<0.000000e+00> : vector<1280x16xf32>
    %dot_general3A_25 = tpu.matmul %get3A_23, %get3A_1, %dot_general3A_24 {dimension_numbers = #tpu.dot_dimension_numbers<[1], [0], [0], [1], [0, 0, 1, 1], [], []>, transpose_lhs_hint = false} : vector<1280x128xf32>, vector<128x16xf32>, vector<1280x16xf32> -> vector<1280x16xf32>
    %get3A_26 = arith.constant 6400 : index
    %get3A_27 = arith.constant 0 : index
    %get3A_28 = vector.load %arg0[%get3A_26, %get3A_27] : memref<10000x128xf32, #tpu.memory_space<vmem>>, vector<1280x128xf32>
    %dot_general3A_29 = arith.constant dense<0.000000e+00> : vector<1280x16xf32>
    %dot_general3A_30 = tpu.matmul %get3A_28, %get3A_1, %dot_general3A_29 {dimension_numbers = #tpu.dot_dimension_numbers<[1], [0], [0], [1], [0, 0, 1, 1], [], []>, transpose_lhs_hint = false} : vector<1280x128xf32>, vector<128x16xf32>, vector<1280x16xf32> -> vector<1280x16xf32>
    %get3A_31 = arith.constant 7680 : index
    %get3A_32 = arith.constant 0 : index
    %get3A_33 = vector.load %arg0[%get3A_31, %get3A_32] : memref<10000x128xf32, #tpu.memory_space<vmem>>, vector<1280x128xf32>
    %dot_general3A_34 = arith.constant dense<0.000000e+00> : vector<1280x16xf32>
    %dot_general3A_35 = tpu.matmul %get3A_33, %get3A_1, %dot_general3A_34 {dimension_numbers = #tpu.dot_dimension_numbers<[1], [0], [0], [1], [0, 0, 1, 1], [], []>, transpose_lhs_hint = false} : vector<1280x128xf32>, vector<128x16xf32>, vector<1280x16xf32> -> vector<1280x16xf32>
    %get3A_36 = arith.constant 8960 : index
    %get3A_37 = arith.constant 0 : index
    %get3A_38 = vector.load %arg0[%get3A_36, %get3A_37] : memref<10000x128xf32, #tpu.memory_space<vmem>>, vector<1040x128xf32>
    %dot_general3A_39 = arith.constant dense<0.000000e+00> : vector<1040x16xf32>
    %dot_general3A_40 = tpu.matmul %get3A_38, %get3A_1, %dot_general3A_39 {dimension_numbers = #tpu.dot_dimension_numbers<[1], [0], [0], [1], [0, 0, 1, 1], [], []>, transpose_lhs_hint = false} : vector<1040x128xf32>, vector<128x16xf32>, vector<1040x16xf32> -> vector<1040x16xf32>
    %broadcast_in_dim3A = arith.constant 0.000000e+00 : f32
    %broadcast_in_dim3A_41 = vector.broadcast %broadcast_in_dim3A : f32 to vector<240x16xf32>
    %concatenate3A = tpu.concatenate %dot_general3A_40, %broadcast_in_dim3A_41 in 0 : vector<1040x16xf32>, vector<240x16xf32> -> vector<1280x16xf32>
    %concatenate3A_42 = tpu.concatenate %dot_general3A_5, %dot_general3A_10, %dot_general3A_15, %dot_general3A_20, %dot_general3A_25, %dot_general3A_30, %dot_general3A_35, %concatenate3A in 1 : vector<1280x16xf32>, vector<1280x16xf32>, vector<1280x16xf32>, vector<1280x16xf32>, vector<1280x16xf32>, vector<1280x16xf32>, vector<1280x16xf32>, vector<1280x16xf32> -> vector<1280x128xf32>
    %swap3A = arith.constant 0 : index
    %swap3A_43 = arith.constant 0 : index
    %swap3A_44 = vector.load %arg2[%swap3A, %swap3A_43] : memref<1280x128xf32, #tpu.memory_space<vmem>>, vector<1280x128xf32>
    tpu.vector_store %arg2[%swap3A, %swap3A_43], %concatenate3A_42 {strides = array<i32>} : memref<1280x128xf32, #tpu.memory_space<vmem>>, vector<1280x128xf32>,
    return
  }
}

module attributes {stable_mosaic.version = 14 : i64} {
  func.func @body(%arg0: memref<1280x128xf32, #tpu.memory_space<vmem>>, %arg1: memref<1280x128xf32, #tpu.memory_space<vmem>>, %arg2: memref<1280x128xf32, #tpu.memory_space<vmem>>) attributes {dimension_semantics = [], scalar_prefetch = 0 : i64, scratch_operands = 0 : i64, tpu.core_type = #tpu.core_type<tc>} {
    %get3A = arith.constant 0 : index
    %get3A_0 = arith.constant 0 : index
    %get3A_1 = vector.load %arg0[%get3A, %get3A_0] : memref<1280x128xf32, #tpu.memory_space<vmem>>, vector<1280x128xf32>
    %get3A_2 = arith.constant 0 : index
    %get3A_3 = arith.constant 0 : index
    %get3A_4 = vector.load %arg1[%get3A_2, %get3A_3] : memref<1280x128xf32, #tpu.memory_space<vmem>>, vector<1280x128xf32>
    %mul3A = arith.mulf %get3A_1, %get3A_4 : vector<1280x128xf32>
    %swap3A = arith.constant 0 : index
    %swap3A_5 = arith.constant 0 : index
    %swap3A_6 = vector.load %arg2[%swap3A, %swap3A_5] : memref<1280x128xf32, #tpu.memory_space<vmem>>, vector<1280x128xf32>
    tpu.vector_store %arg2[%swap3A, %swap3A_5], %mul3A {strides = array<i32>} : memref<1280x128xf32, #tpu.memory_space<vmem>>, vector<1280x128xf32>,
    return
  }
}

module attributes {stable_mosaic.version = 14 : i64} {
  func.func @body(%arg0: memref<2x1280x128xf32, #tpu.memory_space<vmem>>, %arg1: memref<1280x128xf32, #tpu.memory_space<vmem>>, %arg2: memref<1x128xf32, #tpu.memory_space<vmem>>, %arg3: memref<1280x128xf32, #tpu.memory_space<vmem>>) attributes {dimension_semantics = [], scalar_prefetch = 0 : i64, scratch_operands = 0 : i64, tpu.core_type = #tpu.core_type<tc>} {
    %get3A = arith.constant 0 : index
    %get3A_0 = arith.constant 0 : index
    %get3A_1 = vector.load %arg1[%get3A, %get3A_0] : memref<1280x128xf32, #tpu.memory_space<vmem>>, vector<1280x128xf32>
    %get3A_2 = arith.constant 0 : index
    %get3A_3 = arith.constant 0 : index
    %get3A_4 = arith.constant 0 : index
    %get3A_5 = vector.load %arg0[%get3A_2, %get3A_3, %get3A_4] : memref<2x1280x128xf32, #tpu.memory_space<vmem>>, vector<1x1280x128xf32>
    %get3A_6 = vector.shape_cast %get3A_5 : vector<1x1280x128xf32> to vector<1280x128xf32>
    %get3A_7 = arith.constant 1 : index
    %get3A_8 = arith.constant 0 : index
    %get3A_9 = arith.constant 0 : index
    %get3A_10 = vector.load %arg0[%get3A_7, %get3A_8, %get3A_9] : memref<2x1280x128xf32, #tpu.memory_space<vmem>>, vector<1x1280x128xf32>
    %get3A_11 = vector.shape_cast %get3A_10 : vector<1x1280x128xf32> to vector<1280x128xf32>
    %add3A = arith.addf %get3A_6, %get3A_11 : vector<1280x128xf32>
    %mul3A = arith.mulf %add3A, %get3A_1 : vector<1280x128xf32>
    %get3A_12 = arith.constant 0 : index
    %get3A_13 = arith.constant 0 : index
    %get3A_14 = vector.load %arg2[%get3A_12, %get3A_13] : memref<1x128xf32, #tpu.memory_space<vmem>>, vector<1x128xf32>
    %add3A_15 = vector.broadcast %get3A_14 : vector<1x128xf32> to vector<1280x128xf32>
    %add3A_16 = arith.addf %mul3A, %add3A_15 : vector<1280x128xf32>
    %max3A = arith.constant 0.000000e+00 : f32
    %max3A_17 = vector.broadcast %max3A : f32 to vector<1280x128xf32>
    %max3A_18 = arith.maximumf %add3A_16, %max3A_17 : vector<1280x128xf32>
    %mul3A_19 = arith.mulf %max3A_18, %get3A_1 : vector<1280x128xf32>
    %swap3A = arith.constant 0 : index
    %swap3A_20 = arith.constant 0 : index
    %swap3A_21 = vector.load %arg3[%swap3A, %swap3A_20] : memref<1280x128xf32, #tpu.memory_space<vmem>>, vector<1280x128xf32>
    tpu.vector_store %arg3[%swap3A, %swap3A_20], %mul3A_19 {strides = array<i32>} : memref<1280x128xf32, #tpu.memory_space<vmem>>, vector<1280x128xf32>,
    %broadcast_in_dim3A = arith.constant 0.000000e+00 : f32
    %broadcast_in_dim3A_22 = vector.broadcast %broadcast_in_dim3A : f32 to vector<240x16xf32>
    %swap3A_23 = arith.constant 1040 : index
    %swap3A_24 = arith.constant 112 : index
    %swap3A_25 = vector.load %arg3[%swap3A_23, %swap3A_24] : memref<1280x128xf32, #tpu.memory_space<vmem>>, vector<240x16xf32>
    tpu.vector_store %arg3[%swap3A_23, %swap3A_24], %broadcast_in_dim3A_22 {strides = array<i32>} : memref<1280x128xf32, #tpu.memory_space<vmem>>, vector<240x16xf32>,
    return
  }
}

module attributes {stable_mosaic.version = 14 : i64} {
  func.func @body(%arg0: memref<2x1280x128xf32, #tpu.memory_space<vmem>>, %arg1: memref<1280x128xf32, #tpu.memory_space<vmem>>, %arg2: memref<16x128xf32, #tpu.memory_space<vmem>>, %arg3: memref<1x128xf32, #tpu.memory_space<vmem>>, %arg4: memref<10000x128xf32, #tpu.memory_space<vmem>>) attributes {dimension_semantics = [], scalar_prefetch = 0 : i64, scratch_operands = 0 : i64, tpu.core_type = #tpu.core_type<tc>} {
    %get3A = arith.constant 0 : index
    %get3A_0 = arith.constant 0 : index
    %get3A_1 = arith.constant 0 : index
    %get3A_2 = vector.load %arg0[%get3A, %get3A_0, %get3A_1] : memref<2x1280x128xf32, #tpu.memory_space<vmem>>, vector<1x1280x128xf32>
    %get3A_3 = vector.shape_cast %get3A_2 : vector<1x1280x128xf32> to vector<1280x128xf32>
    %get3A_4 = arith.constant 1 : index
    %get3A_5 = arith.constant 0 : index
    %get3A_6 = arith.constant 0 : index
    %get3A_7 = vector.load %arg0[%get3A_4, %get3A_5, %get3A_6] : memref<2x1280x128xf32, #tpu.memory_space<vmem>>, vector<1x1280x128xf32>
    %get3A_8 = vector.shape_cast %get3A_7 : vector<1x1280x128xf32> to vector<1280x128xf32>
    %add3A = arith.addf %get3A_3, %get3A_8 : vector<1280x128xf32>
    %get3A_9 = arith.constant 0 : index
    %get3A_10 = arith.constant 0 : index
    %get3A_11 = vector.load %arg1[%get3A_9, %get3A_10] : memref<1280x128xf32, #tpu.memory_space<vmem>>, vector<1280x128xf32>
    %mul3A = arith.mulf %add3A, %get3A_11 : vector<1280x128xf32>
    %get3A_12 = arith.constant 0 : index
    %get3A_13 = arith.constant 0 : index
    %get3A_14 = vector.load %arg2[%get3A_12, %get3A_13] : memref<16x128xf32, #tpu.memory_space<vmem>>, vector<16x128xf32>
    %get3A_15 = arith.constant 0 : index
    %get3A_16 = arith.constant 0 : index
    %get3A_17 = vector.load %arg3[%get3A_15, %get3A_16] : memref<1x128xf32, #tpu.memory_space<vmem>>, vector<1x128xf32>
    %slice3A = vector.extract_strided_slice %mul3A {offsets = [0, 0], sizes = [1280, 16], strides = [1, 1]} : vector<1280x128xf32> to vector<1280x16xf32>
    %dot_general3A = arith.constant dense<0.000000e+00> : vector<1280x128xf32>
    %dot_general3A_18 = tpu.matmul %slice3A, %get3A_14, %dot_general3A {dimension_numbers = #tpu.dot_dimension_numbers<[1], [0], [0], [1], [0, 0, 1, 1], [], []>, transpose_lhs_hint = false} : vector<1280x16xf32>, vector<16x128xf32>, vector<1280x128xf32> -> vector<1280x128xf32>
    %add3A_19 = vector.broadcast %get3A_17 : vector<1x128xf32> to vector<1280x128xf32>
    %add3A_20 = arith.addf %dot_general3A_18, %add3A_19 : vector<1280x128xf32>
    %swap3A = arith.constant 0 : index
    %swap3A_21 = arith.constant 0 : index
    %swap3A_22 = vector.load %arg4[%swap3A, %swap3A_21] : memref<10000x128xf32, #tpu.memory_space<vmem>>, vector<1280x128xf32>
    tpu.vector_store %arg4[%swap3A, %swap3A_21], %add3A_20 {strides = array<i32>} : memref<10000x128xf32, #tpu.memory_space<vmem>>, vector<1280x128xf32>,
    %slice3A_23 = vector.extract_strided_slice %mul3A {offsets = [0, 16], sizes = [1280, 16], strides = [1, 1]} : vector<1280x128xf32> to vector<1280x16xf32>
    %dot_general3A_24 = arith.constant dense<0.000000e+00> : vector<1280x128xf32>
    %dot_general3A_25 = tpu.matmul %slice3A_23, %get3A_14, %dot_general3A_24 {dimension_numbers = #tpu.dot_dimension_numbers<[1], [0], [0], [1], [0, 0, 1, 1], [], []>, transpose_lhs_hint = false} : vector<1280x16xf32>, vector<16x128xf32>, vector<1280x128xf32> -> vector<1280x128xf32>
    %add3A_26 = vector.broadcast %get3A_17 : vector<1x128xf32> to vector<1280x128xf32>
    %add3A_27 = arith.addf %dot_general3A_25, %add3A_26 : vector<1280x128xf32>
    %swap3A_28 = arith.constant 1280 : index
    %swap3A_29 = arith.constant 0 : index
    %swap3A_30 = vector.load %arg4[%swap3A_28, %swap3A_29] : memref<10000x128xf32, #tpu.memory_space<vmem>>, vector<1280x128xf32>
    tpu.vector_store %arg4[%swap3A_28, %swap3A_29], %add3A_27 {strides = array<i32>} : memref<10000x128xf32, #tpu.memory_space<vmem>>, vector<1280x128xf32>,
    %slice3A_31 = vector.extract_strided_slice %mul3A {offsets = [0, 32], sizes = [1280, 16], strides = [1, 1]} : vector<1280x128xf32> to vector<1280x16xf32>
    %dot_general3A_32 = arith.constant dense<0.000000e+00> : vector<1280x128xf32>
    %dot_general3A_33 = tpu.matmul %slice3A_31, %get3A_14, %dot_general3A_32 {dimension_numbers = #tpu.dot_dimension_numbers<[1], [0], [0], [1], [0, 0, 1, 1], [], []>, transpose_lhs_hint = false} : vector<1280x16xf32>, vector<16x128xf32>, vector<1280x128xf32> -> vector<1280x128xf32>
    %add3A_34 = vector.broadcast %get3A_17 : vector<1x128xf32> to vector<1280x128xf32>
    %add3A_35 = arith.addf %dot_general3A_33, %add3A_34 : vector<1280x128xf32>
    %swap3A_36 = arith.constant 2560 : index
    %swap3A_37 = arith.constant 0 : index
    %swap3A_38 = vector.load %arg4[%swap3A_36, %swap3A_37] : memref<10000x128xf32, #tpu.memory_space<vmem>>, vector<1280x128xf32>
    tpu.vector_store %arg4[%swap3A_36, %swap3A_37], %add3A_35 {strides = array<i32>} : memref<10000x128xf32, #tpu.memory_space<vmem>>, vector<1280x128xf32>,
    %slice3A_39 = vector.extract_strided_slice %mul3A {offsets = [0, 48], sizes = [1280, 16], strides = [1, 1]} : vector<1280x128xf32> to vector<1280x16xf32>
    %dot_general3A_40 = arith.constant dense<0.000000e+00> : vector<1280x128xf32>
    %dot_general3A_41 = tpu.matmul %slice3A_39, %get3A_14, %dot_general3A_40 {dimension_numbers = #tpu.dot_dimension_numbers<[1], [0], [0], [1], [0, 0, 1, 1], [], []>, transpose_lhs_hint = false} : vector<1280x16xf32>, vector<16x128xf32>, vector<1280x128xf32> -> vector<1280x128xf32>
    %add3A_42 = vector.broadcast %get3A_17 : vector<1x128xf32> to vector<1280x128xf32>
    %add3A_43 = arith.addf %dot_general3A_41, %add3A_42 : vector<1280x128xf32>
    %swap3A_44 = arith.constant 3840 : index
    %swap3A_45 = arith.constant 0 : index
    %swap3A_46 = vector.load %arg4[%swap3A_44, %swap3A_45] : memref<10000x128xf32, #tpu.memory_space<vmem>>, vector<1280x128xf32>
    tpu.vector_store %arg4[%swap3A_44, %swap3A_45], %add3A_43 {strides = array<i32>} : memref<10000x128xf32, #tpu.memory_space<vmem>>, vector<1280x128xf32>,
    %slice3A_47 = vector.extract_strided_slice %mul3A {offsets = [0, 64], sizes = [1280, 16], strides = [1, 1]} : vector<1280x128xf32> to vector<1280x16xf32>
    %dot_general3A_48 = arith.constant dense<0.000000e+00> : vector<1280x128xf32>
    %dot_general3A_49 = tpu.matmul %slice3A_47, %get3A_14, %dot_general3A_48 {dimension_numbers = #tpu.dot_dimension_numbers<[1], [0], [0], [1], [0, 0, 1, 1], [], []>, transpose_lhs_hint = false} : vector<1280x16xf32>, vector<16x128xf32>, vector<1280x128xf32> -> vector<1280x128xf32>
    %add3A_50 = vector.broadcast %get3A_17 : vector<1x128xf32> to vector<1280x128xf32>
    %add3A_51 = arith.addf %dot_general3A_49, %add3A_50 : vector<1280x128xf32>
    %swap3A_52 = arith.constant 5120 : index
    %swap3A_53 = arith.constant 0 : index
    %swap3A_54 = vector.load %arg4[%swap3A_52, %swap3A_53] : memref<10000x128xf32, #tpu.memory_space<vmem>>, vector<1280x128xf32>
    tpu.vector_store %arg4[%swap3A_52, %swap3A_53], %add3A_51 {strides = array<i32>} : memref<10000x128xf32, #tpu.memory_space<vmem>>, vector<1280x128xf32>,
    %slice3A_55 = vector.extract_strided_slice %mul3A {offsets = [0, 80], sizes = [1280, 16], strides = [1, 1]} : vector<1280x128xf32> to vector<1280x16xf32>
    %dot_general3A_56 = arith.constant dense<0.000000e+00> : vector<1280x128xf32>
    %dot_general3A_57 = tpu.matmul %slice3A_55, %get3A_14, %dot_general3A_56 {dimension_numbers = #tpu.dot_dimension_numbers<[1], [0], [0], [1], [0, 0, 1, 1], [], []>, transpose_lhs_hint = false} : vector<1280x16xf32>, vector<16x128xf32>, vector<1280x128xf32> -> vector<1280x128xf32>
    %add3A_58 = vector.broadcast %get3A_17 : vector<1x128xf32> to vector<1280x128xf32>
    %add3A_59 = arith.addf %dot_general3A_57, %add3A_58 : vector<1280x128xf32>
    %swap3A_60 = arith.constant 6400 : index
    %swap3A_61 = arith.constant 0 : index
    %swap3A_62 = vector.load %arg4[%swap3A_60, %swap3A_61] : memref<10000x128xf32, #tpu.memory_space<vmem>>, vector<1280x128xf32>
    tpu.vector_store %arg4[%swap3A_60, %swap3A_61], %add3A_59 {strides = array<i32>} : memref<10000x128xf32, #tpu.memory_space<vmem>>, vector<1280x128xf32>,
    %slice3A_63 = vector.extract_strided_slice %mul3A {offsets = [0, 96], sizes = [1280, 16], strides = [1, 1]} : vector<1280x128xf32> to vector<1280x16xf32>
    %dot_general3A_64 = arith.constant dense<0.000000e+00> : vector<1280x128xf32>
    %dot_general3A_65 = tpu.matmul %slice3A_63, %get3A_14, %dot_general3A_64 {dimension_numbers = #tpu.dot_dimension_numbers<[1], [0], [0], [1], [0, 0, 1, 1], [], []>, transpose_lhs_hint = false} : vector<1280x16xf32>, vector<16x128xf32>, vector<1280x128xf32> -> vector<1280x128xf32>
    %add3A_66 = vector.broadcast %get3A_17 : vector<1x128xf32> to vector<1280x128xf32>
    %add3A_67 = arith.addf %dot_general3A_65, %add3A_66 : vector<1280x128xf32>
    %swap3A_68 = arith.constant 7680 : index
    %swap3A_69 = arith.constant 0 : index
    %swap3A_70 = vector.load %arg4[%swap3A_68, %swap3A_69] : memref<10000x128xf32, #tpu.memory_space<vmem>>, vector<1280x128xf32>
    tpu.vector_store %arg4[%swap3A_68, %swap3A_69], %add3A_67 {strides = array<i32>} : memref<10000x128xf32, #tpu.memory_space<vmem>>, vector<1280x128xf32>,
    %slice3A_71 = vector.extract_strided_slice %mul3A {offsets = [0, 112], sizes = [1040, 16], strides = [1, 1]} : vector<1280x128xf32> to vector<1040x16xf32>
    %dot_general3A_72 = arith.constant dense<0.000000e+00> : vector<1040x128xf32>
    %dot_general3A_73 = tpu.matmul %slice3A_71, %get3A_14, %dot_general3A_72 {dimension_numbers = #tpu.dot_dimension_numbers<[1], [0], [0], [1], [0, 0, 1, 1], [], []>, transpose_lhs_hint = false} : vector<1040x16xf32>, vector<16x128xf32>, vector<1040x128xf32> -> vector<1040x128xf32>
    %add3A_74 = vector.broadcast %get3A_17 : vector<1x128xf32> to vector<1040x128xf32>
    %add3A_75 = arith.addf %dot_general3A_73, %add3A_74 : vector<1040x128xf32>
    %swap3A_76 = arith.constant 8960 : index
    %swap3A_77 = arith.constant 0 : index
    %swap3A_78 = vector.load %arg4[%swap3A_76, %swap3A_77] : memref<10000x128xf32, #tpu.memory_space<vmem>>, vector<1040x128xf32>
    tpu.vector_store %arg4[%swap3A_76, %swap3A_77], %add3A_75 {strides = array<i32>} : memref<10000x128xf32, #tpu.memory_space<vmem>>, vector<1040x128xf32>,
    return
  }
}

</mosaic_0001>

<sc_bundles>
// kernel: kernel.12.cloned.1.call-start
scs
__scs_entry_jumppad:
0x0: {  	(pc) =	sbr.rel $0x88, $3  }
0x1: {  	(tag) =	ssettag $0x0;
	lr =	simm.s32 $0x1  }
0x2: {  	[smem:$0x3F9B] =	sst lr;
	_ =	strace $0xD0000000  }
0x3: {  	_ = 	snop  }
0x4: {  	_ = 	snop  }
0x5: {  	_ = 	snop  }
0x6: {  	_ = 	snop  }
0x7: {  	_ = 	snop  }
__scs_overlays_trampoline_lowered:
0x8: {  	[smem:$0x3FAA] =	sst s0  }
0x9: {  	[smem:$0x3FAB] =	sst s1  }
0xa: {  	[smem:$0x3FAC] =	sst s2  }
0xb: {  	[smem:$0x3FAD] =	sst s3  }
0xc: {  	[smem:$0x3FAE] =	sst s4  }
0xd: {  	[smem:$0x3FAF] =	sst s5  }
0xe: {  	[smem:$0x3FB0] =	sst s6  }
0xf: {  	[smem:$0x3FB1] =	sst s7  }
0x10: {  	[smem:$0x3FB2] =	sst s8  }
0x11: {  	[smem:$0x3FB3] =	sst s9;
	s0 =	simm.s32 @!p0 $0x0  }
0x12: {  	s1 =	sld [smem:$0x3F99];
	s0 =	simm.s32 @p0 $0x1  }
0x13: {  	[smem:$0x3FB4] =	sst s0;
	s0 =	simm.s32 @!p1 $0x0  }
0x14: {  	s2 =	sld [smem:$0x3F98];
	s0 =	simm.s32 @p1 $0x1  }
0x15: {  	[smem:$0x3FB5] =	sst s0;
	s0 =	simm.s32 @!p2 $0x0  }
0x16: {  	s3 =	sld [smem:$0x3FDB];
	s0 =	simm.s32 @p2 $0x1  }
0x17: {  	s4 =	simm.s32 $0x1BF5;
	[smem:$0x3FB7] =	sst s0  }
0x18: {  	s0 =	sld [smem:$0x3F9A];
	_ =	swait.ge [sflag:s4], $0x0  }
0x19: {  	s7 =	sld [smem:$0x3F9B]  }
0x1a: {  	s8 =	sadd.s32 $0xFFFFE003, lr  }
0x1b: {  	s9 =	sadd.s32 $0xFFFFFEF7, lr;
	s5 =	simm.s32 $0xFFFFFFFF;
	p2 =	slt.u32 s8, $0xFFFFF086  }
0x1c: {  	p1 =	slt.u32 s9, $0xF7A;
	s5 =	simm.s32 @!p2 $0x0  }
0x1d: {  	s5 =	simm.s32 @p1 $0x1;
	p0 =	seq.s32 s7, s2  }
0x1e: {  	s7 =	smul.u32 @!p0 $0xF7A, s2;
	p2 =	seq.s32 @!p0 s5, $0x0  }
0x1f: {  	s9 =	smul.u32 $0xF7A, s1;
	s8 =	simm.s32 @!p0 $0x1BF5;
	p2 =	por !p2, p0  }
0x20: {  	[sflag:s8] =	ssyncset.s32 @!p0 $0xFFFFF086;
	s6 =	sadd.s32 @!p0 s3, s7;
	s7 =	simm.s32 @!p0 $0x108  }
0x21: {  	s3 =	sadd.s32 s3, s9;
	s6 =	sadd.s32 @!p0 $0x88, s6;
	s7 =	simm.s32 @p2 $0x1082  }
0x22: {  	[simem:s7], [sflag:s8] =	dma.local @!p0 [hbm:s6], $0xF7A  }
0x23: {  	s9 =	sor.u32 $0xD0000000, s2;
	s6 =	simm.s32 $0x108;
	_ =	swait.ge @!p0 [sflag:s8], $0x0  }
0x24: {  	s3 =	sadd.s32 $0x88, s3;
	s6 =	simm.s32 @!p1 $0x1082;
	[sflag:s4] =	ssyncset.s32 $0xFFFFF086  }
0x25: {  	[simem:s6], [sflag:s4] =	dma.local [hbm:s3], $0xF7A  }
0x26: {  	[smem:$0x3F9B] =	sst s1;
	(tag) =	ssettag s2;
	_ =	strace s9  }
0x27: {  	s1 =	sld [smem:$0x3FAB]  }
0x28: {  	s2 =	sld [smem:$0x3FAC]  }
0x29: {  	s4 =	sld [smem:$0x3FAE]  }
0x2a: {  	p0 =	seq.s32 s5, $0x0;
	s5 =	sld [smem:$0x3FAF]  }
0x2b: {  	s6 =	sld [smem:$0x3FB0]  }
0x2c: {  	s7 =	sld [smem:$0x3FB1]  }
0x2d: {  	s3 =	simm.s32 $0x108;
	s8 =	sld [smem:$0x3FB2]  }
0x2e: {  	s3 =	simm.s32 @!p0 $0x1082;
	s9 =	sld [smem:$0x3FB3]  }
0x2f: {  	lr =	sadd.s32 s0, s3;
	s0 =	sld [smem:$0x3FAA]  }
0x30: {  	s3 =	sld [smem:$0x3FAD]  }
0x31: {  	[smem:$0x3FB6] =	sst s10  }
0x32: {  	s10 =	sld [smem:$0x3FB4];
	_ =	sdelay $0x3  }
0x33: {  	p0 =	seq.s32 s10, $0x1;
	s10 =	sld [smem:$0x3FB6];
	_ =	sdelay $0x3  }
0x34: {  	[smem:$0x3FB6] =	sst s10  }
0x35: {  	s10 =	sld [smem:$0x3FB5];
	_ =	sdelay $0x3  }
0x36: {  	p1 =	seq.s32 s10, $0x1;
	s10 =	sld [smem:$0x3FB6];
	_ =	sdelay $0x3  }
0x37: {  	[smem:$0x3FB6] =	sst s10  }
0x38: {  	s10 =	sld [smem:$0x3FB7]  }
0x39: {  	_ = 	snop;
	(pc) =	sbr.ind lr, $3  }
0x3a: {  	_ = 	snop  }
0x3b: {  	_ = 	snop  }
0x3c: {  	p2 =	seq.s32 s10, $0x1;
	s10 =	sld [smem:$0x3FB6]  }
0x3d: {  	_ =	shalt  }
0x3e: {  	_ =	shalt  }
0x3f: {  	_ =	shalt  }
0x40: {  	_ =	shalt  }
0x41: {  	_ =	shalt  }
0x42: {  	_ =	shalt  }
0x43: {  	_ =	shalt  }
0x44: {  	_ =	shalt  }
0x45: {  	_ =	shalt  }
0x46: {  	_ =	shalt  }
0x47: {  	_ =	shalt  }
0x48: {  	_ =	shalt  }
0x49: {  	_ =	shalt  }
0x4a: {  	_ =	shalt  }
0x4b: {  	_ =	shalt  }
0x4c: {  	_ =	shalt  }
0x4d: {  	_ =	shalt  }
0x4e: {  	_ =	shalt  }
0x4f: {  	_ =	shalt  }
0x50: {  	_ =	shalt  }
0x51: {  	_ =	shalt  }
0x52: {  	_ =	shalt  }
0x53: {  	_ =	shalt  }
0x54: {  	_ =	shalt  }
0x55: {  	_ =	shalt  }
0x56: {  	_ =	shalt  }
0x57: {  	_ =	shalt  }
0x58: {  	_ =	shalt  }
0x59: {  	_ =	shalt  }
0x5a: {  	_ =	shalt  }
0x5b: {  	_ =	shalt  }
0x5c: {  	_ =	shalt  }
0x5d: {  	_ =	shalt  }
0x5e: {  	_ =	shalt  }
0x5f: {  	_ =	shalt  }
0x60: {  	_ =	shalt  }
0x61: {  	_ =	shalt  }
0x62: {  	_ =	shalt  }
0x63: {  	_ =	shalt  }
0x64: {  	_ =	shalt  }
0x65: {  	_ =	shalt  }
0x66: {  	_ =	shalt  }
0x67: {  	_ =	shalt  }
0x68: {  	_ =	shalt  }
0x69: {  	_ =	shalt  }
0x6a: {  	_ =	shalt  }
0x6b: {  	_ =	shalt  }
0x6c: {  	_ =	shalt  }
0x6d: {  	_ =	shalt  }
0x6e: {  	_ =	shalt  }
0x6f: {  	_ =	shalt  }
0x70: {  	_ =	shalt  }
0x71: {  	_ =	shalt  }
0x72: {  	_ =	shalt  }
0x73: {  	_ =	shalt  }
0x74: {  	_ =	shalt  }
0x75: {  	_ =	shalt  }
0x76: {  	_ =	shalt  }
0x77: {  	_ =	shalt  }
0x78: {  	_ =	shalt  }
0x79: {  	_ =	shalt  }
0x7a: {  	_ =	shalt  }
0x7b: {  	_ =	shalt  }
0x7c: {  	_ =	shalt  }
0x7d: {  	_ =	shalt  }
0x7e: {  	_ =	shalt  }
0x7f: {  	_ =	shalt  }
0x80: {  	_ =	shalt  }
0x81: {  	_ =	shalt  }
0x82: {  	_ =	shalt  }
0x83: {  	_ =	shalt  }
0x84: {  	_ =	shalt  }
0x85: {  	_ =	shalt  }
0x86: {  	_ =	shalt  }
0x87: {  	_ =	shalt  }
.Lfunc_end0:
.L_simem_size_0:
called_computation.1_lowered:
.L_overlay_start_0:
0x88: {  	s2 =	sld [smem:$0x3FD9]  }
0x89: {  	s3 =	sld [smem:$0x3FFE];
	_ =	sdelay $0x1  }
0x8a: {  	s1 =	srdreg.scid  }
0x8b: {  	s0 =	sand.u32 $0x1, s1  }
0x8c: {  	s17 =	sshll.u32 s0, $0xA;
	s2 =	sadd.s32 s3, s2  }
0x8d: {  	s2 =	sadd.s32 s2, s17  }
0x8e: {  	[smem:$0x3FC2] =	sst s2  }
0x8f: {  	_ = 	snop  }
0x90: {  	s2 =	sld [smem:$0x3FD0];
	(tm) =	ssettm $0x1  }
0x91: {  	s18 =	sld [smem:$0x3FFB];
	_ =	sdelay $0x3  }
0x92: {  	_ =	strace s18  }
0x93: {  	s3 =	sld [smem:$0x3FFC];
	_ =	sdelay $0x3  }
0x94: {  	_ =	strace s3  }
0x95: {  	s3 =	sld [smem:$0x3FFD];
	_ =	sdelay $0x3  }
0x96: {  	_ =	strace s3  }
0x97: {  	_ =	strace $0x8FFFFFFF  }
0x98: {  	s19 =	sld [smem:$0x3FDB];
	_ =	sdelay $0x1  }
0x99: {  	s4 =	simm.s32 $_scs_section_size  }
0x9a: {  	s5 =	simm.s32 $_size__tile_overlayer_lowered;
	s6 =	simm.s32 $_tile_overlayer_lowered  }
0x9b: {  	s22 =	simm.s32 $0x1BFF;
	s21 =	sshll.u32 s6, $0x1;
	s3 =	sadd.s32 s4, s19  }
0x9c: {  	s7 =	simm.s32 $0x0;
	s20 =	sshll.u32 s5, $0x1;
	s5 =	sadd.s32 s21, s3  }
0x9d: {  	[timem:s7], [sflag:s22] =	dma.local [hbm:s5], s20  }
0x9e: {  	_ =	swait.ge [sflag:s22], s20  }
0x9f: {  	s4 =	ssub.s32 $0x0, s20;
	[sflag:s22] =	ssyncset.done $0x0  }
0xa0: {  	[sflag:s22] =	ssyncadd.s32 s4;
	_ =	sdelay $0x1  }
0xa1: {  	s23 =	simm.s32 $0x1B8B  }
0xa2: {  	_ =	swait.ge [sflag:s23], $0x1  }
0xa3: {  	[sflag:s23] =	ssyncset.done $0x0  }
0xa4: {  	s25 =	simm.s32 $0x1B8E;
	s24 =	sld [smem:$0x3FFE];
	[sflag:s23] =	ssyncadd.s32 $0xFFFFFFFF  }
0xa5: {  	s26 =	simm.s32 $execute0_lowered;
	[smem:$0x3FD2] =	sst s25  }
0xa6: {  	s5 =	sshll.u32 s26, $0x1;
	_ =	strace $0x80000049;
	[dreg:$0x1] =	wrdreg $0xFFFFFFFF  }
0xa7: {  	s28 =	simm.s32 $_size_execute0_lowered;
	s3 =	sadd.s32 s3, s5;
	[dreg:$0x0] =	wrdreg $0x0  }
0xa8: {  	s5 =	sshll.u32 s28, $0x1;
	[dreg:$0x2] =	wrdreg s3  }
0xa9: {  	[dreg:$0x3] =	wrdreg s5  }
0xaa: {  	[dreg:$0x4] =	wrdreg $0xC0  }
0xab: {  	_ =	task [dreg:s7], $0x5FFFF  }
0xac: {  	[dreg:$0x1] =	wrdreg $0xFFFFFFFF  }
0xad: {  	[dreg:$0x0] =	wrdreg $0x60  }
0xae: {  	[dreg:$0x2] =	wrdreg s24  }
0xaf: {  	[dreg:$0x3] =	wrdreg s2  }
0xb0: {  	[dreg:$0x4] =	wrdreg $0xE0000  }
0xb1: {  	[dreg:$0x5] =	wrdreg $0xB8000  }
0xb2: {  	[dreg:$0x6] =	wrdreg $0x9  }
0xb3: {  	_ =	task.clear_ibuf [dreg:s7], $0x7FFFF;
	_ =	strace $0x90000049  }
0xb4: {  	s29 =	simm.s32 $0x9;
	_ =	strace $0x8000004B  }
0xb5: {  	_ =	swait.ge [sflag:s29], $0x1  }
0xb6: {  	[sflag:s29] =	ssyncadd.s32 $0xFFFFFFFF  }
0xb7: {  	_ =	strace $0x9000004B  }
0xb8: {  	_ =	sfence  }
0xb9: {  	s30 =	sld [smem:$0x0];
	_ =	sdelay $0x2  }
0xba: {  	s31 =	sshll.u32 s1, $0xD;
	s1 =	sshrl.u32 s1, $0x2  }
0xbb: {  	s3 =	sand.u32 $0x4000, s31;
	s1 =	sadd.s32 s1, s30  }
0xbc: {  	s0 =	sor.u32 s3, s0;
	s1 =	sshll.u32 s1, $0x11  }
0xbd: {  	s0 =	sor.u32 s1, s0  }
0xbe: {  	s0 =	sadd.s32 $0x8F2B, s0  }
0xbf: {  	[sflag:s0] =	ssyncadd.remote.s32 $0x1  }
0xc0: {  	_ =	sfence.sel $0xFFFF  }
0xc1: {  	[dreg:$0x0] =	wrdreg $0xFFFFFFFF;
	(pc) =	sbr.abs _section_cstart, $3  }
0xc2: {  	[dreg:$0x1] =	wrdreg $0xFFFFFFFF  }
0xc3: {  	_ =	task.clear_ibuf [dreg:s7], $0x2FFFF;
	_ =	strace $0x9FFFFFFF  }
0xc4: {  	(tm) =	ssettm $0x7FFFFFFF  }
0xc5: {  	_ =	shalt  }
tec
execute0_lowered:
.L_overlay_start_1:
0x0: {  	(tag) =	ssettag $0x1  }
0x1: {  	s0 =	rddreg [dreg:$0x0]  }
0x2: {  	s1 =	rddreg [dreg:$0x1]  }
0x3: {  	s2 =	rddreg [dreg:$0x2]  }
0x4: {  	s3 =	rddreg [dreg:$0x3]  }
0x5: {  	s10 =	stileid.u32;
	s4 =	srdreg.scid;
	s14 =	simm.s32 $0x0  }
0x6: {  	s15 =	simm.s32 $0x9000;
	s16 =	simm.s32 $0x11;
	s17 =	simm.s32 $0x1  }
0x7: {  	s18 =	simm.s32 $0x2;
	s19 =	simm.s32 $0x3;
	s20 =	simm.s32 $0x80  }
0x8: {  	s28 =	simm.s32 $0x7000;
	s29 =	simm.s32 $0x7800;
	s30 =	simm.s32 $0x8000  }
0x9: {  	s31 =	simm.s32 $0x4;
	s13 =	simm.s32 $0x7;
	s11 =	simm.s32 $0xC  }
0xa: {  	s12 =	simm.s32 $0x0;
	s5 =	smul.u32 $0x2800, s10;
	s4 =	sand.u32 $0x1, s4  }
0xb: {  	s6 =	sshll.u32 s10, $0x1;
	[smem:$0x7FF] =	sst s14;
	s23 =	sshll.u32 s10, $0x6  }
0xc: {  	s7 =	smul.u32 $0x28000, s4;
	s6 =	sor.u32 s4, s6;
	_ =	strace $0x8000004A  }
0xd: {  	s9 =	ssub.s32 $0x2, s4;
	[dreg:$0x7] =	wrdreg s23;
	p0 =	seq.s32 s4, $0x1  }
0xe: {  	s8 =	sshrl.u32 s5, $0x3;
	s6 =	smul.u32 $0x2800, s6;
	s21 =	sshrl.u32 s9, $0x1  }
0xf: {  	s24 =	sadd.s32 s5, s2;
	s10 =	sadd.s32 s5, s3;
	s8 =	sadd.s32 s8, s0  }
0x10: {  	s7 =	sadd.s32 s5, s7;
	s22 =	ssub.s32 s9, s21;
	s26 =	sshrl.u32 s24, $0x3  }
0x11: {  	s21 =	simm.s32 $0x5000;
	s24 =	simm.s32 $0x6000;
	s9 =	simm.s32 $0x10  }
0x12: {  	s5 =	simm.s32 $0xB;
	s7 =	sshrl.u32 s7, $0x3;
	s6 =	sshrl.u32 s6, $0x3  }
0x13: {  	s8 =	sadd.s32 $0x2600, s8;
	s25 =	smax.u32 s22, $0x1;
	[dreg:$0xc] =	wrdreg s26  }
0x14: {  	s22 =	simm.s32 $0x5800;
	s26 =	simm.s32 $0x6800;
	[dreg:$0xb] =	wrdreg s25  }
.Ltmp0:
0x15: {  	s6 =	sadd.s32 s1, s6;
	[dreg:$0x8] =	wrdreg s8;
	(pc) =	sbr.rel .LBB2_1-.Ltmp0, $4  }
0x16: {  	s0 =	sadd.s32 s7, s0;
	s7 =	sor.u32 $0x1C03, s23;
	[dreg:$0x5] =	wrdreg s6  }
0x17: {  	s1 =	simm.s32 $0x5;
	s6 =	sadd.s32 $0xA000, s6;
	[dreg:$0x9] =	wrdreg s7  }
0x18: {  	s23 =	simm.s32 $0x8;
	s0 =	sadd.s32 $0x7600, s0;
	[dreg:$0x6] =	wrdreg s6  }
0x19: {  	v0 =	vimm.f32 $0.0e+00;
	[dreg:$0xa] =	wrdreg s0;
	s0 =	simm.s32 $0x8800;
	s6 =	simm.s32 $0xF  }
.LBB2_9:
0x1a: {  	_ =	swait.ge [sflag:s23], $0x800  }
0x1b: {  	[sflag:s23] =	ssyncset.done $0x0  }
0x1c: {  	s25 =	simm.s32 $0xD;
	[sflag:s23] =	ssyncadd.s32 $0xFFFFF800  }
0x1d: {  	[spmem:s3] =	stream.indirect.scatter.add.f32 [tilespmem:s0], [sflag:$0x10], $0x10, s4, s20, $0xb8;
	[tilespmem:$0x10800] =	vst v63  }
0x1e: {  	_ =	swait.ge [sflag:s25], $0x800  }
0x1f: {  	[sflag:s25] =	ssyncset.done $0x0  }
0x20: {  	s7 =	simm.s32 $0xE;
	[sflag:s25] =	ssyncadd.s32 $0xFFFFF800  }
0x21: {  	_ =	swait.ge [sflag:s7], $0x800  }
0x22: {  	[sflag:s7] =	ssyncset.done $0x0  }
0x23: {  	[sflag:s7] =	ssyncadd.s32 $0xFFFFF800  }
0x24: {  	_ =	swait.ge [sflag:s6], $0x800  }
0x25: {  	[sflag:s6] =	ssyncset.done $0x0  }
0x26: {  	[sflag:s6] =	ssyncadd.s32 $0xFFFFF800  }
0x27: {  	_ =	swait.ge [sflag:s9], $0x800  }
0x28: {  	[sflag:s9] =	ssyncset.done $0x0  }
0x29: {  	[sflag:s9] =	ssyncadd.s32 $0xFFFFF800  }
0x2a: {  	s7 =	simm.s32 $0x9000;
	[bflag:$0x0] =	sbarrier.arrive $0xFFFF  }
0x2b: {  	[tilespmem:s7], [sflag:$0x11] =	stream.linear.gather [spmem:s10], $0x2800, $0x38;
	[tilespmem:$0x10800] =	vst v63  }
0x2c: {  	_ =	swait.ge [sflag:s16], $0x2800  }
0x2d: {  	[sflag:s16] =	ssyncset.done $0x0  }
0x2e: {  	s14 =	simm.s32 $0x0;
	s8 =	rddreg [dreg:$0xa];
	[sflag:s16] =	ssyncadd.s32 $0xFFFFD800  }
0x2f: {  	[hbm4b:s8+s14] =	stream.linear.scatter [tilespmem:s7], [sflag:$0x11], $0x2800, $0x38;
	[tilespmem:$0x10800] =	vst v63  }
0x30: {  	_ =	swait.ge [sflag:s16], $0x2800  }
0x31: {  	s12 =	sadd.s32 $0x1, s12;
	s25 =	rddreg [dreg:$0xb]  }
0x32: {  	p1 =	sne.s32 s12, s25  }
.Ltmp1:
0x33: {  	_ = 	snop;
	(pc) =	sbr.rel @!p1 .LBB2_10-.Ltmp1, $3  }
0x34: {  	_ =	sdelay $0x1  }
0x35: {  	[sflag:s16] =	ssyncset.done $0x0  }
0x36: {  	s15 =	simm.s32 $0x9000;
	s8 =	rddreg [dreg:$0x8];
	[sflag:s16] =	ssyncadd.s32 $0xFFFFD800  }
.LBB2_1:
0x37: {  	s4 =	rddreg [dreg:$0x5]  }
0x38: {  	[tilespmem:s14], [sflag:$0x1] =	stream.linear.gather [hbm4b:s4+s14], $0x2800, $0x38;
	[tilespmem:$0x10800] =	vst v63  }
.Ltmp2:
0x39: {  	s25 =	rddreg [dreg:$0x6];
	s7 =	simm.s32 $0x2800;
	(pc) =	sbr.rel @!p0 .LBB2_2-.Ltmp2, $4  }
0x3a: {  	[tilespmem:s7], [sflag:$0x2] =	stream.linear.gather [hbm4b:s25+s14], $0x2800, $0x38;
	[tilespmem:$0x10800] =	vst v63  }
0x3b: {  	s14 =	rddreg [dreg:$0x9]  }
0x3c: {  	s25 =	rddreg [dreg:$0xc]  }
0x3d: {  	[spmem:s25], [sflag:s14] =	dma.local [hbm:s8], $0x500  }
0x3e: {  	s4 =	simm.s32 $0x40;
	s14 =	simm.s32 $0x0  }
.LBB2_4:
0x3f: {  	p1 =	sne.s32 s4, $0x9FC0;
	[tilespmem:s14+$0x9000] =	vst v0;
	s14 =	smov.u32 s4;
	s4 =	sadd.s32 $0x40, s4  }
.Ltmp3:
0x40: {  	(pc) =	sbr.rel @p1 .LBB2_4-.Ltmp3, $2  }
0x41: {  	_ =	sdelay $0x2  }
0x42: {  	s14 =	sshra.s32 s14, $0x2  }
.Ltmp4:
0x43: {  	[tilespmem:s14+$0x9000] =	vst v0;
	(pc) =	sbr.rel .LBB2_6-.Ltmp4, $4  }
0x44: {  	[spmem:s10] =	stream.linear.scatter [tilespmem:s15], [sflag:$0x11], $0x2800, $0x38;
	[tilespmem:$0x10800] =	vst v63  }
0x45: {  	_ =	swait.ge [sflag:s16], $0x2800  }
0x46: {  	[sflag:s16] =	ssyncset.done $0x0  }
0x47: {  	[sflag:s16] =	ssyncadd.s32 $0xFFFFD800  }
.LBB2_2:
0x48: {  	s4 =	rddreg [dreg:$0x7]  }
0x49: {  	s14 =	sshrl.u32 s10, $0x3;
	s4 =	sor.u32 $0x1C04, s4  }
0x4a: {  	[spmem:s14], [sflag:s4] =	dma.local [hbm:s8], $0x500  }
0x4b: {  	_ =	swait.ge [sflag:s31], $0x500  }
0x4c: {  	[sflag:s31] =	ssyncset.done $0x0  }
0x4d: {  	[sflag:s31] =	ssyncadd.s32 $0xFFFFFB00  }
.LBB2_6:
0x4e: {  	_ =	swait.ge [sflag:s17], $0x2800  }
0x4f: {  	[sflag:s17] =	ssyncset.done $0x0  }
0x50: {  	[sflag:s17] =	ssyncadd.s32 $0xFFFFD800  }
0x51: {  	_ =	swait.ge [sflag:s18], $0x2800  }
0x52: {  	[sflag:s18] =	ssyncset.done $0x0  }
0x53: {  	[sflag:s18] =	ssyncadd.s32 $0xFFFFD800  }
0x54: {  	_ =	swait.ge [sflag:s19], $0x500  }
0x55: {  	[sflag:s19] =	ssyncset.done $0x0  }
0x56: {  	[sflag:s19] =	ssyncadd.s32 $0xFFFFFB00  }
0x57: {  	s14 =	simm.s32 $0x0;
	[bflag:$0x0] =	sbarrier.arrive $0xFFFF  }
0x58: {  	[tilespmem:s21], [sflag:$0x1] =	stream.indirect.gather [spmem:s2], $0x10, s14, s20, $0xb8;
	[tilespmem:$0x10800] =	vst v63  }
0x59: {  	_ = 	snop  }
0x5a: {  	[tilespmem:s22], [sflag:$0x2] =	stream.indirect.gather [spmem:s2], $0x10, s20, s20, $0xb8;
	[tilespmem:$0x10800] =	vst v63  }
0x5b: {  	s4 =	simm.s32 $0x100  }
0x5c: {  	[tilespmem:s24], [sflag:$0x3] =	stream.indirect.gather [spmem:s2], $0x10, s4, s20, $0xb8;
	[tilespmem:$0x10800] =	vst v63  }
0x5d: {  	s25 =	simm.s32 $0x180  }
0x5e: {  	[tilespmem:s26], [sflag:$0x4] =	stream.indirect.gather [spmem:s2], $0x10, s25, s20, $0xb8;
	[tilespmem:$0x10800] =	vst v63  }
.LBB2_7:
0x5f: {  	_ =	swait.ge [sflag:s17], $0x800  }
0x60: {  	s15 =	sshra.s32 s14, $0x2;
	[sflag:s17] =	ssyncset.done $0x0  }
0x61: {  	p1 =	seq.s32 s14, $0x0;
	s4 =	sadd.s32 $0x2800, s15;
	[sflag:s17] =	ssyncadd.s32 $0xFFFFF800  }
0x62: {  	[spmem:s3] =	stream.indirect.scatter.add.f32 [tilespmem:s21], [sflag:$0x9], $0x10, s4, s20, $0xb8;
	[tilespmem:$0x10800] =	vst v63  }
0x63: {  	s4 =	simm.s32 @!p1 $0xD  }
0x64: {  	_ =	swait.ge @!p1 [sflag:s4], $0x800  }
0x65: {  	[sflag:s4] =	ssyncset.done @!p1 $0x0  }
0x66: {  	s7 =	sadd.s32 $0x200, s15;
	[sflag:s4] =	ssyncadd.s32 @!p1 $0xFFFFF800  }
0x67: {  	[tilespmem:s28], [sflag:$0x5] =	stream.indirect.gather [spmem:s2], $0x10, s7, s20, $0xb8;
	[tilespmem:$0x10800] =	vst v63  }
0x68: {  	_ =	swait.ge [sflag:s18], $0x800  }
0x69: {  	[sflag:s18] =	ssyncset.done $0x0  }
0x6a: {  	s8 =	sadd.s32 $0x2880, s15;
	s4 =	simm.s32 @!p1 $0xE;
	[sflag:s18] =	ssyncadd.s32 $0xFFFFF800  }
0x6b: {  	[spmem:s3] =	stream.indirect.scatter.add.f32 [tilespmem:s22], [sflag:$0xA], $0x10, s8, s20, $0xb8;
	[tilespmem:$0x10800] =	vst v63  }
0x6c: {  	_ =	swait.ge @!p1 [sflag:s4], $0x800  }
0x6d: {  	[sflag:s4] =	ssyncset.done @!p1 $0x0  }
0x6e: {  	s25 =	sadd.s32 $0x280, s15;
	[sflag:s4] =	ssyncadd.s32 @!p1 $0xFFFFF800  }
0x6f: {  	[tilespmem:s29], [sflag:$0x6] =	stream.indirect.gather [spmem:s2], $0x10, s25, s20, $0xb8;
	[tilespmem:$0x10800] =	vst v63  }
0x70: {  	_ =	swait.ge [sflag:s19], $0x800  }
0x71: {  	[sflag:s19] =	ssyncset.done $0x0  }
0x72: {  	s7 =	sadd.s32 $0x2900, s15;
	s4 =	simm.s32 @!p1 $0xF;
	[sflag:s19] =	ssyncadd.s32 $0xFFFFF800  }
0x73: {  	[spmem:s3] =	stream.indirect.scatter.add.f32 [tilespmem:s24], [sflag:$0xB], $0x10, s7, s20, $0xb8;
	[tilespmem:$0x10800] =	vst v63  }
0x74: {  	_ =	swait.ge @!p1 [sflag:s4], $0x800  }
0x75: {  	[sflag:s4] =	ssyncset.done @!p1 $0x0  }
0x76: {  	s8 =	sadd.s32 $0x300, s15;
	[sflag:s4] =	ssyncadd.s32 @!p1 $0xFFFFF800  }
0x77: {  	[tilespmem:s30], [sflag:$0x7] =	stream.indirect.gather [spmem:s2], $0x10, s8, s20, $0xb8;
	[tilespmem:$0x10800] =	vst v63  }
0x78: {  	_ =	swait.ge [sflag:s31], $0x800  }
0x79: {  	[sflag:s31] =	ssyncset.done $0x0  }
0x7a: {  	s25 =	sadd.s32 $0x2980, s15;
	s4 =	simm.s32 @!p1 $0x10;
	[sflag:s31] =	ssyncadd.s32 $0xFFFFF800  }
0x7b: {  	[spmem:s3] =	stream.indirect.scatter.add.f32 [tilespmem:s26], [sflag:$0xC], $0x10, s25, s20, $0xb8;
	[tilespmem:$0x10800] =	vst v63  }
0x7c: {  	_ =	swait.ge @!p1 [sflag:s4], $0x800  }
0x7d: {  	[sflag:s4] =	ssyncset.done @!p1 $0x0  }
0x7e: {  	s7 =	sadd.s32 $0x380, s15;
	[sflag:s4] =	ssyncadd.s32 @!p1 $0xFFFFF800  }
0x7f: {  	[tilespmem:s0], [sflag:$0x8] =	stream.indirect.gather [spmem:s2], $0x10, s7, s20, $0xb8;
	[tilespmem:$0x10800] =	vst v63  }
0x80: {  	_ =	swait.ge [sflag:s1], $0x800  }
0x81: {  	p1 =	seq.s32 s14, $0x9000;
	[sflag:s1] =	ssyncset.done $0x0  }
0x82: {  	s8 =	sadd.s32 $0x2A00, s15;
	s4 =	simm.s32 @p1 $0x6;
	[sflag:s1] =	ssyncadd.s32 $0xFFFFF800  }
0x83: {  	[spmem:s3] =	stream.indirect.scatter.add.f32 [tilespmem:s28], [sflag:$0xD], $0x10, s8, s20, $0xb8;
	[tilespmem:$0x10800] =	vst v63  }
0x84: {  	_ =	swait.ge @p1 [sflag:s4], $0x800  }
0x85: {  	[sflag:s4] =	ssyncset.done @p1 $0x0  }
0x86: {  	[sflag:s4] =	ssyncadd.s32 @p1 $0xFFFFF800;
	s4 =	sshra.s32 @p1 s14, $0x2  }
0x87: {  	s25 =	simm.s32 @p1 $0x7800;
	s8 =	simm.s32 @p1 $0x80;
	s4 =	sadd.s32 @p1 $0x2A80, s4  }
0x88: {  	[spmem:s3] =	stream.indirect.scatter.add.f32 @p1 [tilespmem:s25], [sflag:$0xE], $0x10, s4, s8, $0xb8;
	[tilespmem:$0x10800] =	vst v63  }
0x89: {  	s4 =	simm.s32 @!p1 $0x9  }
0x8a: {  	_ =	swait.ge @!p1 [sflag:s4], $0x800  }
0x8b: {  	[sflag:s4] =	ssyncset.done @!p1 $0x0  }
0x8c: {  	[sflag:s4] =	ssyncadd.s32 @!p1 $0xFFFFF800;
	s4 =	sshra.s32 @!p1 s14, $0x2  }
0x8d: {  	s7 =	simm.s32 @!p1 $0x5000;
	s25 =	simm.s32 @!p1 $0x80;
	s8 =	sadd.s32 @!p1 $0x400, s4  }
0x8e: {  	[tilespmem:s7], [sflag:$0x1] =	stream.indirect.gather @!p1 [spmem:s2], $0x10, s8, s25, $0xb8;
	[tilespmem:$0x10800] =	vst v63  }
0x8f: {  	s7 =	simm.s32 @!p1 $0x6  }
0x90: {  	_ =	swait.ge @!p1 [sflag:s7], $0x800  }
0x91: {  	[sflag:s7] =	ssyncset.done @!p1 $0x0  }
0x92: {  	s8 =	simm.s32 @!p1 $0x7800;
	[sflag:s7] =	ssyncadd.s32 @!p1 $0xFFFFF800;
	s7 =	sadd.s32 @!p1 $0x2A80, s4  }
0x93: {  	[spmem:s3] =	stream.indirect.scatter.add.f32 @!p1 [tilespmem:s8], [sflag:$0xE], $0x10, s7, s25, $0xb8;
	[tilespmem:$0x10800] =	vst v63  }
0x94: {  	s7 =	simm.s32 @!p1 $0xA  }
0x95: {  	_ =	swait.ge @!p1 [sflag:s7], $0x800  }
0x96: {  	[sflag:s7] =	ssyncset.done @!p1 $0x0  }
0x97: {  	s4 =	sadd.s32 @!p1 $0x480, s4;
	[sflag:s7] =	ssyncadd.s32 @!p1 $0xFFFFF800;
	s7 =	simm.s32 @!p1 $0x5800  }
0x98: {  	[tilespmem:s7], [sflag:$0x2] =	stream.indirect.gather @!p1 [spmem:s2], $0x10, s4, s25, $0xb8;
	[tilespmem:$0x10800] =	vst v63  }
.Ltmp5:
0x99: {  	_ = 	snop;
	(pc) =	sbr.rel @p1 .LBB2_9-.Ltmp5, $4  }
0x9a: {  	_ =	swait.ge [sflag:s13], $0x800  }
0x9b: {  	[sflag:s13] =	ssyncset.done $0x0  }
0x9c: {  	s25 =	sadd.s32 $0x2B00, s15;
	s4 =	sadd.s32 $0x2B80, s15;
	[sflag:s13] =	ssyncadd.s32 $0xFFFFF800  }
0x9d: {  	[spmem:s3] =	stream.indirect.scatter.add.f32 [tilespmem:s30], [sflag:$0xF], $0x10, s25, s20, $0xb8;
	[tilespmem:$0x10800] =	vst v63  }
0x9e: {  	_ =	swait.ge [sflag:s5], $0x800  }
0x9f: {  	[sflag:s5] =	ssyncset.done $0x0  }
0xa0: {  	s7 =	sadd.s32 $0x500, s15;
	[sflag:s5] =	ssyncadd.s32 $0xFFFFF800  }
0xa1: {  	[tilespmem:s24], [sflag:$0x3] =	stream.indirect.gather [spmem:s2], $0x10, s7, s20, $0xb8;
	[tilespmem:$0x10800] =	vst v63  }
0xa2: {  	_ =	swait.ge [sflag:s23], $0x800  }
0xa3: {  	[sflag:s23] =	ssyncset.done $0x0  }
0xa4: {  	[sflag:s23] =	ssyncadd.s32 $0xFFFFF800  }
0xa5: {  	[spmem:s3] =	stream.indirect.scatter.add.f32 [tilespmem:s0], [sflag:$0x10], $0x10, s4, s20, $0xb8;
	[tilespmem:$0x10800] =	vst v63  }
.Ltmp6:
0xa6: {  	_ = 	snop;
	(pc) =	sbr.rel .LBB2_7-.Ltmp6, $4  }
0xa7: {  	_ =	swait.ge [sflag:s11], $0x800  }
0xa8: {  	[sflag:s11] =	ssyncset.done $0x0  }
0xa9: {  	s25 =	sadd.s32 $0x580, s15;
	s14 =	sadd.s32 $0x1000, s14;
	[sflag:s11] =	ssyncadd.s32 $0xFFFFF800  }
0xaa: {  	[tilespmem:s26], [sflag:$0x4] =	stream.indirect.gather [spmem:s2], $0x10, s25, s20, $0xb8;
	[tilespmem:$0x10800] =	vst v63  }
.LBB2_10:
0xab: {  	_ =	sfence.sel $0x180000  }
0xac: {  	[bflag:$0x0] =	sbarrier.arrive $0xFFFF  }
0xad: {  	_ =	strace $0x9000004A  }
0xae: {  	s0 =	stileid.u32;
	[bflag:$0x2] =	sbarrier.arrive $0xFFFF  }
0xaf: {  	p0 =	sne.s32 s0, $0x0;
	s0 =	rddreg [dreg:$0x4]  }
0xb0: {  	s0 =	sadd.s32 @!p0 $0x100000, s0  }
0xb1: {  	[sflag:s0] =	ssyncadd.tile.s32 @!p0 $0x1;
	_ =	shalt  }
.Lfunc_end2:
_tile_overlayer_lowered:
.L_overlay_start_2:
0xb2: {  	(tag) =	ssettag $0x2  }
0xb3: {  	s0 =	rddreg [dreg:$0x0];
	s2 =	stileid.u32  }
0xb4: {  	s1 =	rddreg [dreg:$0x1];
	p0 =	sne.s32 s2, $0x0  }
0xb5: {  	s3 =	rddreg [dreg:$0x2];
	[bflag:$0x3] =	sbarrier.arrive $0xFFFF;
	s2 =	simm.s32 @!p0 $0x1C11  }
0xb6: {  	[timem:s3], [sflag:s2] =	dma.local @!p0 [hbm:s0], s1  }
0xb7: {  	s0 =	simm.s32 @!p0 $0x11  }
0xb8: {  	_ =	swait.ge @!p0 [sflag:s0], s1  }
0xb9: {  	s1 =	ssub.s32 @!p0 $0x0, s1;
	[sflag:s0] =	ssyncset.done @!p0 $0x0  }
0xba: {  	[sflag:s0] =	ssyncadd.s32 @!p0 s1  }
0xbb: {  	[bflag:$0x3] =	sbarrier.arrive $0xFFFF  }
0xbc: {  	_ =	shalt  }

// kernel: kernel.15.cloned.1.call-start
scs
__scs_entry_jumppad:
0x0: {  	(pc) =	sbr.rel $0x88, $3  }
0x1: {  	(tag) =	ssettag $0x0;
	lr =	simm.s32 $0x1  }
0x2: {  	[smem:$0x3F9B] =	sst lr;
	_ =	strace $0xD0000000  }
0x3: {  	_ = 	snop  }
0x4: {  	_ = 	snop  }
0x5: {  	_ = 	snop  }
0x6: {  	_ = 	snop  }
0x7: {  	_ = 	snop  }
__scs_overlays_trampoline_lowered:
0x8: {  	[smem:$0x3FAA] =	sst s0  }
0x9: {  	[smem:$0x3FAB] =	sst s1  }
0xa: {  	[smem:$0x3FAC] =	sst s2  }
0xb: {  	[smem:$0x3FAD] =	sst s3  }
0xc: {  	[smem:$0x3FAE] =	sst s4  }
0xd: {  	[smem:$0x3FAF] =	sst s5  }
0xe: {  	[smem:$0x3FB0] =	sst s6  }
0xf: {  	[smem:$0x3FB1] =	sst s7  }
0x10: {  	[smem:$0x3FB2] =	sst s8  }
0x11: {  	[smem:$0x3FB3] =	sst s9;
	s0 =	simm.s32 @!p0 $0x0  }
0x12: {  	s1 =	sld [smem:$0x3F99];
	s0 =	simm.s32 @p0 $0x1  }
0x13: {  	[smem:$0x3FB4] =	sst s0;
	s0 =	simm.s32 @!p1 $0x0  }
0x14: {  	s2 =	sld [smem:$0x3F98];
	s0 =	simm.s32 @p1 $0x1  }
0x15: {  	[smem:$0x3FB5] =	sst s0;
	s0 =	simm.s32 @!p2 $0x0  }
0x16: {  	s3 =	sld [smem:$0x3FDB];
	s0 =	simm.s32 @p2 $0x1  }
0x17: {  	s4 =	simm.s32 $0x1BF5;
	[smem:$0x3FB7] =	sst s0  }
0x18: {  	s0 =	sld [smem:$0x3F9A];
	_ =	swait.ge [sflag:s4], $0x0  }
0x19: {  	s7 =	sld [smem:$0x3F9B]  }
0x1a: {  	s8 =	sadd.s32 $0xFFFFE003, lr  }
0x1b: {  	s9 =	sadd.s32 $0xFFFFFEF7, lr;
	s5 =	simm.s32 $0xFFFFFFFF;
	p2 =	slt.u32 s8, $0xFFFFF086  }
0x1c: {  	p1 =	slt.u32 s9, $0xF7A;
	s5 =	simm.s32 @!p2 $0x0  }
0x1d: {  	s5 =	simm.s32 @p1 $0x1;
	p0 =	seq.s32 s7, s2  }
0x1e: {  	s7 =	smul.u32 @!p0 $0xF7A, s2;
	p2 =	seq.s32 @!p0 s5, $0x0  }
0x1f: {  	s9 =	smul.u32 $0xF7A, s1;
	s8 =	simm.s32 @!p0 $0x1BF5;
	p2 =	por !p2, p0  }
0x20: {  	[sflag:s8] =	ssyncset.s32 @!p0 $0xFFFFF086;
	s6 =	sadd.s32 @!p0 s3, s7;
	s7 =	simm.s32 @!p0 $0x108  }
0x21: {  	s3 =	sadd.s32 s3, s9;
	s6 =	sadd.s32 @!p0 $0x88, s6;
	s7 =	simm.s32 @p2 $0x1082  }
0x22: {  	[simem:s7], [sflag:s8] =	dma.local @!p0 [hbm:s6], $0xF7A  }
0x23: {  	s9 =	sor.u32 $0xD0000000, s2;
	s6 =	simm.s32 $0x108;
	_ =	swait.ge @!p0 [sflag:s8], $0x0  }
0x24: {  	s3 =	sadd.s32 $0x88, s3;
	s6 =	simm.s32 @!p1 $0x1082;
	[sflag:s4] =	ssyncset.s32 $0xFFFFF086  }
0x25: {  	[simem:s6], [sflag:s4] =	dma.local [hbm:s3], $0xF7A  }
0x26: {  	[smem:$0x3F9B] =	sst s1;
	(tag) =	ssettag s2;
	_ =	strace s9  }
0x27: {  	s1 =	sld [smem:$0x3FAB]  }
0x28: {  	s2 =	sld [smem:$0x3FAC]  }
0x29: {  	s4 =	sld [smem:$0x3FAE]  }
0x2a: {  	p0 =	seq.s32 s5, $0x0;
	s5 =	sld [smem:$0x3FAF]  }
0x2b: {  	s6 =	sld [smem:$0x3FB0]  }
0x2c: {  	s7 =	sld [smem:$0x3FB1]  }
0x2d: {  	s3 =	simm.s32 $0x108;
	s8 =	sld [smem:$0x3FB2]  }
0x2e: {  	s3 =	simm.s32 @!p0 $0x1082;
	s9 =	sld [smem:$0x3FB3]  }
0x2f: {  	lr =	sadd.s32 s0, s3;
	s0 =	sld [smem:$0x3FAA]  }
0x30: {  	s3 =	sld [smem:$0x3FAD]  }
0x31: {  	[smem:$0x3FB6] =	sst s10  }
0x32: {  	s10 =	sld [smem:$0x3FB4];
	_ =	sdelay $0x3  }
0x33: {  	p0 =	seq.s32 s10, $0x1;
	s10 =	sld [smem:$0x3FB6];
	_ =	sdelay $0x3  }
0x34: {  	[smem:$0x3FB6] =	sst s10  }
0x35: {  	s10 =	sld [smem:$0x3FB5];
	_ =	sdelay $0x3  }
0x36: {  	p1 =	seq.s32 s10, $0x1;
	s10 =	sld [smem:$0x3FB6];
	_ =	sdelay $0x3  }
0x37: {  	[smem:$0x3FB6] =	sst s10  }
0x38: {  	s10 =	sld [smem:$0x3FB7]  }
0x39: {  	_ = 	snop;
	(pc) =	sbr.ind lr, $3  }
0x3a: {  	_ = 	snop  }
0x3b: {  	_ = 	snop  }
0x3c: {  	p2 =	seq.s32 s10, $0x1;
	s10 =	sld [smem:$0x3FB6]  }
0x3d: {  	_ =	shalt  }
0x3e: {  	_ =	shalt  }
0x3f: {  	_ =	shalt  }
0x40: {  	_ =	shalt  }
0x41: {  	_ =	shalt  }
0x42: {  	_ =	shalt  }
0x43: {  	_ =	shalt  }
0x44: {  	_ =	shalt  }
0x45: {  	_ =	shalt  }
0x46: {  	_ =	shalt  }
0x47: {  	_ =	shalt  }
0x48: {  	_ =	shalt  }
0x49: {  	_ =	shalt  }
0x4a: {  	_ =	shalt  }
0x4b: {  	_ =	shalt  }
0x4c: {  	_ =	shalt  }
0x4d: {  	_ =	shalt  }
0x4e: {  	_ =	shalt  }
0x4f: {  	_ =	shalt  }
0x50: {  	_ =	shalt  }
0x51: {  	_ =	shalt  }
0x52: {  	_ =	shalt  }
0x53: {  	_ =	shalt  }
0x54: {  	_ =	shalt  }
0x55: {  	_ =	shalt  }
0x56: {  	_ =	shalt  }
0x57: {  	_ =	shalt  }
0x58: {  	_ =	shalt  }
0x59: {  	_ =	shalt  }
0x5a: {  	_ =	shalt  }
0x5b: {  	_ =	shalt  }
0x5c: {  	_ =	shalt  }
0x5d: {  	_ =	shalt  }
0x5e: {  	_ =	shalt  }
0x5f: {  	_ =	shalt  }
0x60: {  	_ =	shalt  }
0x61: {  	_ =	shalt  }
0x62: {  	_ =	shalt  }
0x63: {  	_ =	shalt  }
0x64: {  	_ =	shalt  }
0x65: {  	_ =	shalt  }
0x66: {  	_ =	shalt  }
0x67: {  	_ =	shalt  }
0x68: {  	_ =	shalt  }
0x69: {  	_ =	shalt  }
0x6a: {  	_ =	shalt  }
0x6b: {  	_ =	shalt  }
0x6c: {  	_ =	shalt  }
0x6d: {  	_ =	shalt  }
0x6e: {  	_ =	shalt  }
0x6f: {  	_ =	shalt  }
0x70: {  	_ =	shalt  }
0x71: {  	_ =	shalt  }
0x72: {  	_ =	shalt  }
0x73: {  	_ =	shalt  }
0x74: {  	_ =	shalt  }
0x75: {  	_ =	shalt  }
0x76: {  	_ =	shalt  }
0x77: {  	_ =	shalt  }
0x78: {  	_ =	shalt  }
0x79: {  	_ =	shalt  }
0x7a: {  	_ =	shalt  }
0x7b: {  	_ =	shalt  }
0x7c: {  	_ =	shalt  }
0x7d: {  	_ =	shalt  }
0x7e: {  	_ =	shalt  }
0x7f: {  	_ =	shalt  }
0x80: {  	_ =	shalt  }
0x81: {  	_ =	shalt  }
0x82: {  	_ =	shalt  }
0x83: {  	_ =	shalt  }
0x84: {  	_ =	shalt  }
0x85: {  	_ =	shalt  }
0x86: {  	_ =	shalt  }
0x87: {  	_ =	shalt  }
.Lfunc_end0:
.L_simem_size_0:
called_computation.2_lowered:
.L_overlay_start_0:
0x88: {  	s2 =	sld [smem:$0x3FD9]  }
0x89: {  	s3 =	sld [smem:$0x3FFE];
	_ =	sdelay $0x1  }
0x8a: {  	s1 =	srdreg.scid  }
0x8b: {  	s0 =	sand.u32 $0x1, s1  }
0x8c: {  	s17 =	sshll.u32 s0, $0xA;
	s2 =	sadd.s32 s3, s2  }
0x8d: {  	s2 =	sadd.s32 s2, s17  }
0x8e: {  	[smem:$0x3FC2] =	sst s2  }
0x8f: {  	_ = 	snop  }
0x90: {  	s2 =	sld [smem:$0x3FD0];
	(tm) =	ssettm $0x1  }
0x91: {  	s18 =	sld [smem:$0x3FFB];
	_ =	sdelay $0x3  }
0x92: {  	_ =	strace s18  }
0x93: {  	s3 =	sld [smem:$0x3FFC];
	_ =	sdelay $0x3  }
0x94: {  	_ =	strace s3  }
0x95: {  	s3 =	sld [smem:$0x3FFD];
	_ =	sdelay $0x3  }
0x96: {  	_ =	strace s3  }
0x97: {  	_ =	strace $0x8FFFFFFF  }
0x98: {  	s19 =	sld [smem:$0x3FDB];
	_ =	sdelay $0x1  }
0x99: {  	s4 =	simm.s32 $_scs_section_size  }
0x9a: {  	s5 =	simm.s32 $_size__tile_overlayer_lowered;
	s6 =	simm.s32 $_tile_overlayer_lowered  }
0x9b: {  	s22 =	simm.s32 $0x1BFF;
	s21 =	sshll.u32 s6, $0x1;
	s3 =	sadd.s32 s4, s19  }
0x9c: {  	s7 =	simm.s32 $0x0;
	s20 =	sshll.u32 s5, $0x1;
	s5 =	sadd.s32 s21, s3  }
0x9d: {  	[timem:s7], [sflag:s22] =	dma.local [hbm:s5], s20  }
0x9e: {  	_ =	swait.ge [sflag:s22], s20  }
0x9f: {  	s4 =	ssub.s32 $0x0, s20;
	[sflag:s22] =	ssyncset.done $0x0  }
0xa0: {  	[sflag:s22] =	ssyncadd.s32 s4;
	_ =	sdelay $0x1  }
0xa1: {  	s23 =	simm.s32 $0x1B8B  }
0xa2: {  	_ =	swait.ge [sflag:s23], $0x1  }
0xa3: {  	[sflag:s23] =	ssyncset.done $0x0  }
0xa4: {  	s25 =	simm.s32 $0x1B8E;
	s24 =	sld [smem:$0x3FFE];
	[sflag:s23] =	ssyncadd.s32 $0xFFFFFFFF  }
0xa5: {  	s26 =	simm.s32 $execute0_lowered;
	[smem:$0x3FD2] =	sst s25  }
0xa6: {  	s5 =	sshll.u32 s26, $0x1;
	_ =	strace $0x8000004C;
	[dreg:$0x1] =	wrdreg $0xFFFFFFFF  }
0xa7: {  	s28 =	simm.s32 $_size_execute0_lowered;
	s3 =	sadd.s32 s3, s5;
	[dreg:$0x0] =	wrdreg $0x0  }
0xa8: {  	s5 =	sshll.u32 s28, $0x1;
	[dreg:$0x2] =	wrdreg s3  }
0xa9: {  	[dreg:$0x3] =	wrdreg s5  }
0xaa: {  	[dreg:$0x4] =	wrdreg $0xC0  }
0xab: {  	_ =	task [dreg:s7], $0x5FFFF  }
0xac: {  	[dreg:$0x1] =	wrdreg $0xFFFFFFFF  }
0xad: {  	[dreg:$0x0] =	wrdreg $0x60  }
0xae: {  	[dreg:$0x2] =	wrdreg s24  }
0xaf: {  	[dreg:$0x3] =	wrdreg s2  }
0xb0: {  	[dreg:$0x4] =	wrdreg $0xE0000  }
0xb1: {  	[dreg:$0x5] =	wrdreg $0xB8000  }
0xb2: {  	[dreg:$0x6] =	wrdreg $0x9  }
0xb3: {  	_ =	task.clear_ibuf [dreg:s7], $0x7FFFF;
	_ =	strace $0x9000004C  }
0xb4: {  	s29 =	simm.s32 $0x9;
	_ =	strace $0x8000004E  }
0xb5: {  	_ =	swait.ge [sflag:s29], $0x1  }
0xb6: {  	[sflag:s29] =	ssyncadd.s32 $0xFFFFFFFF  }
0xb7: {  	_ =	strace $0x9000004E  }
0xb8: {  	_ =	sfence  }
0xb9: {  	s30 =	sld [smem:$0x0];
	_ =	sdelay $0x2  }
0xba: {  	s31 =	sshll.u32 s1, $0xD;
	s1 =	sshrl.u32 s1, $0x2  }
0xbb: {  	s3 =	sand.u32 $0x4000, s31;
	s1 =	sadd.s32 s1, s30  }
0xbc: {  	s0 =	sor.u32 s3, s0;
	s1 =	sshll.u32 s1, $0x11  }
0xbd: {  	s0 =	sor.u32 s1, s0  }
0xbe: {  	s0 =	sadd.s32 $0x8F2B, s0  }
0xbf: {  	[sflag:s0] =	ssyncadd.remote.s32 $0x1  }
0xc0: {  	_ =	sfence.sel $0xFFFF  }
0xc1: {  	[dreg:$0x0] =	wrdreg $0xFFFFFFFF;
	(pc) =	sbr.abs _section_cstart, $3  }
0xc2: {  	[dreg:$0x1] =	wrdreg $0xFFFFFFFF  }
0xc3: {  	_ =	task.clear_ibuf [dreg:s7], $0x2FFFF;
	_ =	strace $0x9FFFFFFF  }
0xc4: {  	(tm) =	ssettm $0x7FFFFFFF  }
0xc5: {  	_ =	shalt  }
tec
execute0_lowered:
.L_overlay_start_1:
0x0: {  	(tag) =	ssettag $0x1  }
0x1: {  	s0 =	rddreg [dreg:$0x0]  }
0x2: {  	s1 =	rddreg [dreg:$0x1]  }
0x3: {  	s2 =	rddreg [dreg:$0x2]  }
0x4: {  	s3 =	rddreg [dreg:$0x3]  }
0x5: {  	s10 =	stileid.u32;
	s4 =	srdreg.scid;
	s14 =	simm.s32 $0x0  }
0x6: {  	s15 =	simm.s32 $0x9000;
	s16 =	simm.s32 $0x11;
	s17 =	simm.s32 $0x1  }
0x7: {  	s18 =	simm.s32 $0x2;
	s19 =	simm.s32 $0x3;
	s20 =	simm.s32 $0x80  }
0x8: {  	s28 =	simm.s32 $0x7000;
	s29 =	simm.s32 $0x7800;
	s30 =	simm.s32 $0x8000  }
0x9: {  	s31 =	simm.s32 $0x4;
	s13 =	simm.s32 $0x7;
	s11 =	simm.s32 $0xC  }
0xa: {  	s12 =	simm.s32 $0x0;
	s5 =	smul.u32 $0x2800, s10;
	s4 =	sand.u32 $0x1, s4  }
0xb: {  	s6 =	sshll.u32 s10, $0x1;
	[smem:$0x7FF] =	sst s14;
	s23 =	sshll.u32 s10, $0x6  }
0xc: {  	s7 =	smul.u32 $0x28000, s4;
	s6 =	sor.u32 s4, s6;
	_ =	strace $0x8000004D  }
0xd: {  	s9 =	ssub.s32 $0x2, s4;
	[dreg:$0x7] =	wrdreg s23;
	p0 =	seq.s32 s4, $0x1  }
0xe: {  	s8 =	sshrl.u32 s5, $0x3;
	s6 =	smul.u32 $0x2800, s6;
	s21 =	sshrl.u32 s9, $0x1  }
0xf: {  	s24 =	sadd.s32 s5, s2;
	s10 =	sadd.s32 s5, s3;
	s8 =	sadd.s32 s8, s0  }
0x10: {  	s7 =	sadd.s32 s5, s7;
	s22 =	ssub.s32 s9, s21;
	s26 =	sshrl.u32 s24, $0x3  }
0x11: {  	s21 =	simm.s32 $0x5000;
	s24 =	simm.s32 $0x6000;
	s9 =	simm.s32 $0x10  }
0x12: {  	s5 =	simm.s32 $0xB;
	s7 =	sshrl.u32 s7, $0x3;
	s6 =	sshrl.u32 s6, $0x3  }
0x13: {  	s8 =	sadd.s32 $0x2600, s8;
	s25 =	smax.u32 s22, $0x1;
	[dreg:$0xc] =	wrdreg s26  }
0x14: {  	s22 =	simm.s32 $0x5800;
	s26 =	simm.s32 $0x6800;
	[dreg:$0xb] =	wrdreg s25  }
.Ltmp0:
0x15: {  	s6 =	sadd.s32 s1, s6;
	[dreg:$0x8] =	wrdreg s8;
	(pc) =	sbr.rel .LBB2_1-.Ltmp0, $4  }
0x16: {  	s0 =	sadd.s32 s7, s0;
	s7 =	sor.u32 $0x1C03, s23;
	[dreg:$0x5] =	wrdreg s6  }
0x17: {  	s1 =	simm.s32 $0x5;
	s6 =	sadd.s32 $0xA000, s6;
	[dreg:$0x9] =	wrdreg s7  }
0x18: {  	s23 =	simm.s32 $0x8;
	s0 =	sadd.s32 $0x7600, s0;
	[dreg:$0x6] =	wrdreg s6  }
0x19: {  	v0 =	vimm.f32 $0.0e+00;
	[dreg:$0xa] =	wrdreg s0;
	s0 =	simm.s32 $0x8800;
	s6 =	simm.s32 $0xF  }
.LBB2_9:
0x1a: {  	_ =	swait.ge [sflag:s23], $0x800  }
0x1b: {  	[sflag:s23] =	ssyncset.done $0x0  }
0x1c: {  	s25 =	simm.s32 $0xD;
	[sflag:s23] =	ssyncadd.s32 $0xFFFFF800  }
0x1d: {  	[spmem:s3] =	stream.indirect.scatter.add.f32 [tilespmem:s0], [sflag:$0x10], $0x10, s4, s20, $0xb8;
	[tilespmem:$0x10800] =	vst v63  }
0x1e: {  	_ =	swait.ge [sflag:s25], $0x800  }
0x1f: {  	[sflag:s25] =	ssyncset.done $0x0  }
0x20: {  	s7 =	simm.s32 $0xE;
	[sflag:s25] =	ssyncadd.s32 $0xFFFFF800  }
0x21: {  	_ =	swait.ge [sflag:s7], $0x800  }
0x22: {  	[sflag:s7] =	ssyncset.done $0x0  }
0x23: {  	[sflag:s7] =	ssyncadd.s32 $0xFFFFF800  }
0x24: {  	_ =	swait.ge [sflag:s6], $0x800  }
0x25: {  	[sflag:s6] =	ssyncset.done $0x0  }
0x26: {  	[sflag:s6] =	ssyncadd.s32 $0xFFFFF800  }
0x27: {  	_ =	swait.ge [sflag:s9], $0x800  }
0x28: {  	[sflag:s9] =	ssyncset.done $0x0  }
0x29: {  	[sflag:s9] =	ssyncadd.s32 $0xFFFFF800  }
0x2a: {  	s7 =	simm.s32 $0x9000;
	[bflag:$0x0] =	sbarrier.arrive $0xFFFF  }
0x2b: {  	[tilespmem:s7], [sflag:$0x11] =	stream.linear.gather [spmem:s10], $0x2800, $0x38;
	[tilespmem:$0x10800] =	vst v63  }
0x2c: {  	_ =	swait.ge [sflag:s16], $0x2800  }
0x2d: {  	[sflag:s16] =	ssyncset.done $0x0  }
0x2e: {  	s14 =	simm.s32 $0x0;
	s8 =	rddreg [dreg:$0xa];
	[sflag:s16] =	ssyncadd.s32 $0xFFFFD800  }
0x2f: {  	[hbm4b:s8+s14] =	stream.linear.scatter [tilespmem:s7], [sflag:$0x11], $0x2800, $0x38;
	[tilespmem:$0x10800] =	vst v63  }
0x30: {  	_ =	swait.ge [sflag:s16], $0x2800  }
0x31: {  	s12 =	sadd.s32 $0x1, s12;
	s25 =	rddreg [dreg:$0xb]  }
0x32: {  	p1 =	sne.s32 s12, s25  }
.Ltmp1:
0x33: {  	_ = 	snop;
	(pc) =	sbr.rel @!p1 .LBB2_10-.Ltmp1, $3  }
0x34: {  	_ =	sdelay $0x1  }
0x35: {  	[sflag:s16] =	ssyncset.done $0x0  }
0x36: {  	s15 =	simm.s32 $0x9000;
	s8 =	rddreg [dreg:$0x8];
	[sflag:s16] =	ssyncadd.s32 $0xFFFFD800  }
.LBB2_1:
0x37: {  	s4 =	rddreg [dreg:$0x5]  }
0x38: {  	[tilespmem:s14], [sflag:$0x1] =	stream.linear.gather [hbm4b:s4+s14], $0x2800, $0x38;
	[tilespmem:$0x10800] =	vst v63  }
.Ltmp2:
0x39: {  	s25 =	rddreg [dreg:$0x6];
	s7 =	simm.s32 $0x2800;
	(pc) =	sbr.rel @!p0 .LBB2_2-.Ltmp2, $4  }
0x3a: {  	[tilespmem:s7], [sflag:$0x2] =	stream.linear.gather [hbm4b:s25+s14], $0x2800, $0x38;
	[tilespmem:$0x10800] =	vst v63  }
0x3b: {  	s14 =	rddreg [dreg:$0x9]  }
0x3c: {  	s25 =	rddreg [dreg:$0xc]  }
0x3d: {  	[spmem:s25], [sflag:s14] =	dma.local [hbm:s8], $0x500  }
0x3e: {  	s4 =	simm.s32 $0x40;
	s14 =	simm.s32 $0x0  }
.LBB2_4:
0x3f: {  	p1 =	sne.s32 s4, $0x9FC0;
	[tilespmem:s14+$0x9000] =	vst v0;
	s14 =	smov.u32 s4;
	s4 =	sadd.s32 $0x40, s4  }
.Ltmp3:
0x40: {  	(pc) =	sbr.rel @p1 .LBB2_4-.Ltmp3, $2  }
0x41: {  	_ =	sdelay $0x2  }
0x42: {  	s14 =	sshra.s32 s14, $0x2  }
.Ltmp4:
0x43: {  	[tilespmem:s14+$0x9000] =	vst v0;
	(pc) =	sbr.rel .LBB2_6-.Ltmp4, $4  }
0x44: {  	[spmem:s10] =	stream.linear.scatter [tilespmem:s15], [sflag:$0x11], $0x2800, $0x38;
	[tilespmem:$0x10800] =	vst v63  }
0x45: {  	_ =	swait.ge [sflag:s16], $0x2800  }
0x46: {  	[sflag:s16] =	ssyncset.done $0x0  }
0x47: {  	[sflag:s16] =	ssyncadd.s32 $0xFFFFD800  }
.LBB2_2:
0x48: {  	s4 =	rddreg [dreg:$0x7]  }
0x49: {  	s14 =	sshrl.u32 s10, $0x3;
	s4 =	sor.u32 $0x1C04, s4  }
0x4a: {  	[spmem:s14], [sflag:s4] =	dma.local [hbm:s8], $0x500  }
0x4b: {  	_ =	swait.ge [sflag:s31], $0x500  }
0x4c: {  	[sflag:s31] =	ssyncset.done $0x0  }
0x4d: {  	[sflag:s31] =	ssyncadd.s32 $0xFFFFFB00  }
.LBB2_6:
0x4e: {  	_ =	swait.ge [sflag:s17], $0x2800  }
0x4f: {  	[sflag:s17] =	ssyncset.done $0x0  }
0x50: {  	[sflag:s17] =	ssyncadd.s32 $0xFFFFD800  }
0x51: {  	_ =	swait.ge [sflag:s18], $0x2800  }
0x52: {  	[sflag:s18] =	ssyncset.done $0x0  }
0x53: {  	[sflag:s18] =	ssyncadd.s32 $0xFFFFD800  }
0x54: {  	_ =	swait.ge [sflag:s19], $0x500  }
0x55: {  	[sflag:s19] =	ssyncset.done $0x0  }
0x56: {  	[sflag:s19] =	ssyncadd.s32 $0xFFFFFB00  }
0x57: {  	s14 =	simm.s32 $0x0;
	[bflag:$0x0] =	sbarrier.arrive $0xFFFF  }
0x58: {  	[tilespmem:s21], [sflag:$0x1] =	stream.indirect.gather [spmem:s2], $0x10, s14, s20, $0xb8;
	[tilespmem:$0x10800] =	vst v63  }
0x59: {  	_ = 	snop  }
0x5a: {  	[tilespmem:s22], [sflag:$0x2] =	stream.indirect.gather [spmem:s2], $0x10, s20, s20, $0xb8;
	[tilespmem:$0x10800] =	vst v63  }
0x5b: {  	s4 =	simm.s32 $0x100  }
0x5c: {  	[tilespmem:s24], [sflag:$0x3] =	stream.indirect.gather [spmem:s2], $0x10, s4, s20, $0xb8;
	[tilespmem:$0x10800] =	vst v63  }
0x5d: {  	s25 =	simm.s32 $0x180  }
0x5e: {  	[tilespmem:s26], [sflag:$0x4] =	stream.indirect.gather [spmem:s2], $0x10, s25, s20, $0xb8;
	[tilespmem:$0x10800] =	vst v63  }
.LBB2_7:
0x5f: {  	_ =	swait.ge [sflag:s17], $0x800  }
0x60: {  	s15 =	sshra.s32 s14, $0x2;
	[sflag:s17] =	ssyncset.done $0x0  }
0x61: {  	p1 =	seq.s32 s14, $0x0;
	s4 =	sadd.s32 $0x2800, s15;
	[sflag:s17] =	ssyncadd.s32 $0xFFFFF800  }
0x62: {  	[spmem:s3] =	stream.indirect.scatter.add.f32 [tilespmem:s21], [sflag:$0x9], $0x10, s4, s20, $0xb8;
	[tilespmem:$0x10800] =	vst v63  }
0x63: {  	s4 =	simm.s32 @!p1 $0xD  }
0x64: {  	_ =	swait.ge @!p1 [sflag:s4], $0x800  }
0x65: {  	[sflag:s4] =	ssyncset.done @!p1 $0x0  }
0x66: {  	s7 =	sadd.s32 $0x200, s15;
	[sflag:s4] =	ssyncadd.s32 @!p1 $0xFFFFF800  }
0x67: {  	[tilespmem:s28], [sflag:$0x5] =	stream.indirect.gather [spmem:s2], $0x10, s7, s20, $0xb8;
	[tilespmem:$0x10800] =	vst v63  }
0x68: {  	_ =	swait.ge [sflag:s18], $0x800  }
0x69: {  	[sflag:s18] =	ssyncset.done $0x0  }
0x6a: {  	s8 =	sadd.s32 $0x2880, s15;
	s4 =	simm.s32 @!p1 $0xE;
	[sflag:s18] =	ssyncadd.s32 $0xFFFFF800  }
0x6b: {  	[spmem:s3] =	stream.indirect.scatter.add.f32 [tilespmem:s22], [sflag:$0xA], $0x10, s8, s20, $0xb8;
	[tilespmem:$0x10800] =	vst v63  }
0x6c: {  	_ =	swait.ge @!p1 [sflag:s4], $0x800  }
0x6d: {  	[sflag:s4] =	ssyncset.done @!p1 $0x0  }
0x6e: {  	s25 =	sadd.s32 $0x280, s15;
	[sflag:s4] =	ssyncadd.s32 @!p1 $0xFFFFF800  }
0x6f: {  	[tilespmem:s29], [sflag:$0x6] =	stream.indirect.gather [spmem:s2], $0x10, s25, s20, $0xb8;
	[tilespmem:$0x10800] =	vst v63  }
0x70: {  	_ =	swait.ge [sflag:s19], $0x800  }
0x71: {  	[sflag:s19] =	ssyncset.done $0x0  }
0x72: {  	s7 =	sadd.s32 $0x2900, s15;
	s4 =	simm.s32 @!p1 $0xF;
	[sflag:s19] =	ssyncadd.s32 $0xFFFFF800  }
0x73: {  	[spmem:s3] =	stream.indirect.scatter.add.f32 [tilespmem:s24], [sflag:$0xB], $0x10, s7, s20, $0xb8;
	[tilespmem:$0x10800] =	vst v63  }
0x74: {  	_ =	swait.ge @!p1 [sflag:s4], $0x800  }
0x75: {  	[sflag:s4] =	ssyncset.done @!p1 $0x0  }
0x76: {  	s8 =	sadd.s32 $0x300, s15;
	[sflag:s4] =	ssyncadd.s32 @!p1 $0xFFFFF800  }
0x77: {  	[tilespmem:s30], [sflag:$0x7] =	stream.indirect.gather [spmem:s2], $0x10, s8, s20, $0xb8;
	[tilespmem:$0x10800] =	vst v63  }
0x78: {  	_ =	swait.ge [sflag:s31], $0x800  }
0x79: {  	[sflag:s31] =	ssyncset.done $0x0  }
0x7a: {  	s25 =	sadd.s32 $0x2980, s15;
	s4 =	simm.s32 @!p1 $0x10;
	[sflag:s31] =	ssyncadd.s32 $0xFFFFF800  }
0x7b: {  	[spmem:s3] =	stream.indirect.scatter.add.f32 [tilespmem:s26], [sflag:$0xC], $0x10, s25, s20, $0xb8;
	[tilespmem:$0x10800] =	vst v63  }
0x7c: {  	_ =	swait.ge @!p1 [sflag:s4], $0x800  }
0x7d: {  	[sflag:s4] =	ssyncset.done @!p1 $0x0  }
0x7e: {  	s7 =	sadd.s32 $0x380, s15;
	[sflag:s4] =	ssyncadd.s32 @!p1 $0xFFFFF800  }
0x7f: {  	[tilespmem:s0], [sflag:$0x8] =	stream.indirect.gather [spmem:s2], $0x10, s7, s20, $0xb8;
	[tilespmem:$0x10800] =	vst v63  }
0x80: {  	_ =	swait.ge [sflag:s1], $0x800  }
0x81: {  	p1 =	seq.s32 s14, $0x9000;
	[sflag:s1] =	ssyncset.done $0x0  }
0x82: {  	s8 =	sadd.s32 $0x2A00, s15;
	s4 =	simm.s32 @p1 $0x6;
	[sflag:s1] =	ssyncadd.s32 $0xFFFFF800  }
0x83: {  	[spmem:s3] =	stream.indirect.scatter.add.f32 [tilespmem:s28], [sflag:$0xD], $0x10, s8, s20, $0xb8;
	[tilespmem:$0x10800] =	vst v63  }
0x84: {  	_ =	swait.ge @p1 [sflag:s4], $0x800  }
0x85: {  	[sflag:s4] =	ssyncset.done @p1 $0x0  }
0x86: {  	[sflag:s4] =	ssyncadd.s32 @p1 $0xFFFFF800;
	s4 =	sshra.s32 @p1 s14, $0x2  }
0x87: {  	s25 =	simm.s32 @p1 $0x7800;
	s8 =	simm.s32 @p1 $0x80;
	s4 =	sadd.s32 @p1 $0x2A80, s4  }
0x88: {  	[spmem:s3] =	stream.indirect.scatter.add.f32 @p1 [tilespmem:s25], [sflag:$0xE], $0x10, s4, s8, $0xb8;
	[tilespmem:$0x10800] =	vst v63  }
0x89: {  	s4 =	simm.s32 @!p1 $0x9  }
0x8a: {  	_ =	swait.ge @!p1 [sflag:s4], $0x800  }
0x8b: {  	[sflag:s4] =	ssyncset.done @!p1 $0x0  }
0x8c: {  	[sflag:s4] =	ssyncadd.s32 @!p1 $0xFFFFF800;
	s4 =	sshra.s32 @!p1 s14, $0x2  }
0x8d: {  	s7 =	simm.s32 @!p1 $0x5000;
	s25 =	simm.s32 @!p1 $0x80;
	s8 =	sadd.s32 @!p1 $0x400, s4  }
0x8e: {  	[tilespmem:s7], [sflag:$0x1] =	stream.indirect.gather @!p1 [spmem:s2], $0x10, s8, s25, $0xb8;
	[tilespmem:$0x10800] =	vst v63  }
0x8f: {  	s7 =	simm.s32 @!p1 $0x6  }
0x90: {  	_ =	swait.ge @!p1 [sflag:s7], $0x800  }
0x91: {  	[sflag:s7] =	ssyncset.done @!p1 $0x0  }
0x92: {  	s8 =	simm.s32 @!p1 $0x7800;
	[sflag:s7] =	ssyncadd.s32 @!p1 $0xFFFFF800;
	s7 =	sadd.s32 @!p1 $0x2A80, s4  }
0x93: {  	[spmem:s3] =	stream.indirect.scatter.add.f32 @!p1 [tilespmem:s8], [sflag:$0xE], $0x10, s7, s25, $0xb8;
	[tilespmem:$0x10800] =	vst v63  }
0x94: {  	s7 =	simm.s32 @!p1 $0xA  }
0x95: {  	_ =	swait.ge @!p1 [sflag:s7], $0x800  }
0x96: {  	[sflag:s7] =	ssyncset.done @!p1 $0x0  }
0x97: {  	s4 =	sadd.s32 @!p1 $0x480, s4;
	[sflag:s7] =	ssyncadd.s32 @!p1 $0xFFFFF800;
	s7 =	simm.s32 @!p1 $0x5800  }
0x98: {  	[tilespmem:s7], [sflag:$0x2] =	stream.indirect.gather @!p1 [spmem:s2], $0x10, s4, s25, $0xb8;
	[tilespmem:$0x10800] =	vst v63  }
.Ltmp5:
0x99: {  	_ = 	snop;
	(pc) =	sbr.rel @p1 .LBB2_9-.Ltmp5, $4  }
0x9a: {  	_ =	swait.ge [sflag:s13], $0x800  }
0x9b: {  	[sflag:s13] =	ssyncset.done $0x0  }
0x9c: {  	s25 =	sadd.s32 $0x2B00, s15;
	s4 =	sadd.s32 $0x2B80, s15;
	[sflag:s13] =	ssyncadd.s32 $0xFFFFF800  }
0x9d: {  	[spmem:s3] =	stream.indirect.scatter.add.f32 [tilespmem:s30], [sflag:$0xF], $0x10, s25, s20, $0xb8;
	[tilespmem:$0x10800] =	vst v63  }
0x9e: {  	_ =	swait.ge [sflag:s5], $0x800  }
0x9f: {  	[sflag:s5] =	ssyncset.done $0x0  }
0xa0: {  	s7 =	sadd.s32 $0x500, s15;
	[sflag:s5] =	ssyncadd.s32 $0xFFFFF800  }
0xa1: {  	[tilespmem:s24], [sflag:$0x3] =	stream.indirect.gather [spmem:s2], $0x10, s7, s20, $0xb8;
	[tilespmem:$0x10800] =	vst v63  }
0xa2: {  	_ =	swait.ge [sflag:s23], $0x800  }
0xa3: {  	[sflag:s23] =	ssyncset.done $0x0  }
0xa4: {  	[sflag:s23] =	ssyncadd.s32 $0xFFFFF800  }
0xa5: {  	[spmem:s3] =	stream.indirect.scatter.add.f32 [tilespmem:s0], [sflag:$0x10], $0x10, s4, s20, $0xb8;
	[tilespmem:$0x10800] =	vst v63  }
.Ltmp6:
0xa6: {  	_ = 	snop;
	(pc) =	sbr.rel .LBB2_7-.Ltmp6, $4  }
0xa7: {  	_ =	swait.ge [sflag:s11], $0x800  }
0xa8: {  	[sflag:s11] =	ssyncset.done $0x0  }
0xa9: {  	s25 =	sadd.s32 $0x580, s15;
	s14 =	sadd.s32 $0x1000, s14;
	[sflag:s11] =	ssyncadd.s32 $0xFFFFF800  }
0xaa: {  	[tilespmem:s26], [sflag:$0x4] =	stream.indirect.gather [spmem:s2], $0x10, s25, s20, $0xb8;
	[tilespmem:$0x10800] =	vst v63  }
.LBB2_10:
0xab: {  	_ =	sfence.sel $0x180000  }
0xac: {  	[bflag:$0x0] =	sbarrier.arrive $0xFFFF  }
0xad: {  	_ =	strace $0x9000004D  }
0xae: {  	s0 =	stileid.u32;
	[bflag:$0x2] =	sbarrier.arrive $0xFFFF  }
0xaf: {  	p0 =	sne.s32 s0, $0x0;
	s0 =	rddreg [dreg:$0x4]  }
0xb0: {  	s0 =	sadd.s32 @!p0 $0x100000, s0  }
0xb1: {  	[sflag:s0] =	ssyncadd.tile.s32 @!p0 $0x1;
	_ =	shalt  }
.Lfunc_end2:
_tile_overlayer_lowered:
.L_overlay_start_2:
0xb2: {  	(tag) =	ssettag $0x2  }
0xb3: {  	s0 =	rddreg [dreg:$0x0];
	s2 =	stileid.u32  }
0xb4: {  	s1 =	rddreg [dreg:$0x1];
	p0 =	sne.s32 s2, $0x0  }
0xb5: {  	s3 =	rddreg [dreg:$0x2];
	[bflag:$0x3] =	sbarrier.arrive $0xFFFF;
	s2 =	simm.s32 @!p0 $0x1C11  }
0xb6: {  	[timem:s3], [sflag:s2] =	dma.local @!p0 [hbm:s0], s1  }
0xb7: {  	s0 =	simm.s32 @!p0 $0x11  }
0xb8: {  	_ =	swait.ge @!p0 [sflag:s0], s1  }
0xb9: {  	s1 =	ssub.s32 @!p0 $0x0, s1;
	[sflag:s0] =	ssyncset.done @!p0 $0x0  }
0xba: {  	[sflag:s0] =	ssyncadd.s32 @!p0 s1  }
0xbb: {  	[bflag:$0x3] =	sbarrier.arrive $0xFFFF  }
0xbc: {  	_ =	shalt  }

// kernel: kernel.9.cloned.1.call-start
scs
__scs_entry_jumppad:
0x0: {  	(pc) =	sbr.rel $0x88, $3  }
0x1: {  	(tag) =	ssettag $0x0;
	lr =	simm.s32 $0x1  }
0x2: {  	[smem:$0x3F9B] =	sst lr;
	_ =	strace $0xD0000000  }
0x3: {  	_ = 	snop  }
0x4: {  	_ = 	snop  }
0x5: {  	_ = 	snop  }
0x6: {  	_ = 	snop  }
0x7: {  	_ = 	snop  }
__scs_overlays_trampoline_lowered:
0x8: {  	[smem:$0x3FAA] =	sst s0  }
0x9: {  	[smem:$0x3FAB] =	sst s1  }
0xa: {  	[smem:$0x3FAC] =	sst s2  }
0xb: {  	[smem:$0x3FAD] =	sst s3  }
0xc: {  	[smem:$0x3FAE] =	sst s4  }
0xd: {  	[smem:$0x3FAF] =	sst s5  }
0xe: {  	[smem:$0x3FB0] =	sst s6  }
0xf: {  	[smem:$0x3FB1] =	sst s7  }
0x10: {  	[smem:$0x3FB2] =	sst s8  }
0x11: {  	[smem:$0x3FB3] =	sst s9;
	s0 =	simm.s32 @!p0 $0x0  }
0x12: {  	s1 =	sld [smem:$0x3F99];
	s0 =	simm.s32 @p0 $0x1  }
0x13: {  	[smem:$0x3FB4] =	sst s0;
	s0 =	simm.s32 @!p1 $0x0  }
0x14: {  	s2 =	sld [smem:$0x3F98];
	s0 =	simm.s32 @p1 $0x1  }
0x15: {  	[smem:$0x3FB5] =	sst s0;
	s0 =	simm.s32 @!p2 $0x0  }
0x16: {  	s3 =	sld [smem:$0x3FDB];
	s0 =	simm.s32 @p2 $0x1  }
0x17: {  	s4 =	simm.s32 $0x1BF5;
	[smem:$0x3FB7] =	sst s0  }
0x18: {  	s0 =	sld [smem:$0x3F9A];
	_ =	swait.ge [sflag:s4], $0x0  }
0x19: {  	s7 =	sld [smem:$0x3F9B]  }
0x1a: {  	s8 =	sadd.s32 $0xFFFFE003, lr  }
0x1b: {  	s9 =	sadd.s32 $0xFFFFFEF7, lr;
	s5 =	simm.s32 $0xFFFFFFFF;
	p2 =	slt.u32 s8, $0xFFFFF086  }
0x1c: {  	p1 =	slt.u32 s9, $0xF7A;
	s5 =	simm.s32 @!p2 $0x0  }
0x1d: {  	s5 =	simm.s32 @p1 $0x1;
	p0 =	seq.s32 s7, s2  }
0x1e: {  	s7 =	smul.u32 @!p0 $0xF7A, s2;
	p2 =	seq.s32 @!p0 s5, $0x0  }
0x1f: {  	s9 =	smul.u32 $0xF7A, s1;
	s8 =	simm.s32 @!p0 $0x1BF5;
	p2 =	por !p2, p0  }
0x20: {  	[sflag:s8] =	ssyncset.s32 @!p0 $0xFFFFF086;
	s6 =	sadd.s32 @!p0 s3, s7;
	s7 =	simm.s32 @!p0 $0x108  }
0x21: {  	s3 =	sadd.s32 s3, s9;
	s6 =	sadd.s32 @!p0 $0x88, s6;
	s7 =	simm.s32 @p2 $0x1082  }
0x22: {  	[simem:s7], [sflag:s8] =	dma.local @!p0 [hbm:s6], $0xF7A  }
0x23: {  	s9 =	sor.u32 $0xD0000000, s2;
	s6 =	simm.s32 $0x108;
	_ =	swait.ge @!p0 [sflag:s8], $0x0  }
0x24: {  	s3 =	sadd.s32 $0x88, s3;
	s6 =	simm.s32 @!p1 $0x1082;
	[sflag:s4] =	ssyncset.s32 $0xFFFFF086  }
0x25: {  	[simem:s6], [sflag:s4] =	dma.local [hbm:s3], $0xF7A  }
0x26: {  	[smem:$0x3F9B] =	sst s1;
	(tag) =	ssettag s2;
	_ =	strace s9  }
0x27: {  	s1 =	sld [smem:$0x3FAB]  }
0x28: {  	s2 =	sld [smem:$0x3FAC]  }
0x29: {  	s4 =	sld [smem:$0x3FAE]  }
0x2a: {  	p0 =	seq.s32 s5, $0x0;
	s5 =	sld [smem:$0x3FAF]  }
0x2b: {  	s6 =	sld [smem:$0x3FB0]  }
0x2c: {  	s7 =	sld [smem:$0x3FB1]  }
0x2d: {  	s3 =	simm.s32 $0x108;
	s8 =	sld [smem:$0x3FB2]  }
0x2e: {  	s3 =	simm.s32 @!p0 $0x1082;
	s9 =	sld [smem:$0x3FB3]  }
0x2f: {  	lr =	sadd.s32 s0, s3;
	s0 =	sld [smem:$0x3FAA]  }
0x30: {  	s3 =	sld [smem:$0x3FAD]  }
0x31: {  	[smem:$0x3FB6] =	sst s10  }
0x32: {  	s10 =	sld [smem:$0x3FB4];
	_ =	sdelay $0x3  }
0x33: {  	p0 =	seq.s32 s10, $0x1;
	s10 =	sld [smem:$0x3FB6];
	_ =	sdelay $0x3  }
0x34: {  	[smem:$0x3FB6] =	sst s10  }
0x35: {  	s10 =	sld [smem:$0x3FB5];
	_ =	sdelay $0x3  }
0x36: {  	p1 =	seq.s32 s10, $0x1;
	s10 =	sld [smem:$0x3FB6];
	_ =	sdelay $0x3  }
0x37: {  	[smem:$0x3FB6] =	sst s10  }
0x38: {  	s10 =	sld [smem:$0x3FB7]  }
0x39: {  	_ = 	snop;
	(pc) =	sbr.ind lr, $3  }
0x3a: {  	_ = 	snop  }
0x3b: {  	_ = 	snop  }
0x3c: {  	p2 =	seq.s32 s10, $0x1;
	s10 =	sld [smem:$0x3FB6]  }
0x3d: {  	_ =	shalt  }
0x3e: {  	_ =	shalt  }
0x3f: {  	_ =	shalt  }
0x40: {  	_ =	shalt  }
0x41: {  	_ =	shalt  }
0x42: {  	_ =	shalt  }
0x43: {  	_ =	shalt  }
0x44: {  	_ =	shalt  }
0x45: {  	_ =	shalt  }
0x46: {  	_ =	shalt  }
0x47: {  	_ =	shalt  }
0x48: {  	_ =	shalt  }
0x49: {  	_ =	shalt  }
0x4a: {  	_ =	shalt  }
0x4b: {  	_ =	shalt  }
0x4c: {  	_ =	shalt  }
0x4d: {  	_ =	shalt  }
0x4e: {  	_ =	shalt  }
0x4f: {  	_ =	shalt  }
0x50: {  	_ =	shalt  }
0x51: {  	_ =	shalt  }
0x52: {  	_ =	shalt  }
0x53: {  	_ =	shalt  }
0x54: {  	_ =	shalt  }
0x55: {  	_ =	shalt  }
0x56: {  	_ =	shalt  }
0x57: {  	_ =	shalt  }
0x58: {  	_ =	shalt  }
0x59: {  	_ =	shalt  }
0x5a: {  	_ =	shalt  }
0x5b: {  	_ =	shalt  }
0x5c: {  	_ =	shalt  }
0x5d: {  	_ =	shalt  }
0x5e: {  	_ =	shalt  }
0x5f: {  	_ =	shalt  }
0x60: {  	_ =	shalt  }
0x61: {  	_ =	shalt  }
0x62: {  	_ =	shalt  }
0x63: {  	_ =	shalt  }
0x64: {  	_ =	shalt  }
0x65: {  	_ =	shalt  }
0x66: {  	_ =	shalt  }
0x67: {  	_ =	shalt  }
0x68: {  	_ =	shalt  }
0x69: {  	_ =	shalt  }
0x6a: {  	_ =	shalt  }
0x6b: {  	_ =	shalt  }
0x6c: {  	_ =	shalt  }
0x6d: {  	_ =	shalt  }
0x6e: {  	_ =	shalt  }
0x6f: {  	_ =	shalt  }
0x70: {  	_ =	shalt  }
0x71: {  	_ =	shalt  }
0x72: {  	_ =	shalt  }
0x73: {  	_ =	shalt  }
0x74: {  	_ =	shalt  }
0x75: {  	_ =	shalt  }
0x76: {  	_ =	shalt  }
0x77: {  	_ =	shalt  }
0x78: {  	_ =	shalt  }
0x79: {  	_ =	shalt  }
0x7a: {  	_ =	shalt  }
0x7b: {  	_ =	shalt  }
0x7c: {  	_ =	shalt  }
0x7d: {  	_ =	shalt  }
0x7e: {  	_ =	shalt  }
0x7f: {  	_ =	shalt  }
0x80: {  	_ =	shalt  }
0x81: {  	_ =	shalt  }
0x82: {  	_ =	shalt  }
0x83: {  	_ =	shalt  }
0x84: {  	_ =	shalt  }
0x85: {  	_ =	shalt  }
0x86: {  	_ =	shalt  }
0x87: {  	_ =	shalt  }
.Lfunc_end0:
.L_simem_size_0:
called_computation_lowered:
.L_overlay_start_0:
0x88: {  	s2 =	sld [smem:$0x3FD9]  }
0x89: {  	s3 =	sld [smem:$0x3FFE];
	_ =	sdelay $0x1  }
0x8a: {  	s1 =	srdreg.scid  }
0x8b: {  	s0 =	sand.u32 $0x1, s1  }
0x8c: {  	s17 =	sshll.u32 s0, $0xA;
	s2 =	sadd.s32 s3, s2  }
0x8d: {  	s2 =	sadd.s32 s2, s17  }
0x8e: {  	[smem:$0x3FC2] =	sst s2  }
0x8f: {  	_ = 	snop  }
0x90: {  	s2 =	sld [smem:$0x3FD0];
	(tm) =	ssettm $0x1  }
0x91: {  	s18 =	sld [smem:$0x3FFB];
	_ =	sdelay $0x3  }
0x92: {  	_ =	strace s18  }
0x93: {  	s3 =	sld [smem:$0x3FFC];
	_ =	sdelay $0x3  }
0x94: {  	_ =	strace s3  }
0x95: {  	s3 =	sld [smem:$0x3FFD];
	_ =	sdelay $0x3  }
0x96: {  	_ =	strace s3  }
0x97: {  	_ =	strace $0x8FFFFFFF  }
0x98: {  	s19 =	sld [smem:$0x3FDB];
	_ =	sdelay $0x1  }
0x99: {  	s4 =	simm.s32 $_scs_section_size  }
0x9a: {  	s5 =	simm.s32 $_size__tile_overlayer_lowered;
	s6 =	simm.s32 $_tile_overlayer_lowered  }
0x9b: {  	s22 =	simm.s32 $0x1BFF;
	s21 =	sshll.u32 s6, $0x1;
	s3 =	sadd.s32 s4, s19  }
0x9c: {  	s7 =	simm.s32 $0x0;
	s20 =	sshll.u32 s5, $0x1;
	s5 =	sadd.s32 s21, s3  }
0x9d: {  	[timem:s7], [sflag:s22] =	dma.local [hbm:s5], s20  }
0x9e: {  	_ =	swait.ge [sflag:s22], s20  }
0x9f: {  	s4 =	ssub.s32 $0x0, s20;
	[sflag:s22] =	ssyncset.done $0x0  }
0xa0: {  	[sflag:s22] =	ssyncadd.s32 s4;
	_ =	sdelay $0x1  }
0xa1: {  	s23 =	simm.s32 $0x1B8B  }
0xa2: {  	_ =	swait.ge [sflag:s23], $0x1  }
0xa3: {  	[sflag:s23] =	ssyncset.done $0x0  }
0xa4: {  	s25 =	simm.s32 $0x1B8E;
	s24 =	sld [smem:$0x3FFE];
	[sflag:s23] =	ssyncadd.s32 $0xFFFFFFFF  }
0xa5: {  	s26 =	simm.s32 $execute0_lowered;
	[smem:$0x3FD2] =	sst s25  }
0xa6: {  	s5 =	sshll.u32 s26, $0x1;
	_ =	strace $0x80000046;
	[dreg:$0x1] =	wrdreg $0xFFFFFFFF  }
0xa7: {  	s28 =	simm.s32 $_size_execute0_lowered;
	s3 =	sadd.s32 s3, s5;
	[dreg:$0x0] =	wrdreg $0x0  }
0xa8: {  	s5 =	sshll.u32 s28, $0x1;
	[dreg:$0x2] =	wrdreg s3  }
0xa9: {  	[dreg:$0x3] =	wrdreg s5  }
0xaa: {  	[dreg:$0x4] =	wrdreg $0xC0  }
0xab: {  	_ =	task [dreg:s7], $0x5FFFF  }
0xac: {  	[dreg:$0x1] =	wrdreg $0xFFFFFFFF  }
0xad: {  	[dreg:$0x0] =	wrdreg $0x60  }
0xae: {  	[dreg:$0x2] =	wrdreg s2  }
0xaf: {  	[dreg:$0x3] =	wrdreg s24  }
0xb0: {  	[dreg:$0x4] =	wrdreg $0x68400  }
0xb1: {  	[dreg:$0x5] =	wrdreg $0x9  }
0xb2: {  	_ =	task.clear_ibuf [dreg:s7], $0x6FFFF;
	_ =	strace $0x90000046  }
0xb3: {  	s29 =	simm.s32 $0x9;
	_ =	strace $0x80000048  }
0xb4: {  	_ =	swait.ge [sflag:s29], $0x1  }
0xb5: {  	[sflag:s29] =	ssyncadd.s32 $0xFFFFFFFF  }
0xb6: {  	_ =	strace $0x90000048  }
0xb7: {  	_ =	sfence  }
0xb8: {  	s30 =	sld [smem:$0x0];
	_ =	sdelay $0x2  }
0xb9: {  	s31 =	sshll.u32 s1, $0xD;
	s1 =	sshrl.u32 s1, $0x2  }
0xba: {  	s3 =	sand.u32 $0x4000, s31;
	s1 =	sadd.s32 s1, s30  }
0xbb: {  	s0 =	sor.u32 s3, s0;
	s1 =	sshll.u32 s1, $0x11  }
0xbc: {  	s0 =	sor.u32 s1, s0  }
0xbd: {  	s0 =	sadd.s32 $0x8F2B, s0  }
0xbe: {  	[sflag:s0] =	ssyncadd.remote.s32 $0x1  }
0xbf: {  	_ =	sfence.sel $0xFFFF  }
0xc0: {  	[dreg:$0x0] =	wrdreg $0xFFFFFFFF;
	(pc) =	sbr.abs _section_cstart, $3  }
0xc1: {  	[dreg:$0x1] =	wrdreg $0xFFFFFFFF  }
0xc2: {  	_ =	task.clear_ibuf [dreg:s7], $0x2FFFF;
	_ =	strace $0x9FFFFFFF  }
0xc3: {  	(tm) =	ssettm $0x7FFFFFFF  }
tec
execute0_lowered:
.L_overlay_start_1:
0x0: {  	(tag) =	ssettag $0x1  }
0x1: {  	s4 =	rddreg [dreg:$0x0]  }
0x2: {  	s5 =	rddreg [dreg:$0x1];
	s0 =	srdreg.scid  }
0x3: {  	s2 =	rddreg [dreg:$0x2];
	s1 =	stileid.u32  }
0x4: {  	s3 =	simm.s32 $0x0;
	s12 =	simm.s32 $0x2800;
	s13 =	simm.s32 $0x80  }
0x5: {  	s14 =	simm.s32 $0x5000;
	s15 =	simm.s32 $0x1;
	s16 =	simm.s32 $0x5300  }
0x6: {  	s17 =	simm.s32 $0x5440;
	s18 =	simm.s32 $0x0;
	s8 =	smul.u32 $0x140, s1  }
0x7: {  	s6 =	sand.u32 $0x1, s0;
	s0 =	rddreg [dreg:$0x3];
	s10 =	smul.u32 $0xA00, s1  }
0x8: {  	[smem:$0x7FF] =	sst s3;
	s7 =	smul.u32 $0x1400, s6;
	s6 =	ssub.s32 $0x2, s6  }
0x9: {  	s28 =	smul.u32 $0x5000, s1;
	_ =	strace $0x80000047;
	s29 =	sshrl.u32 s6, $0x1  }
0xa: {  	s30 =	sshrl.u32 s10, $0x2;
	s10 =	simm.s32 $0x5080;
	s7 =	sadd.s32 s8, s7  }
0xb: {  	s8 =	sshrl.u32 s28, $0x3;
	s11 =	ssub.s32 s6, s29;
	s9 =	sshll.u32 s7, $0x1  }
0xc: {  	s31 =	sadd.s32 s4, s8;
	s4 =	sadd.s32 s30, s2;
	s7 =	sadd.s32 s7, s2  }
0xd: {  	s9 =	sadd.s32 s9, s5;
	s5 =	sadd.s32 $0xA000, s31;
	s6 =	sadd.s32 $0xA500, s31  }
0xe: {  	v0 =	vimm.f32 $1.000000000e+00;
	v1 =	vimm.f32 $0.0e+00;
	s8 =	sadd.s32 $0x2600, s9;
	s9 =	smax.u32 s11, $0x1;
	s11 =	simm.s32 $0x2  }
.LBB2_1:
0xf: {  	[tilespmem:$0x5000] =	vst v0  }
0x10: {  	[tilespmem:$0x5010] =	vst v0  }
0x11: {  	[tilespmem:$0x5020] =	vst v0  }
0x12: {  	[tilespmem:$0x5030] =	vst v0  }
0x13: {  	[tilespmem:$0x5040] =	vst v0  }
0x14: {  	[tilespmem:$0x5050] =	vst v0  }
0x15: {  	[tilespmem:$0x5060] =	vst v0  }
0x16: {  	[tilespmem:$0x5070] =	vst v0  }
0x17: {  	[tilespmem:$0x5080] =	vst v1  }
0x18: {  	[tilespmem:$0x5090] =	vst v1  }
0x19: {  	[tilespmem:$0x50A0] =	vst v1  }
0x1a: {  	[tilespmem:$0x50B0] =	vst v1  }
0x1b: {  	[tilespmem:$0x50C0] =	vst v1  }
0x1c: {  	[tilespmem:$0x50D0] =	vst v1  }
0x1d: {  	[tilespmem:$0x50E0] =	vst v1  }
0x1e: {  	[tilespmem:$0x50F0] =	vst v1  }
0x1f: {  	[tilespmem:$0x5100] =	vst v1  }
0x20: {  	[tilespmem:$0x5110] =	vst v1  }
0x21: {  	[tilespmem:$0x5120] =	vst v1  }
0x22: {  	[tilespmem:$0x5130] =	vst v1  }
0x23: {  	[tilespmem:$0x5140] =	vst v1  }
0x24: {  	[tilespmem:$0x5150] =	vst v1  }
0x25: {  	[tilespmem:$0x5160] =	vst v1  }
0x26: {  	[tilespmem:$0x5170] =	vst v1  }
0x27: {  	[tilespmem:$0x5180] =	vst v1  }
0x28: {  	[tilespmem:$0x5190] =	vst v1  }
0x29: {  	[tilespmem:$0x51A0] =	vst v1  }
0x2a: {  	[tilespmem:$0x51B0] =	vst v1  }
0x2b: {  	[tilespmem:$0x51C0] =	vst v1  }
0x2c: {  	[tilespmem:$0x51D0] =	vst v1  }
0x2d: {  	[tilespmem:$0x51E0] =	vst v1  }
0x2e: {  	[tilespmem:$0x51F0] =	vst v1  }
0x2f: {  	[tilespmem:$0x5200] =	vst v1  }
0x30: {  	[tilespmem:$0x5210] =	vst v1  }
0x31: {  	[tilespmem:$0x5220] =	vst v1  }
0x32: {  	[tilespmem:$0x5230] =	vst v1  }
0x33: {  	[tilespmem:$0x5240] =	vst v1  }
0x34: {  	[tilespmem:$0x5250] =	vst v1  }
0x35: {  	[tilespmem:$0x5260] =	vst v1  }
0x36: {  	[tilespmem:$0x5270] =	vst v1  }
0x37: {  	[tilespmem:$0x5280] =	vst v1  }
0x38: {  	[tilespmem:$0x5290] =	vst v1  }
0x39: {  	[tilespmem:$0x52A0] =	vst v1  }
0x3a: {  	[tilespmem:$0x52B0] =	vst v1  }
0x3b: {  	[tilespmem:$0x52C0] =	vst v1  }
0x3c: {  	[tilespmem:$0x52D0] =	vst v1  }
0x3d: {  	[tilespmem:$0x52E0] =	vst v1  }
0x3e: {  	[tilespmem:$0x52F0] =	vst v1  }
0x3f: {  	[spmem:s4] =	stream.linear.scatter [tilespmem:s10], [sflag:$0x2], $0x280, $0x38;
	[tilespmem:$0x6AC0] =	vst v63  }
0x40: {  	_ =	swait.ge [sflag:s11], $0x280  }
0x41: {  	[sflag:s11] =	ssyncset.done $0x0  }
0x42: {  	[sflag:s11] =	ssyncadd.s32 $0xFFFFFD80  }
0x43: {  	[tilespmem:s3], [sflag:$0x2] =	stream.linear.gather [hbm4b:s5+s3], $0x2800, $0x38;
	[tilespmem:$0x6AC0] =	vst v63  }
0x44: {  	_ =	swait.ge [sflag:s11], $0x2800  }
0x45: {  	[sflag:s11] =	ssyncset.done $0x0  }
0x46: {  	[sflag:s11] =	ssyncadd.s32 $0xFFFFD800  }
0x47: {  	[tilespmem:s12], [sflag:$0x2] =	stream.linear.gather [hbm4b:s6+s3], $0x2800, $0x38;
	[tilespmem:$0x6AC0] =	vst v63  }
0x48: {  	_ =	swait.ge [sflag:s11], $0x2800  }
0x49: {  	[sflag:s11] =	ssyncset.done $0x0  }
0x4a: {  	[sflag:s11] =	ssyncadd.s32 $0xFFFFD800  }
0x4b: {  	s19 =	simm.s32 $0x0;
	[bflag:$0x0] =	sbarrier.arrive $0xFFFF  }
.LBB2_2:
0x4c: {  	p0 =	sne.s32 s19, $0x13E00  }
.Ltmp0:
0x4d: {  	_ = 	snop;
	(pc) =	sbr.rel @p0 .LBB2_2-.Ltmp0, $3  }
0x4e: {  	_ =	sdelay $0x1  }
0x4f: {  	s20 =	sshra.s32 s19, $0x2;
	s19 =	sadd.s32 $0x200, s19  }
0x50: {  	[spmem:s2] =	stream.indirect.scatter.add.f32 [tilespmem:s14], [sflag:$0x1], $0x1, s20, s13, $0xb8;
	[tilespmem:$0x6AC0] =	vst v63  }
0x51: {  	_ =	swait.ge [sflag:s15], $0x80  }
0x52: {  	s19 =	simm.s32 $0x9F;
	[sflag:s15] =	ssyncset.done $0x0  }
.LBB2_4:
0x53: {  	p0 =	sne.s32 s19, $0x1;
	s19 =	sadd.s32 $0xFFFFFFFF, s19;
	[sflag:s15] =	ssyncadd.s32 $0xFFFFFF80  }
.Ltmp1:
0x54: {  	(pc) =	sbr.rel @p0 .LBB2_4-.Ltmp1, $3  }
0x55: {  	_ =	sdelay $0x1  }
0x56: {  	_ =	swait.ge [sflag:s15], $0x80  }
0x57: {  	[sflag:s15] =	ssyncset.done $0x0  }
0x58: {  	[sflag:s15] =	ssyncadd.s32 $0xFFFFFF80  }
0x59: {  	[bflag:$0x0] =	sbarrier.arrive $0xFFFF  }
0x5a: {  	[tilespmem:s16], [sflag:$0x2] =	stream.linear.gather [spmem:s7], $0x140, $0x38;
	[tilespmem:$0x6AC0] =	vst v63  }
0x5b: {  	_ =	swait.ge [sflag:s11], $0x140  }
0x5c: {  	[sflag:s11] =	ssyncset.done $0x0  }
0x5d: {  	s19 =	simm.s32 $0x0;
	s20 =	simm.s32 $0x40;
	[sflag:s11] =	ssyncadd.s32 $0xFFFFFEC0  }
.LBB2_6:
0x5e: {  	p0 =	sne.s32 s20, $0x4C0;
	v2 =	vld [tilespmem:s19+$0x5300];
	_ =	sdelay $0x4  }
0x5f: {  	v2 =	vadd.f32 $1.000000000e+00, v2;
	_ =	sdelay $0x1  }
0x60: {  	v3 =	vshra.s32 v2, $0x1;
	v2 =	vmul.f32 $5.000000000e-01, v2  }
0x61: {  	v3 =	vsub.s32 $0x5F3759DF, v3  }
0x62: {  	v4 =	vmul.f32 v3, v2;
	_ =	sdelay $0x1  }
0x63: {  	v4 =	vmul.f32 v3, v4;
	_ =	sdelay $0x1  }
0x64: {  	v4 =	vsub.f32 $1.500000000e+00, v4;
	_ =	sdelay $0x1  }
0x65: {  	v3 =	vmul.f32 v3, v4;
	_ =	sdelay $0x1  }
0x66: {  	v4 =	vmul.f32 v3, v2;
	_ =	sdelay $0x1  }
0x67: {  	v4 =	vmul.f32 v4, v3;
	_ =	sdelay $0x1  }
0x68: {  	v4 =	vsub.f32 $1.500000000e+00, v4;
	_ =	sdelay $0x1  }
0x69: {  	v3 =	vmul.f32 v4, v3;
	_ =	sdelay $0x1  }
0x6a: {  	v2 =	vmul.f32 v3, v2;
	_ =	sdelay $0x1  }
0x6b: {  	v2 =	vmul.f32 v2, v3;
	_ =	sdelay $0x1  }
.Ltmp2:
0x6c: {  	v2 =	vsub.f32 $1.500000000e+00, v2;
	(pc) =	sbr.rel @p0 .LBB2_6-.Ltmp2, $3  }
0x6d: {  	_ = 	snop  }
0x6e: {  	v2 =	vmul.f32 v2, v3;
	_ =	sdelay $0x1  }
0x6f: {  	[tilespmem:s19+$0x5300] =	vst v2;
	s19 =	sshra.s32 s20, $0x2;
	s20 =	sadd.s32 $0x40, s20  }
0x70: {  	v2 =	vld [tilespmem:s19+$0x5300];
	_ =	sdelay $0x4  }
0x71: {  	v2 =	vadd.f32 $1.000000000e+00, v2;
	_ =	sdelay $0x1  }
0x72: {  	v3 =	vshra.s32 v2, $0x1;
	v2 =	vmul.f32 $5.000000000e-01, v2  }
0x73: {  	v3 =	vsub.s32 $0x5F3759DF, v3  }
0x74: {  	v4 =	vmul.f32 v3, v2;
	_ =	sdelay $0x1  }
0x75: {  	v4 =	vmul.f32 v3, v4;
	_ =	sdelay $0x1  }
0x76: {  	v4 =	vsub.f32 $1.500000000e+00, v4;
	_ =	sdelay $0x1  }
0x77: {  	v3 =	vmul.f32 v3, v4;
	_ =	sdelay $0x1  }
0x78: {  	v4 =	vmul.f32 v3, v2;
	_ =	sdelay $0x1  }
0x79: {  	v4 =	vmul.f32 v4, v3;
	_ =	sdelay $0x1  }
0x7a: {  	v4 =	vsub.f32 $1.500000000e+00, v4;
	_ =	sdelay $0x1  }
0x7b: {  	v3 =	vmul.f32 v4, v3;
	_ =	sdelay $0x1  }
0x7c: {  	v2 =	vmul.f32 v3, v2;
	_ =	sdelay $0x1  }
0x7d: {  	v2 =	vmul.f32 v2, v3;
	_ =	sdelay $0x1  }
0x7e: {  	v2 =	vsub.f32 $1.500000000e+00, v2;
	_ =	sdelay $0x1  }
0x7f: {  	v2 =	vmul.f32 v2, v3;
	_ =	sdelay $0x1  }
0x80: {  	s31 =	simm.s32 $0x0;
	[tilespmem:s19+$0x5300] =	vst v2  }
0x81: {  	v2 =	vld [tilespmem:s31+$0x5300];
	_ =	sdelay $0x4  }
0x82: {  	v3 =	vbroadcast v2, $0x0  }
0x83: {  	s19 =	simm.s32 $0x54C0;
	v55 =	vbroadcast v2, $0x1  }
0x84: {  	v5 =	vbroadcast v2, $0x2;
	[tilespmem:s19+$0xFFFFFF80] =	vst v3  }
0x85: {  	v56 =	vbroadcast v2, $0x4;
	[tilespmem:s19+$0xFFFFFF90] =	vst v55  }
0x86: {  	v57 =	vbroadcast v2, $0x5;
	[tilespmem:s19+$0xFFFFFFA0] =	vst v5  }
0x87: {  	v58 =	vbroadcast v2, $0x7;
	[tilespmem:s19+$0xFFFFFFC0] =	vst v56  }
0x88: {  	v59 =	vbroadcast v2, $0x8;
	[tilespmem:s19+$0xFFFFFFD0] =	vst v57  }
0x89: {  	v60 =	vbroadcast v2, $0xA;
	[tilespmem:s19+$0xFFFFFFF0] =	vst v58  }
0x8a: {  	v3 =	vbroadcast v2, $0x3;
	[tilespmem:s19+$0x0] =	vst v59  }
0x8b: {  	v61 =	vbroadcast v2, $0xB;
	[tilespmem:s19+$0x20] =	vst v60  }
0x8c: {  	[tilespmem:s19+$0xFFFFFFB0] =	vst v3;
	v3 =	vbroadcast v2, $0x6  }
0x8d: {  	v62 =	vbroadcast v2, $0xD;
	[tilespmem:s19+$0x30] =	vst v61  }
0x8e: {  	[tilespmem:s19+$0xFFFFFFE0] =	vst v3;
	v3 =	vbroadcast v2, $0x9  }
0x8f: {  	v63 =	vbroadcast v2, $0xE;
	[tilespmem:s19+$0x50] =	vst v62  }
0x90: {  	[tilespmem:s19+$0x10] =	vst v3;
	v3 =	vbroadcast v2, $0xC  }
0x91: {  	[tilespmem:s19+$0x60] =	vst v63;
	v2 =	vbroadcast v2, $0xF  }
0x92: {  	[tilespmem:s19+$0x40] =	vst v3  }
0x93: {  	s21 =	simm.s32 $0x10;
	s20 =	simm.s32 $0x80;
	[tilespmem:s19+$0x70] =	vst v2  }
.LBB2_8:
0x94: {  	p0 =	sne.s32 s20, $0x4C0;
	v2 =	vld [tilespmem:s21+$0x5300];
	_ =	sdelay $0x4  }
0x95: {  	v3 =	vbroadcast v2, $0x0;
	v4 =	vbroadcast v2, $0x1  }
0x96: {  	s19 =	sadd.s32 $0x100, s19;
	v5 =	vbroadcast v2, $0x2;
	v6 =	vbroadcast v2, $0x3  }
0x97: {  	v7 =	vbroadcast v2, $0x5;
	[tilespmem:s19+$0xFFFFFF80] =	vst v3;
	v3 =	vbroadcast v2, $0x4  }
0x98: {  	v8 =	vbroadcast v2, $0x7;
	[tilespmem:s19+$0xFFFFFF90] =	vst v4;
	v4 =	vbroadcast v2, $0x6  }
0x99: {  	v9 =	vbroadcast v2, $0x9;
	[tilespmem:s19+$0xFFFFFFA0] =	vst v5;
	v5 =	vbroadcast v2, $0x8  }
0x9a: {  	v10 =	vbroadcast v2, $0xB;
	[tilespmem:s19+$0xFFFFFFB0] =	vst v6;
	v6 =	vbroadcast v2, $0xA  }
0x9b: {  	v11 =	vbroadcast v2, $0xD;
	[tilespmem:s19+$0xFFFFFFC0] =	vst v3;
	v3 =	vbroadcast v2, $0xC  }
0x9c: {  	[tilespmem:s19+$0xFFFFFFD0] =	vst v7;
	v7 =	vbroadcast v2, $0xE;
	v2 =	vbroadcast v2, $0xF  }
0x9d: {  	[tilespmem:s19+$0xFFFFFFE0] =	vst v4  }
0x9e: {  	[tilespmem:s19+$0xFFFFFFF0] =	vst v8  }
0x9f: {  	[tilespmem:s19+$0x0] =	vst v5  }
0xa0: {  	[tilespmem:s19+$0x10] =	vst v9  }
0xa1: {  	[tilespmem:s19+$0x20] =	vst v6  }
.Ltmp3:
0xa2: {  	[tilespmem:s19+$0x30] =	vst v10;
	(pc) =	sbr.rel @p0 .LBB2_8-.Ltmp3, $4  }
0xa3: {  	[tilespmem:s19+$0x40] =	vst v3  }
0xa4: {  	[tilespmem:s19+$0x50] =	vst v11  }
0xa5: {  	[tilespmem:s19+$0x60] =	vst v7  }
0xa6: {  	s21 =	sshra.s32 s20, $0x2;
	s20 =	sadd.s32 $0x40, s20;
	[tilespmem:s19+$0x70] =	vst v2  }
0xa7: {  	v2 =	vld [tilespmem:s21+$0x5300];
	_ =	sdelay $0x4  }
0xa8: {  	v3 =	vbroadcast v2, $0x0  }
0xa9: {  	s19 =	sadd.s32 $0x100, s19;
	v4 =	vbroadcast v2, $0x1  }
0xaa: {  	v5 =	vbroadcast v2, $0x2;
	[tilespmem:s19+$0xFFFFFF80] =	vst v3  }
0xab: {  	v56 =	vbroadcast v2, $0x4;
	[tilespmem:s19+$0xFFFFFF90] =	vst v4  }
0xac: {  	v57 =	vbroadcast v2, $0x5;
	[tilespmem:s19+$0xFFFFFFA0] =	vst v5  }
0xad: {  	v58 =	vbroadcast v2, $0x7;
	[tilespmem:s19+$0xFFFFFFC0] =	vst v56  }
0xae: {  	v59 =	vbroadcast v2, $0x8;
	[tilespmem:s19+$0xFFFFFFD0] =	vst v57  }
0xaf: {  	v60 =	vbroadcast v2, $0xA;
	[tilespmem:s19+$0xFFFFFFF0] =	vst v58  }
0xb0: {  	v3 =	vbroadcast v2, $0x3;
	[tilespmem:s19+$0x0] =	vst v59  }
0xb1: {  	v61 =	vbroadcast v2, $0xB;
	[tilespmem:s19+$0x20] =	vst v60  }
0xb2: {  	[tilespmem:s19+$0xFFFFFFB0] =	vst v3;
	v3 =	vbroadcast v2, $0x6  }
0xb3: {  	v62 =	vbroadcast v2, $0xD;
	[tilespmem:s19+$0x30] =	vst v61  }
0xb4: {  	[tilespmem:s19+$0xFFFFFFE0] =	vst v3;
	v3 =	vbroadcast v2, $0x9  }
0xb5: {  	v63 =	vbroadcast v2, $0xE;
	[tilespmem:s19+$0x50] =	vst v62  }
0xb6: {  	[tilespmem:s19+$0x10] =	vst v3;
	v3 =	vbroadcast v2, $0xC  }
0xb7: {  	s18 =	sadd.s32 $0x1, s18;
	[tilespmem:s19+$0x60] =	vst v63;
	v2 =	vbroadcast v2, $0xF  }
0xb8: {  	p0 =	sne.s32 s18, s9;
	[tilespmem:s19+$0x40] =	vst v3  }
.Ltmp4:
0xb9: {  	[tilespmem:s19+$0x70] =	vst v2;
	(pc) =	sbr.rel @p0 .LBB2_1-.Ltmp4, $4  }
0xba: {  	[hbm4b:s8+s3] =	stream.linear.scatter [tilespmem:s17], [sflag:$0x2], $0x1400, $0x38;
	[tilespmem:$0x6AC0] =	vst v63  }
0xbb: {  	_ =	swait.ge [sflag:s11], $0x1400  }
0xbc: {  	[sflag:s11] =	ssyncset.done $0x0  }
0xbd: {  	[sflag:s11] =	ssyncadd.s32 $0xFFFFEC00  }
0xbe: {  	_ =	sfence.sel $0x180000  }
0xbf: {  	[bflag:$0x0] =	sbarrier.arrive $0xFFFF  }
0xc0: {  	p0 =	sne.s32 s1, $0x0;
	_ =	strace $0x90000047  }
0xc1: {  	s0 =	sadd.s32 @!p0 $0x100000, s0;
	[bflag:$0x2] =	sbarrier.arrive $0xFFFF  }
0xc2: {  	[sflag:s0] =	ssyncadd.tile.s32 @!p0 $0x1;
	_ =	shalt  }
.Lfunc_end2:
_tile_overlayer_lowered:
.L_overlay_start_2:
0xc3: {  	(tag) =	ssettag $0x2  }
0xc4: {  	s0 =	rddreg [dreg:$0x0];
	s2 =	stileid.u32  }
0xc5: {  	s1 =	rddreg [dreg:$0x1];
	p0 =	sne.s32 s2, $0x0  }
0xc6: {  	s3 =	rddreg [dreg:$0x2];
	[bflag:$0x3] =	sbarrier.arrive $0xFFFF;
	s2 =	simm.s32 @!p0 $0x1C02  }
0xc7: {  	[timem:s3], [sflag:s2] =	dma.local @!p0 [hbm:s0], s1  }
0xc8: {  	s0 =	simm.s32 @!p0 $0x2  }
0xc9: {  	_ =	swait.ge @!p0 [sflag:s0], s1  }
0xca: {  	s1 =	ssub.s32 @!p0 $0x0, s1;
	[sflag:s0] =	ssyncset.done @!p0 $0x0  }
0xcb: {  	[sflag:s0] =	ssyncadd.s32 @!p0 s1  }
0xcc: {  	[bflag:$0x3] =	sbarrier.arrive $0xFFFF  }
0xcd: {  	_ =	shalt  }

</sc_bundles>
